<compile_context>
chip_gen: v7x
topology: tpu7x:2x2x1
jax: 0.10.2.dev20260603
libtpu: 0.0.44.dev20260713+nightly
codegen_flags: <defaults>
</compile_context>

<pallas_src>
import functools

import jax
import jax.numpy as jnp
from jax import lax
from jax.experimental import pallas as pl
from jax.experimental.pallas import tpu as pltpu
from jax.experimental.pallas import tpu_sc as plsc

N = 16384
W = 256
LANES = 16
NC = 2
NS = 16
NW = NC * NS

N_SC = 1024
N_TC = N - N_SC
RPW = N_SC // NW
CHUNK = min(128, RPW)
NCHUNK = RPW // CHUNK
WVEC = W // LANES

R_TC = 1024
assert N_TC % R_TC == 0 and RPW % 16 == 0 and RPW % CHUNK == 0


_GATHER_DNUMS = lax.GatherDimensionNumbers(
    offset_dims=(), collapsed_slice_dims=(0,), start_index_map=(0,))


def _lane_shuffle(x, idx):
    return lax.gather(x, idx[:, None], _GATHER_DNUMS, (1,),
                      mode=lax.GatherScatterMode.PROMISE_IN_BOUNDS)


def _combine(a, b, sh, lane_iota):
    fa = a + _lane_shuffle(a, lane_iota ^ sh)
    fb = b + _lane_shuffle(b, lane_iota ^ sh)
    return jnp.where((lane_iota & sh) == 0, fa, fb)


def _reduce_batch8(vs, lane_iota):
    for sh in (8, 4, 2):
        vs = [_combine(vs[2 * k], vs[2 * k + 1], sh, lane_iota)
              for k in range(len(vs) // 2)]
    return vs[0]


def _bitrev4(lane_iota):
    return (((lane_iota & 1) << 3) | ((lane_iota & 2) << 1)
            | ((lane_iota & 4) >> 1) | ((lane_iota & 8) >> 3))


def _finish16(za, zb, lane_iota, bitrev):
    z = _combine(za, zb, 1, lane_iota)
    return _lane_shuffle(z, bitrev)


def _sc_phase1(mem_hbm, key_hbm, dot_hbm, sq_hbm,
               key_v, buf0, buf1, dot_v, sq_v, sem0, sem1):
    wid = lax.axis_index("s") * NC + lax.axis_index("c")
    base = wid * RPW

    bufs = (buf0, buf1)
    sems = (sem0, sem1)
    copies = [None, None]
    copies[0] = pltpu.async_copy(mem_hbm.at[pl.ds(base, CHUNK)], buf0, sem0)
    pltpu.sync_copy(key_hbm, key_v)
    kv = [key_v[pl.ds(LANES * j, LANES)] for j in range(WVEC)]

    for c in range(NCHUNK):
        cur = c % 2
        if c + 1 < NCHUNK:
            copies[1 - cur] = pltpu.async_copy(
                mem_hbm.at[pl.ds(base + (c + 1) * CHUNK, CHUNK)],
                bufs[1 - cur], sems[1 - cur])
        copies[cur].wait()
        buf = bufs[cur]

        def group_body(g, _, buf=buf, off=c * CHUNK):
            lane_iota = lax.iota(jnp.int32, LANES)
            bitrev = _bitrev4(lane_iota)
            zd, zs = [], []
            for batch in range(2):
                daccs, saccs = [], []
                for i in range(8):
                    r = g * LANES + batch * 8 + i
                    v = buf[r, pl.ds(0, LANES)]
                    dacc = v * kv[0]
                    sacc = v * v
                    for j in range(1, WVEC):
                        v = buf[r, pl.ds(LANES * j, LANES)]
                        dacc = dacc + v * kv[j]
                        sacc = sacc + v * v
                    daccs.append(dacc)
                    saccs.append(sacc)
                zd.append(_reduce_batch8(daccs, lane_iota))
                zs.append(_reduce_batch8(saccs, lane_iota))
            dot_v[pl.ds(off + g * LANES, LANES)] = _finish16(
                zd[0], zd[1], lane_iota, bitrev)
            sq_v[pl.ds(off + g * LANES, LANES)] = _finish16(
                zs[0], zs[1], lane_iota, bitrev)
            return 0

        lax.fori_loop(0, CHUNK // LANES, group_body, 0)

    o1 = pltpu.async_copy(dot_v, dot_hbm.at[pl.ds(base, RPW)], sem0)
    o2 = pltpu.async_copy(sq_v, sq_hbm.at[pl.ds(base, RPW)], sem1)
    o1.wait()
    o2.wait()


_phase1_sc = functools.partial(
    pl.kernel,
    out_type=(jax.ShapeDtypeStruct((N_SC,), jnp.float32),
              jax.ShapeDtypeStruct((N_SC,), jnp.float32)),
    mesh=plsc.VectorSubcoreMesh(core_axis_name="c", subcore_axis_name="s"),
    scratch_types=(
        pltpu.VMEM((W,), jnp.float32),
        pltpu.VMEM((CHUNK, W), jnp.float32),
        pltpu.VMEM((CHUNK, W), jnp.float32),
        pltpu.VMEM((RPW,), jnp.float32),
        pltpu.VMEM((RPW,), jnp.float32),
        pltpu.SemaphoreType.DMA,
        pltpu.SemaphoreType.DMA,
    ),
)(_sc_phase1)


def _tc_phase1b(mem_ref, key_ref, dot_ref, sq_ref):
    mem = mem_ref[...]
    key8 = key_ref[...]
    ones8 = jnp.ones((W, 8), jnp.float32)
    dots = lax.dot_general(mem, key8, (((1,), (0,)), ((), ())),
                           preferred_element_type=jnp.float32)
    sq = lax.dot_general(mem * mem, ones8, (((1,), (0,)), ((), ())),
                         preferred_element_type=jnp.float32)
    dot_ref[0, 0, :] = dots.T[0]
    sq_ref[0, 0, :] = sq.T[0]


def _tc_phase2(dsc_ref, ssc_ref, dtc_ref, stc_ref, key_ref, strength_ref,
               agate_ref, wgate_ref, alloc_ref, out_ref):
    key = key_ref[...]
    key_norm = jnp.sqrt(jnp.sum(key * key))
    strength = strength_ref[0, 0]
    ag = agate_ref[0, 0]
    wg = wgate_ref[0, 0]

    def weighted(dots, sumsq):
        denom = jnp.maximum(jnp.sqrt(sumsq) * key_norm, 1e-8)
        return dots / denom * strength

    s_sc = weighted(dsc_ref[...], ssc_ref[...])
    s_tc = weighted(dtc_ref[...], stc_ref[...])
    m = jnp.maximum(jnp.max(s_sc), jnp.max(s_tc))
    e_sc = jnp.exp(s_sc - m)
    e_tc = jnp.exp(s_tc - m)
    z = jnp.sum(e_sc) + jnp.sum(e_tc)
    scale_a = wg * ag
    scale_c = wg * (1.0 - ag) / z
    nsc_rows = N_SC // 128
    alloc = alloc_ref[...]
    out_ref[:nsc_rows, :] = scale_a * alloc[:nsc_rows, :] + scale_c * e_sc
    out_ref[nsc_rows:, :] = scale_a * alloc[nsc_rows:, :] + scale_c * e_tc


def kernel(memory, write_key, write_strength, allocation_gate, write_gate,
           allocation_weighting):
    dots_sc, sumsq_sc = _phase1_sc(memory, write_key)

    nblk = N_TC // R_TC
    blk0 = N_SC // R_TC
    key8 = jnp.broadcast_to(write_key[:, None], (W, 8))
    dots_tc, sumsq_tc = pl.pallas_call(
        _tc_phase1b,
        grid=(nblk,),
        in_specs=[
            pl.BlockSpec((R_TC, W), lambda i: (i + blk0, 0)),
            pl.BlockSpec((W, 8), lambda i: (0, 0)),
        ],
        out_specs=[
            pl.BlockSpec((1, 1, R_TC), lambda i: (i, 0, 0)),
            pl.BlockSpec((1, 1, R_TC), lambda i: (i, 0, 0)),
        ],
        out_shape=(
            jax.ShapeDtypeStruct((nblk, 1, R_TC), jnp.float32),
            jax.ShapeDtypeStruct((nblk, 1, R_TC), jnp.float32),
        ),
    )(memory, key8)

    out2d = pl.pallas_call(
        _tc_phase2,
        out_shape=jax.ShapeDtypeStruct((128, 128), jnp.float32),
    )(
        dots_sc.reshape(N_SC // 128, 128),
        sumsq_sc.reshape(N_SC // 128, 128),
        dots_tc.reshape(N_TC // 128, 128),
        sumsq_tc.reshape(N_TC // 128, 128),
        write_key.reshape(2, 128),
        write_strength.reshape(1, 1),
        allocation_gate.reshape(1, 1),
        write_gate.reshape(1, 1),
        allocation_weighting.reshape(128, 128),
    )
    return out2d.reshape(N)

# --- scband reference (transcript-rebuilt; emitter-appended) ---
"""Pipeline reference for scband-memory-73821897884342 (READ-ONLY COPY).

The authoritative reference and input builder live on the scoring server;
editing this copy changes nothing except your own understanding.
"""

import jax, jax.numpy as jnp
import numpy as np

N = 16384
W = 256

def setup_inputs(seed: int = 0) -> dict:
    key = jax.random.key(seed)
    k1, k2, k3, k4, k5, k6 = jax.random.split(key, 6)
    memory = jax.random.normal(k1, (N, W), dtype=jnp.float32)
    write_key = jax.random.normal(k2, (W,), dtype=jnp.float32)
    write_strength = jax.random.uniform(k3, (1,), dtype=jnp.float32)
    allocation_gate = jax.random.uniform(k4, (1,), dtype=jnp.float32)
    write_gate = jax.random.uniform(k5, (1,), dtype=jnp.float32)
    allocation_weighting = jax.random.uniform(k6, (N,), dtype=jnp.float32)
    return {
        "memory": memory,
        "write_key": write_key,
        "write_strength": write_strength,
        "allocation_gate": allocation_gate,
        "write_gate": write_gate,
        "allocation_weighting": allocation_weighting,
    }

def _content_weighting(memory, write_key, key_strength):
    # torch cosine_similarity(write_key, memory) broadcasts write_key (W,) against memory (N, W) over dim=1 -> (N,)
    eps = 1e-8
    dots = memory @ write_key  # (N,)
    mem_norm = jnp.sqrt(jnp.sum(memory * memory, axis=1))  # (N,)
    key_norm = jnp.sqrt(jnp.sum(write_key * write_key))    # scalar
    denom = jnp.maximum(mem_norm * key_norm, eps)
    similarities = dots / denom  # (N,)
    weighted = similarities * key_strength  # broadcast (N,) * (1,) -> (N,)
    return jax.nn.softmax(weighted, axis=0)  # (N,)

def reference(memory, write_key, write_strength, allocation_gate, write_gate, allocation_weighting):
    # Faithful translation of Memory.write_weighting
    content_weighting = _content_weighting(memory, write_key, write_strength)
    write_weighting = write_gate * (
        allocation_gate * allocation_weighting
        + (1.0 - allocation_gate) * content_weighting
    )
    return write_weighting

if __name__ == "__main__":
    import jax
    _d = setup_inputs()
    print(jax.jit(kernel)(*tuple(_d.values())))

</pallas_src>

<mosaic_0001>
#map = affine_map<(d0, d1) -> (0, 0)>
#map1 = affine_map<(d0, d1) -> (0)>
module attributes {stable_mosaic.version = 14 : i64} {
  func.func @_sc_phase1(%arg0: i32, %arg1: i32, %arg2: memref<16384x256xf32, #tpu.memory_space<hbm>>, %arg3: memref<256xf32, #tpu.memory_space<hbm>>, %arg4: memref<1024xf32, #tpu.memory_space<hbm>>, %arg5: memref<1024xf32, #tpu.memory_space<hbm>>, %arg6: memref<256xf32, #tpu.memory_space<vmem>>, %arg7: memref<32x256xf32, #tpu.memory_space<vmem>>, %arg8: memref<32x256xf32, #tpu.memory_space<vmem>>, %arg9: memref<32xf32, #tpu.memory_space<vmem>>, %arg10: memref<32xf32, #tpu.memory_space<vmem>>, %arg11: memref<!tpu.dma_semaphore, #tpu.memory_space<semaphore_mem>>, %arg12: memref<!tpu.dma_semaphore, #tpu.memory_space<semaphore_mem>>) attributes {dimension_semantics = [#tpu.dimension_semantics<core_parallel>, #tpu.dimension_semantics<subcore_parallel>], iteration_bounds = array<i64: 2, 16>, scalar_prefetch = 0 : i64, scratch_operands = 7 : i64, tpu.core_type = #tpu.core_type<sc_vector_subcore>, window_params = [{transform_indices = #map}, {transform_indices = #map1}, {transform_indices = #map1}, {transform_indices = #map1}]} {
    %mul3A = arith.constant 2 : i32
    %mul3A_0 = arith.muli %arg1, %mul3A : i32
    %add3A = arith.addi %mul3A_0, %arg0 : i32
    %mul3A_1 = arith.constant 32 : i32
    %mul3A_2 = arith.muli %add3A, %mul3A_1 : i32
    %dma_start3A = arith.constant 0 : i32
    %dma_start3A_3 = tpu.memref_slice %arg2[%mul3A_2, %dma_start3A] : memref<16384x256xf32, #tpu.memory_space<hbm>> -> memref<32x256xf32, #tpu.memory_space<hbm>>
    %dma_start3A_4 = arith.constant 0 : i32
    %dma_start3A_5 = tpu.memref_slice %arg2[%mul3A_2, %dma_start3A_4] : memref<16384x256xf32, #tpu.memory_space<hbm>> -> memref<32x256xf32, #tpu.memory_space<hbm>>
    tpu.enqueue_dma source(%dma_start3A_5 : memref<32x256xf32, #tpu.memory_space<hbm>>) target(%arg7 : memref<32x256xf32, #tpu.memory_space<vmem>>) target_semaphore(%arg11 : memref<!tpu.dma_semaphore, #tpu.memory_space<semaphore_mem>>)
    "tpu.region"() ({
      %run_scoped3A = tpu.sem_alloc : memref<!tpu.dma_semaphore, #tpu.memory_space<semaphore_mem>>
      tpu.enqueue_dma source(%arg3 : memref<256xf32, #tpu.memory_space<hbm>>) target(%arg6 : memref<256xf32, #tpu.memory_space<vmem>>) target_semaphore(%run_scoped3A : memref<!tpu.dma_semaphore, #tpu.memory_space<semaphore_mem>>)
      tpu.wait_dma2 semaphore(%run_scoped3A : memref<!tpu.dma_semaphore, #tpu.memory_space<semaphore_mem>>) src(%arg3 : memref<256xf32, #tpu.memory_space<hbm>>) dst(%arg6 : memref<256xf32, #tpu.memory_space<vmem>>)
      tpu.yield
    }) : () -> ()
    %get3A = arith.constant 0 : index
    %get3A_6 = tpu.vector_load %arg6[%get3A] {strides = array<i32>} : memref<256xf32, #tpu.memory_space<vmem>>, vector<16xf32>,
    %get3A_7 = vector.shape_cast %get3A_6 : vector<16xf32> to vector<16xf32>
    %get3A_8 = arith.constant 16 : index
    %get3A_9 = tpu.vector_load %arg6[%get3A_8] {strides = array<i32>} : memref<256xf32, #tpu.memory_space<vmem>>, vector<16xf32>,
    %get3A_10 = vector.shape_cast %get3A_9 : vector<16xf32> to vector<16xf32>
    %get3A_11 = arith.constant 32 : index
    %get3A_12 = tpu.vector_load %arg6[%get3A_11] {strides = array<i32>} : memref<256xf32, #tpu.memory_space<vmem>>, vector<16xf32>,
    %get3A_13 = vector.shape_cast %get3A_12 : vector<16xf32> to vector<16xf32>
    %get3A_14 = arith.constant 48 : index
    %get3A_15 = tpu.vector_load %arg6[%get3A_14] {strides = array<i32>} : memref<256xf32, #tpu.memory_space<vmem>>, vector<16xf32>,
    %get3A_16 = vector.shape_cast %get3A_15 : vector<16xf32> to vector<16xf32>
    %get3A_17 = arith.constant 64 : index
    %get3A_18 = tpu.vector_load %arg6[%get3A_17] {strides = array<i32>} : memref<256xf32, #tpu.memory_space<vmem>>, vector<16xf32>,
    %get3A_19 = vector.shape_cast %get3A_18 : vector<16xf32> to vector<16xf32>
    %get3A_20 = arith.constant 80 : index
    %get3A_21 = tpu.vector_load %arg6[%get3A_20] {strides = array<i32>} : memref<256xf32, #tpu.memory_space<vmem>>, vector<16xf32>,
    %get3A_22 = vector.shape_cast %get3A_21 : vector<16xf32> to vector<16xf32>
    %get3A_23 = arith.constant 96 : index
    %get3A_24 = tpu.vector_load %arg6[%get3A_23] {strides = array<i32>} : memref<256xf32, #tpu.memory_space<vmem>>, vector<16xf32>,
    %get3A_25 = vector.shape_cast %get3A_24 : vector<16xf32> to vector<16xf32>
    %get3A_26 = arith.constant 112 : index
    %get3A_27 = tpu.vector_load %arg6[%get3A_26] {strides = array<i32>} : memref<256xf32, #tpu.memory_space<vmem>>, vector<16xf32>,
    %get3A_28 = vector.shape_cast %get3A_27 : vector<16xf32> to vector<16xf32>
    %get3A_29 = arith.constant 128 : index
    %get3A_30 = tpu.vector_load %arg6[%get3A_29] {strides = array<i32>} : memref<256xf32, #tpu.memory_space<vmem>>, vector<16xf32>,
    %get3A_31 = vector.shape_cast %get3A_30 : vector<16xf32> to vector<16xf32>
    %get3A_32 = arith.constant 144 : index
    %get3A_33 = tpu.vector_load %arg6[%get3A_32] {strides = array<i32>} : memref<256xf32, #tpu.memory_space<vmem>>, vector<16xf32>,
    %get3A_34 = vector.shape_cast %get3A_33 : vector<16xf32> to vector<16xf32>
    %get3A_35 = arith.constant 160 : index
    %get3A_36 = tpu.vector_load %arg6[%get3A_35] {strides = array<i32>} : memref<256xf32, #tpu.memory_space<vmem>>, vector<16xf32>,
    %get3A_37 = vector.shape_cast %get3A_36 : vector<16xf32> to vector<16xf32>
    %get3A_38 = arith.constant 176 : index
    %get3A_39 = tpu.vector_load %arg6[%get3A_38] {strides = array<i32>} : memref<256xf32, #tpu.memory_space<vmem>>, vector<16xf32>,
    %get3A_40 = vector.shape_cast %get3A_39 : vector<16xf32> to vector<16xf32>
    %get3A_41 = arith.constant 192 : index
    %get3A_42 = tpu.vector_load %arg6[%get3A_41] {strides = array<i32>} : memref<256xf32, #tpu.memory_space<vmem>>, vector<16xf32>,
    %get3A_43 = vector.shape_cast %get3A_42 : vector<16xf32> to vector<16xf32>
    %get3A_44 = arith.constant 208 : index
    %get3A_45 = tpu.vector_load %arg6[%get3A_44] {strides = array<i32>} : memref<256xf32, #tpu.memory_space<vmem>>, vector<16xf32>,
    %get3A_46 = vector.shape_cast %get3A_45 : vector<16xf32> to vector<16xf32>
    %get3A_47 = arith.constant 224 : index
    %get3A_48 = tpu.vector_load %arg6[%get3A_47] {strides = array<i32>} : memref<256xf32, #tpu.memory_space<vmem>>, vector<16xf32>,
    %get3A_49 = vector.shape_cast %get3A_48 : vector<16xf32> to vector<16xf32>
    %get3A_50 = arith.constant 240 : index
    %get3A_51 = tpu.vector_load %arg6[%get3A_50] {strides = array<i32>} : memref<256xf32, #tpu.memory_space<vmem>>, vector<16xf32>,
    %get3A_52 = vector.shape_cast %get3A_51 : vector<16xf32> to vector<16xf32>
    %dma_wait3A = arith.constant 0 : i32
    %dma_wait3A_53 = tpu.memref_slice %arg2[%mul3A_2, %dma_wait3A] : memref<16384x256xf32, #tpu.memory_space<hbm>> -> memref<32x256xf32, #tpu.memory_space<hbm>>
    %dma_wait3A_54 = arith.constant 0 : i32
    %dma_wait3A_55 = tpu.memref_slice %arg2[%mul3A_2, %dma_wait3A_54] : memref<16384x256xf32, #tpu.memory_space<hbm>> -> memref<32x256xf32, #tpu.memory_space<hbm>>
    tpu.wait_dma2 semaphore(%arg11 : memref<!tpu.dma_semaphore, #tpu.memory_space<semaphore_mem>>) src(%dma_wait3A_55 : memref<32x256xf32, #tpu.memory_space<hbm>>) dst(%arg7 : memref<32x256xf32, #tpu.memory_space<vmem>>)
    %scan3A = arith.constant 0 : i32
    %scan3A_56 = arith.constant 0 : i32
    %scan3A_57 = arith.constant 2 : i32
    %scan3A_58 = arith.addi %scan3A_56, %scan3A_57 : i32
    %scan3A_59 = arith.constant 1 : i32
    %scan3A_60 = scf.for %scan3A_70 = %scan3A_56 to %scan3A_58 step %scan3A_59 iter_args(%scan3A_71 = %scan3A) -> (i32)  : i32 {
      %iota3A = tpu.iota {dimensions = array<i32: 0>} : vector<16xi32>
      %and3A = arith.constant 1 : i32
      %and3A_72 = vector.broadcast %and3A : i32 to vector<16xi32>
      %and3A_73 = arith.andi %iota3A, %and3A_72 : vector<16xi32>
      %shift_left3A = arith.constant 3 : i32
      %shift_left3A_74 = vector.broadcast %shift_left3A : i32 to vector<16xi32>
      %shift_left3A_75 = arith.shli %and3A_73, %shift_left3A_74 : vector<16xi32>
      %and3A_76 = arith.constant 2 : i32
      %and3A_77 = vector.broadcast %and3A_76 : i32 to vector<16xi32>
      %and3A_78 = arith.andi %iota3A, %and3A_77 : vector<16xi32>
      %shift_left3A_79 = arith.constant 1 : i32
      %shift_left3A_80 = vector.broadcast %shift_left3A_79 : i32 to vector<16xi32>
      %shift_left3A_81 = arith.shli %and3A_78, %shift_left3A_80 : vector<16xi32>
      %or3A = arith.ori %shift_left3A_75, %shift_left3A_81 : vector<16xi32>
      %and3A_82 = arith.constant 4 : i32
      %and3A_83 = vector.broadcast %and3A_82 : i32 to vector<16xi32>
      %and3A_84 = arith.andi %iota3A, %and3A_83 : vector<16xi32>
      %shift_right_arithmetic3A = arith.constant 1 : i32
      %shift_right_arithmetic3A_85 = vector.broadcast %shift_right_arithmetic3A : i32 to vector<16xi32>
      %shift_right_arithmetic3A_86 = arith.shrsi %and3A_84, %shift_right_arithmetic3A_85 : vector<16xi32>
      %or3A_87 = arith.ori %or3A, %shift_right_arithmetic3A_86 : vector<16xi32>
      %and3A_88 = arith.constant 8 : i32
      %and3A_89 = vector.broadcast %and3A_88 : i32 to vector<16xi32>
      %and3A_90 = arith.andi %iota3A, %and3A_89 : vector<16xi32>
      %shift_right_arithmetic3A_91 = arith.constant 3 : i32
      %shift_right_arithmetic3A_92 = vector.broadcast %shift_right_arithmetic3A_91 : i32 to vector<16xi32>
      %shift_right_arithmetic3A_93 = arith.shrsi %and3A_90, %shift_right_arithmetic3A_92 : vector<16xi32>
      %or3A_94 = arith.ori %or3A_87, %shift_right_arithmetic3A_93 : vector<16xi32>
      %mul3A_95 = arith.constant 16 : i32
      %mul3A_96 = arith.muli %scan3A_70, %mul3A_95 : i32
      %add3A_97 = arith.constant 0 : i32
      %add3A_98 = arith.addi %mul3A_96, %add3A_97 : i32
      %add3A_99 = arith.constant 0 : i32
      %add3A_100 = arith.addi %add3A_98, %add3A_99 : i32
      %get3A_101 = arith.index_cast %add3A_100 : i32 to index
      %get3A_102 = arith.constant 0 : index
      %get3A_103 = tpu.vector_load %arg7[%get3A_101, %get3A_102] {strides = array<i32>} : memref<32x256xf32, #tpu.memory_space<vmem>>, vector<1x16xf32>,
      %get3A_104 = vector.shape_cast %get3A_103 : vector<1x16xf32> to vector<16xf32>
      %mul3A_105 = arith.mulf %get3A_104, %get3A_7 : vector<16xf32>
      %mul3A_106 = arith.mulf %get3A_104, %get3A_104 : vector<16xf32>
      %get3A_107 = arith.index_cast %add3A_100 : i32 to index
      %get3A_108 = arith.constant 16 : index
      %get3A_109 = tpu.vector_load %arg7[%get3A_107, %get3A_108] {strides = array<i32>} : memref<32x256xf32, #tpu.memory_space<vmem>>, vector<1x16xf32>,
      %get3A_110 = vector.shape_cast %get3A_109 : vector<1x16xf32> to vector<16xf32>
      %mul3A_111 = arith.mulf %get3A_110, %get3A_10 : vector<16xf32>
      %add3A_112 = arith.addf %mul3A_105, %mul3A_111 : vector<16xf32>
      %mul3A_113 = arith.mulf %get3A_110, %get3A_110 : vector<16xf32>
      %add3A_114 = arith.addf %mul3A_106, %mul3A_113 : vector<16xf32>
      %get3A_115 = arith.index_cast %add3A_100 : i32 to index
      %get3A_116 = arith.constant 32 : index
      %get3A_117 = tpu.vector_load %arg7[%get3A_115, %get3A_116] {strides = array<i32>} : memref<32x256xf32, #tpu.memory_space<vmem>>, vector<1x16xf32>,
      %get3A_118 = vector.shape_cast %get3A_117 : vector<1x16xf32> to vector<16xf32>
      %mul3A_119 = arith.mulf %get3A_118, %get3A_13 : vector<16xf32>
      %add3A_120 = arith.addf %add3A_112, %mul3A_119 : vector<16xf32>
      %mul3A_121 = arith.mulf %get3A_118, %get3A_118 : vector<16xf32>
      %add3A_122 = arith.addf %add3A_114, %mul3A_121 : vector<16xf32>
      %get3A_123 = arith.index_cast %add3A_100 : i32 to index
      %get3A_124 = arith.constant 48 : index
      %get3A_125 = tpu.vector_load %arg7[%get3A_123, %get3A_124] {strides = array<i32>} : memref<32x256xf32, #tpu.memory_space<vmem>>, vector<1x16xf32>,
      %get3A_126 = vector.shape_cast %get3A_125 : vector<1x16xf32> to vector<16xf32>
      %mul3A_127 = arith.mulf %get3A_126, %get3A_16 : vector<16xf32>
      %add3A_128 = arith.addf %add3A_120, %mul3A_127 : vector<16xf32>
      %mul3A_129 = arith.mulf %get3A_126, %get3A_126 : vector<16xf32>
      %add3A_130 = arith.addf %add3A_122, %mul3A_129 : vector<16xf32>
      %get3A_131 = arith.index_cast %add3A_100 : i32 to index
      %get3A_132 = arith.constant 64 : index
      %get3A_133 = tpu.vector_load %arg7[%get3A_131, %get3A_132] {strides = array<i32>} : memref<32x256xf32, #tpu.memory_space<vmem>>, vector<1x16xf32>,
      %get3A_134 = vector.shape_cast %get3A_133 : vector<1x16xf32> to vector<16xf32>
      %mul3A_135 = arith.mulf %get3A_134, %get3A_19 : vector<16xf32>
      %add3A_136 = arith.addf %add3A_128, %mul3A_135 : vector<16xf32>
      %mul3A_137 = arith.mulf %get3A_134, %get3A_134 : vector<16xf32>
      %add3A_138 = arith.addf %add3A_130, %mul3A_137 : vector<16xf32>
      %get3A_139 = arith.index_cast %add3A_100 : i32 to index
      %get3A_140 = arith.constant 80 : index
      %get3A_141 = tpu.vector_load %arg7[%get3A_139, %get3A_140] {strides = array<i32>} : memref<32x256xf32, #tpu.memory_space<vmem>>, vector<1x16xf32>,
      %get3A_142 = vector.shape_cast %get3A_141 : vector<1x16xf32> to vector<16xf32>
      %mul3A_143 = arith.mulf %get3A_142, %get3A_22 : vector<16xf32>
      %add3A_144 = arith.addf %add3A_136, %mul3A_143 : vector<16xf32>
      %mul3A_145 = arith.mulf %get3A_142, %get3A_142 : vector<16xf32>
      %add3A_146 = arith.addf %add3A_138, %mul3A_145 : vector<16xf32>
      %get3A_147 = arith.index_cast %add3A_100 : i32 to index
      %get3A_148 = arith.constant 96 : index
      %get3A_149 = tpu.vector_load %arg7[%get3A_147, %get3A_148] {strides = array<i32>} : memref<32x256xf32, #tpu.memory_space<vmem>>, vector<1x16xf32>,
      %get3A_150 = vector.shape_cast %get3A_149 : vector<1x16xf32> to vector<16xf32>
      %mul3A_151 = arith.mulf %get3A_150, %get3A_25 : vector<16xf32>
      %add3A_152 = arith.addf %add3A_144, %mul3A_151 : vector<16xf32>
      %mul3A_153 = arith.mulf %get3A_150, %get3A_150 : vector<16xf32>
      %add3A_154 = arith.addf %add3A_146, %mul3A_153 : vector<16xf32>
      %get3A_155 = arith.index_cast %add3A_100 : i32 to index
      %get3A_156 = arith.constant 112 : index
      %get3A_157 = tpu.vector_load %arg7[%get3A_155, %get3A_156] {strides = array<i32>} : memref<32x256xf32, #tpu.memory_space<vmem>>, vector<1x16xf32>,
      %get3A_158 = vector.shape_cast %get3A_157 : vector<1x16xf32> to vector<16xf32>
      %mul3A_159 = arith.mulf %get3A_158, %get3A_28 : vector<16xf32>
      %add3A_160 = arith.addf %add3A_152, %mul3A_159 : vector<16xf32>
      %mul3A_161 = arith.mulf %get3A_158, %get3A_158 : vector<16xf32>
      %add3A_162 = arith.addf %add3A_154, %mul3A_161 : vector<16xf32>
      %get3A_163 = arith.index_cast %add3A_100 : i32 to index
      %get3A_164 = arith.constant 128 : index
      %get3A_165 = tpu.vector_load %arg7[%get3A_163, %get3A_164] {strides = array<i32>} : memref<32x256xf32, #tpu.memory_space<vmem>>, vector<1x16xf32>,
      %get3A_166 = vector.shape_cast %get3A_165 : vector<1x16xf32> to vector<16xf32>
      %mul3A_167 = arith.mulf %get3A_166, %get3A_31 : vector<16xf32>
      %add3A_168 = arith.addf %add3A_160, %mul3A_167 : vector<16xf32>
      %mul3A_169 = arith.mulf %get3A_166, %get3A_166 : vector<16xf32>
      %add3A_170 = arith.addf %add3A_162, %mul3A_169 : vector<16xf32>
      %get3A_171 = arith.index_cast %add3A_100 : i32 to index
      %get3A_172 = arith.constant 144 : index
      %get3A_173 = tpu.vector_load %arg7[%get3A_171, %get3A_172] {strides = array<i32>} : memref<32x256xf32, #tpu.memory_space<vmem>>, vector<1x16xf32>,
      %get3A_174 = vector.shape_cast %get3A_173 : vector<1x16xf32> to vector<16xf32>
      %mul3A_175 = arith.mulf %get3A_174, %get3A_34 : vector<16xf32>
      %add3A_176 = arith.addf %add3A_168, %mul3A_175 : vector<16xf32>
      %mul3A_177 = arith.mulf %get3A_174, %get3A_174 : vector<16xf32>
      %add3A_178 = arith.addf %add3A_170, %mul3A_177 : vector<16xf32>
      %get3A_179 = arith.index_cast %add3A_100 : i32 to index
      %get3A_180 = arith.constant 160 : index
      %get3A_181 = tpu.vector_load %arg7[%get3A_179, %get3A_180] {strides = array<i32>} : memref<32x256xf32, #tpu.memory_space<vmem>>, vector<1x16xf32>,
      %get3A_182 = vector.shape_cast %get3A_181 : vector<1x16xf32> to vector<16xf32>
      %mul3A_183 = arith.mulf %get3A_182, %get3A_37 : vector<16xf32>
      %add3A_184 = arith.addf %add3A_176, %mul3A_183 : vector<16xf32>
      %mul3A_185 = arith.mulf %get3A_182, %get3A_182 : vector<16xf32>
      %add3A_186 = arith.addf %add3A_178, %mul3A_185 : vector<16xf32>
      %get3A_187 = arith.index_cast %add3A_100 : i32 to index
      %get3A_188 = arith.constant 176 : index
      %get3A_189 = tpu.vector_load %arg7[%get3A_187, %get3A_188] {strides = array<i32>} : memref<32x256xf32, #tpu.memory_space<vmem>>, vector<1x16xf32>,
      %get3A_190 = vector.shape_cast %get3A_189 : vector<1x16xf32> to vector<16xf32>
      %mul3A_191 = arith.mulf %get3A_190, %get3A_40 : vector<16xf32>
      %add3A_192 = arith.addf %add3A_184, %mul3A_191 : vector<16xf32>
      %mul3A_193 = arith.mulf %get3A_190, %get3A_190 : vector<16xf32>
      %add3A_194 = arith.addf %add3A_186, %mul3A_193 : vector<16xf32>
      %get3A_195 = arith.index_cast %add3A_100 : i32 to index
      %get3A_196 = arith.constant 192 : index
      %get3A_197 = tpu.vector_load %arg7[%get3A_195, %get3A_196] {strides = array<i32>} : memref<32x256xf32, #tpu.memory_space<vmem>>, vector<1x16xf32>,
      %get3A_198 = vector.shape_cast %get3A_197 : vector<1x16xf32> to vector<16xf32>
      %mul3A_199 = arith.mulf %get3A_198, %get3A_43 : vector<16xf32>
      %add3A_200 = arith.addf %add3A_192, %mul3A_199 : vector<16xf32>
      %mul3A_201 = arith.mulf %get3A_198, %get3A_198 : vector<16xf32>
      %add3A_202 = arith.addf %add3A_194, %mul3A_201 : vector<16xf32>
      %get3A_203 = arith.index_cast %add3A_100 : i32 to index
      %get3A_204 = arith.constant 208 : index
      %get3A_205 = tpu.vector_load %arg7[%get3A_203, %get3A_204] {strides = array<i32>} : memref<32x256xf32, #tpu.memory_space<vmem>>, vector<1x16xf32>,
      %get3A_206 = vector.shape_cast %get3A_205 : vector<1x16xf32> to vector<16xf32>
      %mul3A_207 = arith.mulf %get3A_206, %get3A_46 : vector<16xf32>
      %add3A_208 = arith.addf %add3A_200, %mul3A_207 : vector<16xf32>
      %mul3A_209 = arith.mulf %get3A_206, %get3A_206 : vector<16xf32>
      %add3A_210 = arith.addf %add3A_202, %mul3A_209 : vector<16xf32>
      %get3A_211 = arith.index_cast %add3A_100 : i32 to index
      %get3A_212 = arith.constant 224 : index
      %get3A_213 = tpu.vector_load %arg7[%get3A_211, %get3A_212] {strides = array<i32>} : memref<32x256xf32, #tpu.memory_space<vmem>>, vector<1x16xf32>,
      %get3A_214 = vector.shape_cast %get3A_213 : vector<1x16xf32> to vector<16xf32>
      %mul3A_215 = arith.mulf %get3A_214, %get3A_49 : vector<16xf32>
      %add3A_216 = arith.addf %add3A_208, %mul3A_215 : vector<16xf32>
      %mul3A_217 = arith.mulf %get3A_214, %get3A_214 : vector<16xf32>
      %add3A_218 = arith.addf %add3A_210, %mul3A_217 : vector<16xf32>
      %get3A_219 = arith.index_cast %add3A_100 : i32 to index
      %get3A_220 = arith.constant 240 : index
      %get3A_221 = tpu.vector_load %arg7[%get3A_219, %get3A_220] {strides = array<i32>} : memref<32x256xf32, #tpu.memory_space<vmem>>, vector<1x16xf32>,
      %get3A_222 = vector.shape_cast %get3A_221 : vector<1x16xf32> to vector<16xf32>
      %mul3A_223 = arith.mulf %get3A_222, %get3A_52 : vector<16xf32>
      %add3A_224 = arith.addf %add3A_216, %mul3A_223 : vector<16xf32>
      %mul3A_225 = arith.mulf %get3A_222, %get3A_222 : vector<16xf32>
      %add3A_226 = arith.addf %add3A_218, %mul3A_225 : vector<16xf32>
      %mul3A_227 = arith.constant 16 : i32
      %mul3A_228 = arith.muli %scan3A_70, %mul3A_227 : i32
      %add3A_229 = arith.constant 0 : i32
      %add3A_230 = arith.addi %mul3A_228, %add3A_229 : i32
      %add3A_231 = arith.constant 1 : i32
      %add3A_232 = arith.addi %add3A_230, %add3A_231 : i32
      %get3A_233 = arith.index_cast %add3A_232 : i32 to index
      %get3A_234 = arith.constant 0 : index
      %get3A_235 = tpu.vector_load %arg7[%get3A_233, %get3A_234] {strides = array<i32>} : memref<32x256xf32, #tpu.memory_space<vmem>>, vector<1x16xf32>,
      %get3A_236 = vector.shape_cast %get3A_235 : vector<1x16xf32> to vector<16xf32>
      %mul3A_237 = arith.mulf %get3A_236, %get3A_7 : vector<16xf32>
      %mul3A_238 = arith.mulf %get3A_236, %get3A_236 : vector<16xf32>
      %get3A_239 = arith.index_cast %add3A_232 : i32 to index
      %get3A_240 = arith.constant 16 : index
      %get3A_241 = tpu.vector_load %arg7[%get3A_239, %get3A_240] {strides = array<i32>} : memref<32x256xf32, #tpu.memory_space<vmem>>, vector<1x16xf32>,
      %get3A_242 = vector.shape_cast %get3A_241 : vector<1x16xf32> to vector<16xf32>
      %mul3A_243 = arith.mulf %get3A_242, %get3A_10 : vector<16xf32>
      %add3A_244 = arith.addf %mul3A_237, %mul3A_243 : vector<16xf32>
      %mul3A_245 = arith.mulf %get3A_242, %get3A_242 : vector<16xf32>
      %add3A_246 = arith.addf %mul3A_238, %mul3A_245 : vector<16xf32>
      %get3A_247 = arith.index_cast %add3A_232 : i32 to index
      %get3A_248 = arith.constant 32 : index
      %get3A_249 = tpu.vector_load %arg7[%get3A_247, %get3A_248] {strides = array<i32>} : memref<32x256xf32, #tpu.memory_space<vmem>>, vector<1x16xf32>,
      %get3A_250 = vector.shape_cast %get3A_249 : vector<1x16xf32> to vector<16xf32>
      %mul3A_251 = arith.mulf %get3A_250, %get3A_13 : vector<16xf32>
      %add3A_252 = arith.addf %add3A_244, %mul3A_251 : vector<16xf32>
      %mul3A_253 = arith.mulf %get3A_250, %get3A_250 : vector<16xf32>
      %add3A_254 = arith.addf %add3A_246, %mul3A_253 : vector<16xf32>
      %get3A_255 = arith.index_cast %add3A_232 : i32 to index
      %get3A_256 = arith.constant 48 : index
      %get3A_257 = tpu.vector_load %arg7[%get3A_255, %get3A_256] {strides = array<i32>} : memref<32x256xf32, #tpu.memory_space<vmem>>, vector<1x16xf32>,
      %get3A_258 = vector.shape_cast %get3A_257 : vector<1x16xf32> to vector<16xf32>
      %mul3A_259 = arith.mulf %get3A_258, %get3A_16 : vector<16xf32>
      %add3A_260 = arith.addf %add3A_252, %mul3A_259 : vector<16xf32>
      %mul3A_261 = arith.mulf %get3A_258, %get3A_258 : vector<16xf32>
      %add3A_262 = arith.addf %add3A_254, %mul3A_261 : vector<16xf32>
      %get3A_263 = arith.index_cast %add3A_232 : i32 to index
      %get3A_264 = arith.constant 64 : index
      %get3A_265 = tpu.vector_load %arg7[%get3A_263, %get3A_264] {strides = array<i32>} : memref<32x256xf32, #tpu.memory_space<vmem>>, vector<1x16xf32>,
      %get3A_266 = vector.shape_cast %get3A_265 : vector<1x16xf32> to vector<16xf32>
      %mul3A_267 = arith.mulf %get3A_266, %get3A_19 : vector<16xf32>
      %add3A_268 = arith.addf %add3A_260, %mul3A_267 : vector<16xf32>
      %mul3A_269 = arith.mulf %get3A_266, %get3A_266 : vector<16xf32>
      %add3A_270 = arith.addf %add3A_262, %mul3A_269 : vector<16xf32>
      %get3A_271 = arith.index_cast %add3A_232 : i32 to index
      %get3A_272 = arith.constant 80 : index
      %get3A_273 = tpu.vector_load %arg7[%get3A_271, %get3A_272] {strides = array<i32>} : memref<32x256xf32, #tpu.memory_space<vmem>>, vector<1x16xf32>,
      %get3A_274 = vector.shape_cast %get3A_273 : vector<1x16xf32> to vector<16xf32>
      %mul3A_275 = arith.mulf %get3A_274, %get3A_22 : vector<16xf32>
      %add3A_276 = arith.addf %add3A_268, %mul3A_275 : vector<16xf32>
      %mul3A_277 = arith.mulf %get3A_274, %get3A_274 : vector<16xf32>
      %add3A_278 = arith.addf %add3A_270, %mul3A_277 : vector<16xf32>
      %get3A_279 = arith.index_cast %add3A_232 : i32 to index
      %get3A_280 = arith.constant 96 : index
      %get3A_281 = tpu.vector_load %arg7[%get3A_279, %get3A_280] {strides = array<i32>} : memref<32x256xf32, #tpu.memory_space<vmem>>, vector<1x16xf32>,
      %get3A_282 = vector.shape_cast %get3A_281 : vector<1x16xf32> to vector<16xf32>
      %mul3A_283 = arith.mulf %get3A_282, %get3A_25 : vector<16xf32>
      %add3A_284 = arith.addf %add3A_276, %mul3A_283 : vector<16xf32>
      %mul3A_285 = arith.mulf %get3A_282, %get3A_282 : vector<16xf32>
      %add3A_286 = arith.addf %add3A_278, %mul3A_285 : vector<16xf32>
      %get3A_287 = arith.index_cast %add3A_232 : i32 to index
      %get3A_288 = arith.constant 112 : index
      %get3A_289 = tpu.vector_load %arg7[%get3A_287, %get3A_288] {strides = array<i32>} : memref<32x256xf32, #tpu.memory_space<vmem>>, vector<1x16xf32>,
      %get3A_290 = vector.shape_cast %get3A_289 : vector<1x16xf32> to vector<16xf32>
      %mul3A_291 = arith.mulf %get3A_290, %get3A_28 : vector<16xf32>
      %add3A_292 = arith.addf %add3A_284, %mul3A_291 : vector<16xf32>
      %mul3A_293 = arith.mulf %get3A_290, %get3A_290 : vector<16xf32>
      %add3A_294 = arith.addf %add3A_286, %mul3A_293 : vector<16xf32>
      %get3A_295 = arith.index_cast %add3A_232 : i32 to index
      %get3A_296 = arith.constant 128 : index
      %get3A_297 = tpu.vector_load %arg7[%get3A_295, %get3A_296] {strides = array<i32>} : memref<32x256xf32, #tpu.memory_space<vmem>>, vector<1x16xf32>,
      %get3A_298 = vector.shape_cast %get3A_297 : vector<1x16xf32> to vector<16xf32>
      %mul3A_299 = arith.mulf %get3A_298, %get3A_31 : vector<16xf32>
      %add3A_300 = arith.addf %add3A_292, %mul3A_299 : vector<16xf32>
      %mul3A_301 = arith.mulf %get3A_298, %get3A_298 : vector<16xf32>
      %add3A_302 = arith.addf %add3A_294, %mul3A_301 : vector<16xf32>
      %get3A_303 = arith.index_cast %add3A_232 : i32 to index
      %get3A_304 = arith.constant 144 : index
      %get3A_305 = tpu.vector_load %arg7[%get3A_303, %get3A_304] {strides = array<i32>} : memref<32x256xf32, #tpu.memory_space<vmem>>, vector<1x16xf32>,
      %get3A_306 = vector.shape_cast %get3A_305 : vector<1x16xf32> to vector<16xf32>
      %mul3A_307 = arith.mulf %get3A_306, %get3A_34 : vector<16xf32>
      %add3A_308 = arith.addf %add3A_300, %mul3A_307 : vector<16xf32>
      %mul3A_309 = arith.mulf %get3A_306, %get3A_306 : vector<16xf32>
      %add3A_310 = arith.addf %add3A_302, %mul3A_309 : vector<16xf32>
      %get3A_311 = arith.index_cast %add3A_232 : i32 to index
      %get3A_312 = arith.constant 160 : index
      %get3A_313 = tpu.vector_load %arg7[%get3A_311, %get3A_312] {strides = array<i32>} : memref<32x256xf32, #tpu.memory_space<vmem>>, vector<1x16xf32>,
      %get3A_314 = vector.shape_cast %get3A_313 : vector<1x16xf32> to vector<16xf32>
      %mul3A_315 = arith.mulf %get3A_314, %get3A_37 : vector<16xf32>
      %add3A_316 = arith.addf %add3A_308, %mul3A_315 : vector<16xf32>
      %mul3A_317 = arith.mulf %get3A_314, %get3A_314 : vector<16xf32>
      %add3A_318 = arith.addf %add3A_310, %mul3A_317 : vector<16xf32>
      %get3A_319 = arith.index_cast %add3A_232 : i32 to index
      %get3A_320 = arith.constant 176 : index
      %get3A_321 = tpu.vector_load %arg7[%get3A_319, %get3A_320] {strides = array<i32>} : memref<32x256xf32, #tpu.memory_space<vmem>>, vector<1x16xf32>,
      %get3A_322 = vector.shape_cast %get3A_321 : vector<1x16xf32> to vector<16xf32>
      %mul3A_323 = arith.mulf %get3A_322, %get3A_40 : vector<16xf32>
      %add3A_324 = arith.addf %add3A_316, %mul3A_323 : vector<16xf32>
      %mul3A_325 = arith.mulf %get3A_322, %get3A_322 : vector<16xf32>
      %add3A_326 = arith.addf %add3A_318, %mul3A_325 : vector<16xf32>
      %get3A_327 = arith.index_cast %add3A_232 : i32 to index
      %get3A_328 = arith.constant 192 : index
      %get3A_329 = tpu.vector_load %arg7[%get3A_327, %get3A_328] {strides = array<i32>} : memref<32x256xf32, #tpu.memory_space<vmem>>, vector<1x16xf32>,
      %get3A_330 = vector.shape_cast %get3A_329 : vector<1x16xf32> to vector<16xf32>
      %mul3A_331 = arith.mulf %get3A_330, %get3A_43 : vector<16xf32>
      %add3A_332 = arith.addf %add3A_324, %mul3A_331 : vector<16xf32>
      %mul3A_333 = arith.mulf %get3A_330, %get3A_330 : vector<16xf32>
      %add3A_334 = arith.addf %add3A_326, %mul3A_333 : vector<16xf32>
      %get3A_335 = arith.index_cast %add3A_232 : i32 to index
      %get3A_336 = arith.constant 208 : index
      %get3A_337 = tpu.vector_load %arg7[%get3A_335, %get3A_336] {strides = array<i32>} : memref<32x256xf32, #tpu.memory_space<vmem>>, vector<1x16xf32>,
      %get3A_338 = vector.shape_cast %get3A_337 : vector<1x16xf32> to vector<16xf32>
      %mul3A_339 = arith.mulf %get3A_338, %get3A_46 : vector<16xf32>
      %add3A_340 = arith.addf %add3A_332, %mul3A_339 : vector<16xf32>
      %mul3A_341 = arith.mulf %get3A_338, %get3A_338 : vector<16xf32>
      %add3A_342 = arith.addf %add3A_334, %mul3A_341 : vector<16xf32>
      %get3A_343 = arith.index_cast %add3A_232 : i32 to index
      %get3A_344 = arith.constant 224 : index
      %get3A_345 = tpu.vector_load %arg7[%get3A_343, %get3A_344] {strides = array<i32>} : memref<32x256xf32, #tpu.memory_space<vmem>>, vector<1x16xf32>,
      %get3A_346 = vector.shape_cast %get3A_345 : vector<1x16xf32> to vector<16xf32>
      %mul3A_347 = arith.mulf %get3A_346, %get3A_49 : vector<16xf32>
      %add3A_348 = arith.addf %add3A_340, %mul3A_347 : vector<16xf32>
      %mul3A_349 = arith.mulf %get3A_346, %get3A_346 : vector<16xf32>
      %add3A_350 = arith.addf %add3A_342, %mul3A_349 : vector<16xf32>
      %get3A_351 = arith.index_cast %add3A_232 : i32 to index
      %get3A_352 = arith.constant 240 : index
      %get3A_353 = tpu.vector_load %arg7[%get3A_351, %get3A_352] {strides = array<i32>} : memref<32x256xf32, #tpu.memory_space<vmem>>, vector<1x16xf32>,
      %get3A_354 = vector.shape_cast %get3A_353 : vector<1x16xf32> to vector<16xf32>
      %mul3A_355 = arith.mulf %get3A_354, %get3A_52 : vector<16xf32>
      %add3A_356 = arith.addf %add3A_348, %mul3A_355 : vector<16xf32>
      %mul3A_357 = arith.mulf %get3A_354, %get3A_354 : vector<16xf32>
      %add3A_358 = arith.addf %add3A_350, %mul3A_357 : vector<16xf32>
      %mul3A_359 = arith.constant 16 : i32
      %mul3A_360 = arith.muli %scan3A_70, %mul3A_359 : i32
      %add3A_361 = arith.constant 0 : i32
      %add3A_362 = arith.addi %mul3A_360, %add3A_361 : i32
      %add3A_363 = arith.constant 2 : i32
      %add3A_364 = arith.addi %add3A_362, %add3A_363 : i32
      %get3A_365 = arith.index_cast %add3A_364 : i32 to index
      %get3A_366 = arith.constant 0 : index
      %get3A_367 = tpu.vector_load %arg7[%get3A_365, %get3A_366] {strides = array<i32>} : memref<32x256xf32, #tpu.memory_space<vmem>>, vector<1x16xf32>,
      %get3A_368 = vector.shape_cast %get3A_367 : vector<1x16xf32> to vector<16xf32>
      %mul3A_369 = arith.mulf %get3A_368, %get3A_7 : vector<16xf32>
      %mul3A_370 = arith.mulf %get3A_368, %get3A_368 : vector<16xf32>
      %get3A_371 = arith.index_cast %add3A_364 : i32 to index
      %get3A_372 = arith.constant 16 : index
      %get3A_373 = tpu.vector_load %arg7[%get3A_371, %get3A_372] {strides = array<i32>} : memref<32x256xf32, #tpu.memory_space<vmem>>, vector<1x16xf32>,
      %get3A_374 = vector.shape_cast %get3A_373 : vector<1x16xf32> to vector<16xf32>
      %mul3A_375 = arith.mulf %get3A_374, %get3A_10 : vector<16xf32>
      %add3A_376 = arith.addf %mul3A_369, %mul3A_375 : vector<16xf32>
      %mul3A_377 = arith.mulf %get3A_374, %get3A_374 : vector<16xf32>
      %add3A_378 = arith.addf %mul3A_370, %mul3A_377 : vector<16xf32>
      %get3A_379 = arith.index_cast %add3A_364 : i32 to index
      %get3A_380 = arith.constant 32 : index
      %get3A_381 = tpu.vector_load %arg7[%get3A_379, %get3A_380] {strides = array<i32>} : memref<32x256xf32, #tpu.memory_space<vmem>>, vector<1x16xf32>,
      %get3A_382 = vector.shape_cast %get3A_381 : vector<1x16xf32> to vector<16xf32>
      %mul3A_383 = arith.mulf %get3A_382, %get3A_13 : vector<16xf32>
      %add3A_384 = arith.addf %add3A_376, %mul3A_383 : vector<16xf32>
      %mul3A_385 = arith.mulf %get3A_382, %get3A_382 : vector<16xf32>
      %add3A_386 = arith.addf %add3A_378, %mul3A_385 : vector<16xf32>
      %get3A_387 = arith.index_cast %add3A_364 : i32 to index
      %get3A_388 = arith.constant 48 : index
      %get3A_389 = tpu.vector_load %arg7[%get3A_387, %get3A_388] {strides = array<i32>} : memref<32x256xf32, #tpu.memory_space<vmem>>, vector<1x16xf32>,
      %get3A_390 = vector.shape_cast %get3A_389 : vector<1x16xf32> to vector<16xf32>
      %mul3A_391 = arith.mulf %get3A_390, %get3A_16 : vector<16xf32>
      %add3A_392 = arith.addf %add3A_384, %mul3A_391 : vector<16xf32>
      %mul3A_393 = arith.mulf %get3A_390, %get3A_390 : vector<16xf32>
      %add3A_394 = arith.addf %add3A_386, %mul3A_393 : vector<16xf32>
      %get3A_395 = arith.index_cast %add3A_364 : i32 to index
      %get3A_396 = arith.constant 64 : index
      %get3A_397 = tpu.vector_load %arg7[%get3A_395, %get3A_396] {strides = array<i32>} : memref<32x256xf32, #tpu.memory_space<vmem>>, vector<1x16xf32>,
      %get3A_398 = vector.shape_cast %get3A_397 : vector<1x16xf32> to vector<16xf32>
      %mul3A_399 = arith.mulf %get3A_398, %get3A_19 : vector<16xf32>
      %add3A_400 = arith.addf %add3A_392, %mul3A_399 : vector<16xf32>
      %mul3A_401 = arith.mulf %get3A_398, %get3A_398 : vector<16xf32>
      %add3A_402 = arith.addf %add3A_394, %mul3A_401 : vector<16xf32>
      %get3A_403 = arith.index_cast %add3A_364 : i32 to index
      %get3A_404 = arith.constant 80 : index
      %get3A_405 = tpu.vector_load %arg7[%get3A_403, %get3A_404] {strides = array<i32>} : memref<32x256xf32, #tpu.memory_space<vmem>>, vector<1x16xf32>,
      %get3A_406 = vector.shape_cast %get3A_405 : vector<1x16xf32> to vector<16xf32>
      %mul3A_407 = arith.mulf %get3A_406, %get3A_22 : vector<16xf32>
      %add3A_408 = arith.addf %add3A_400, %mul3A_407 : vector<16xf32>
      %mul3A_409 = arith.mulf %get3A_406, %get3A_406 : vector<16xf32>
      %add3A_410 = arith.addf %add3A_402, %mul3A_409 : vector<16xf32>
      %get3A_411 = arith.index_cast %add3A_364 : i32 to index
      %get3A_412 = arith.constant 96 : index
      %get3A_413 = tpu.vector_load %arg7[%get3A_411, %get3A_412] {strides = array<i32>} : memref<32x256xf32, #tpu.memory_space<vmem>>, vector<1x16xf32>,
      %get3A_414 = vector.shape_cast %get3A_413 : vector<1x16xf32> to vector<16xf32>
      %mul3A_415 = arith.mulf %get3A_414, %get3A_25 : vector<16xf32>
      %add3A_416 = arith.addf %add3A_408, %mul3A_415 : vector<16xf32>
      %mul3A_417 = arith.mulf %get3A_414, %get3A_414 : vector<16xf32>
      %add3A_418 = arith.addf %add3A_410, %mul3A_417 : vector<16xf32>
      %get3A_419 = arith.index_cast %add3A_364 : i32 to index
      %get3A_420 = arith.constant 112 : index
      %get3A_421 = tpu.vector_load %arg7[%get3A_419, %get3A_420] {strides = array<i32>} : memref<32x256xf32, #tpu.memory_space<vmem>>, vector<1x16xf32>,
      %get3A_422 = vector.shape_cast %get3A_421 : vector<1x16xf32> to vector<16xf32>
      %mul3A_423 = arith.mulf %get3A_422, %get3A_28 : vector<16xf32>
      %add3A_424 = arith.addf %add3A_416, %mul3A_423 : vector<16xf32>
      %mul3A_425 = arith.mulf %get3A_422, %get3A_422 : vector<16xf32>
      %add3A_426 = arith.addf %add3A_418, %mul3A_425 : vector<16xf32>
      %get3A_427 = arith.index_cast %add3A_364 : i32 to index
      %get3A_428 = arith.constant 128 : index
      %get3A_429 = tpu.vector_load %arg7[%get3A_427, %get3A_428] {strides = array<i32>} : memref<32x256xf32, #tpu.memory_space<vmem>>, vector<1x16xf32>,
      %get3A_430 = vector.shape_cast %get3A_429 : vector<1x16xf32> to vector<16xf32>
      %mul3A_431 = arith.mulf %get3A_430, %get3A_31 : vector<16xf32>
      %add3A_432 = arith.addf %add3A_424, %mul3A_431 : vector<16xf32>
      %mul3A_433 = arith.mulf %get3A_430, %get3A_430 : vector<16xf32>
      %add3A_434 = arith.addf %add3A_426, %mul3A_433 : vector<16xf32>
      %get3A_435 = arith.index_cast %add3A_364 : i32 to index
      %get3A_436 = arith.constant 144 : index
      %get3A_437 = tpu.vector_load %arg7[%get3A_435, %get3A_436] {strides = array<i32>} : memref<32x256xf32, #tpu.memory_space<vmem>>, vector<1x16xf32>,
      %get3A_438 = vector.shape_cast %get3A_437 : vector<1x16xf32> to vector<16xf32>
      %mul3A_439 = arith.mulf %get3A_438, %get3A_34 : vector<16xf32>
      %add3A_440 = arith.addf %add3A_432, %mul3A_439 : vector<16xf32>
      %mul3A_441 = arith.mulf %get3A_438, %get3A_438 : vector<16xf32>
      %add3A_442 = arith.addf %add3A_434, %mul3A_441 : vector<16xf32>
      %get3A_443 = arith.index_cast %add3A_364 : i32 to index
      %get3A_444 = arith.constant 160 : index
      %get3A_445 = tpu.vector_load %arg7[%get3A_443, %get3A_444] {strides = array<i32>} : memref<32x256xf32, #tpu.memory_space<vmem>>, vector<1x16xf32>,
      %get3A_446 = vector.shape_cast %get3A_445 : vector<1x16xf32> to vector<16xf32>
      %mul3A_447 = arith.mulf %get3A_446, %get3A_37 : vector<16xf32>
      %add3A_448 = arith.addf %add3A_440, %mul3A_447 : vector<16xf32>
      %mul3A_449 = arith.mulf %get3A_446, %get3A_446 : vector<16xf32>
      %add3A_450 = arith.addf %add3A_442, %mul3A_449 : vector<16xf32>
      %get3A_451 = arith.index_cast %add3A_364 : i32 to index
      %get3A_452 = arith.constant 176 : index
      %get3A_453 = tpu.vector_load %arg7[%get3A_451, %get3A_452] {strides = array<i32>} : memref<32x256xf32, #tpu.memory_space<vmem>>, vector<1x16xf32>,
      %get3A_454 = vector.shape_cast %get3A_453 : vector<1x16xf32> to vector<16xf32>
      %mul3A_455 = arith.mulf %get3A_454, %get3A_40 : vector<16xf32>
      %add3A_456 = arith.addf %add3A_448, %mul3A_455 : vector<16xf32>
      %mul3A_457 = arith.mulf %get3A_454, %get3A_454 : vector<16xf32>
      %add3A_458 = arith.addf %add3A_450, %mul3A_457 : vector<16xf32>
      %get3A_459 = arith.index_cast %add3A_364 : i32 to index
      %get3A_460 = arith.constant 192 : index
      %get3A_461 = tpu.vector_load %arg7[%get3A_459, %get3A_460] {strides = array<i32>} : memref<32x256xf32, #tpu.memory_space<vmem>>, vector<1x16xf32>,
      %get3A_462 = vector.shape_cast %get3A_461 : vector<1x16xf32> to vector<16xf32>
      %mul3A_463 = arith.mulf %get3A_462, %get3A_43 : vector<16xf32>
      %add3A_464 = arith.addf %add3A_456, %mul3A_463 : vector<16xf32>
      %mul3A_465 = arith.mulf %get3A_462, %get3A_462 : vector<16xf32>
      %add3A_466 = arith.addf %add3A_458, %mul3A_465 : vector<16xf32>
      %get3A_467 = arith.index_cast %add3A_364 : i32 to index
      %get3A_468 = arith.constant 208 : index
      %get3A_469 = tpu.vector_load %arg7[%get3A_467, %get3A_468] {strides = array<i32>} : memref<32x256xf32, #tpu.memory_space<vmem>>, vector<1x16xf32>,
      %get3A_470 = vector.shape_cast %get3A_469 : vector<1x16xf32> to vector<16xf32>
      %mul3A_471 = arith.mulf %get3A_470, %get3A_46 : vector<16xf32>
      %add3A_472 = arith.addf %add3A_464, %mul3A_471 : vector<16xf32>
      %mul3A_473 = arith.mulf %get3A_470, %get3A_470 : vector<16xf32>
      %add3A_474 = arith.addf %add3A_466, %mul3A_473 : vector<16xf32>
      %get3A_475 = arith.index_cast %add3A_364 : i32 to index
      %get3A_476 = arith.constant 224 : index
      %get3A_477 = tpu.vector_load %arg7[%get3A_475, %get3A_476] {strides = array<i32>} : memref<32x256xf32, #tpu.memory_space<vmem>>, vector<1x16xf32>,
      %get3A_478 = vector.shape_cast %get3A_477 : vector<1x16xf32> to vector<16xf32>
      %mul3A_479 = arith.mulf %get3A_478, %get3A_49 : vector<16xf32>
      %add3A_480 = arith.addf %add3A_472, %mul3A_479 : vector<16xf32>
      %mul3A_481 = arith.mulf %get3A_478, %get3A_478 : vector<16xf32>
      %add3A_482 = arith.addf %add3A_474, %mul3A_481 : vector<16xf32>
      %get3A_483 = arith.index_cast %add3A_364 : i32 to index
      %get3A_484 = arith.constant 240 : index
      %get3A_485 = tpu.vector_load %arg7[%get3A_483, %get3A_484] {strides = array<i32>} : memref<32x256xf32, #tpu.memory_space<vmem>>, vector<1x16xf32>,
      %get3A_486 = vector.shape_cast %get3A_485 : vector<1x16xf32> to vector<16xf32>
      %mul3A_487 = arith.mulf %get3A_486, %get3A_52 : vector<16xf32>
      %add3A_488 = arith.addf %add3A_480, %mul3A_487 : vector<16xf32>
      %mul3A_489 = arith.mulf %get3A_486, %get3A_486 : vector<16xf32>
      %add3A_490 = arith.addf %add3A_482, %mul3A_489 : vector<16xf32>
      %mul3A_491 = arith.constant 16 : i32
      %mul3A_492 = arith.muli %scan3A_70, %mul3A_491 : i32
      %add3A_493 = arith.constant 0 : i32
      %add3A_494 = arith.addi %mul3A_492, %add3A_493 : i32
      %add3A_495 = arith.constant 3 : i32
      %add3A_496 = arith.addi %add3A_494, %add3A_495 : i32
      %get3A_497 = arith.index_cast %add3A_496 : i32 to index
      %get3A_498 = arith.constant 0 : index
      %get3A_499 = tpu.vector_load %arg7[%get3A_497, %get3A_498] {strides = array<i32>} : memref<32x256xf32, #tpu.memory_space<vmem>>, vector<1x16xf32>,
      %get3A_500 = vector.shape_cast %get3A_499 : vector<1x16xf32> to vector<16xf32>
      %mul3A_501 = arith.mulf %get3A_500, %get3A_7 : vector<16xf32>
      %mul3A_502 = arith.mulf %get3A_500, %get3A_500 : vector<16xf32>
      %get3A_503 = arith.index_cast %add3A_496 : i32 to index
      %get3A_504 = arith.constant 16 : index
      %get3A_505 = tpu.vector_load %arg7[%get3A_503, %get3A_504] {strides = array<i32>} : memref<32x256xf32, #tpu.memory_space<vmem>>, vector<1x16xf32>,
      %get3A_506 = vector.shape_cast %get3A_505 : vector<1x16xf32> to vector<16xf32>
      %mul3A_507 = arith.mulf %get3A_506, %get3A_10 : vector<16xf32>
      %add3A_508 = arith.addf %mul3A_501, %mul3A_507 : vector<16xf32>
      %mul3A_509 = arith.mulf %get3A_506, %get3A_506 : vector<16xf32>
      %add3A_510 = arith.addf %mul3A_502, %mul3A_509 : vector<16xf32>
      %get3A_511 = arith.index_cast %add3A_496 : i32 to index
      %get3A_512 = arith.constant 32 : index
      %get3A_513 = tpu.vector_load %arg7[%get3A_511, %get3A_512] {strides = array<i32>} : memref<32x256xf32, #tpu.memory_space<vmem>>, vector<1x16xf32>,
      %get3A_514 = vector.shape_cast %get3A_513 : vector<1x16xf32> to vector<16xf32>
      %mul3A_515 = arith.mulf %get3A_514, %get3A_13 : vector<16xf32>
      %add3A_516 = arith.addf %add3A_508, %mul3A_515 : vector<16xf32>
      %mul3A_517 = arith.mulf %get3A_514, %get3A_514 : vector<16xf32>
      %add3A_518 = arith.addf %add3A_510, %mul3A_517 : vector<16xf32>
      %get3A_519 = arith.index_cast %add3A_496 : i32 to index
      %get3A_520 = arith.constant 48 : index
      %get3A_521 = tpu.vector_load %arg7[%get3A_519, %get3A_520] {strides = array<i32>} : memref<32x256xf32, #tpu.memory_space<vmem>>, vector<1x16xf32>,
      %get3A_522 = vector.shape_cast %get3A_521 : vector<1x16xf32> to vector<16xf32>
      %mul3A_523 = arith.mulf %get3A_522, %get3A_16 : vector<16xf32>
      %add3A_524 = arith.addf %add3A_516, %mul3A_523 : vector<16xf32>
      %mul3A_525 = arith.mulf %get3A_522, %get3A_522 : vector<16xf32>
      %add3A_526 = arith.addf %add3A_518, %mul3A_525 : vector<16xf32>
      %get3A_527 = arith.index_cast %add3A_496 : i32 to index
      %get3A_528 = arith.constant 64 : index
      %get3A_529 = tpu.vector_load %arg7[%get3A_527, %get3A_528] {strides = array<i32>} : memref<32x256xf32, #tpu.memory_space<vmem>>, vector<1x16xf32>,
      %get3A_530 = vector.shape_cast %get3A_529 : vector<1x16xf32> to vector<16xf32>
      %mul3A_531 = arith.mulf %get3A_530, %get3A_19 : vector<16xf32>
      %add3A_532 = arith.addf %add3A_524, %mul3A_531 : vector<16xf32>
      %mul3A_533 = arith.mulf %get3A_530, %get3A_530 : vector<16xf32>
      %add3A_534 = arith.addf %add3A_526, %mul3A_533 : vector<16xf32>
      %get3A_535 = arith.index_cast %add3A_496 : i32 to index
      %get3A_536 = arith.constant 80 : index
      %get3A_537 = tpu.vector_load %arg7[%get3A_535, %get3A_536] {strides = array<i32>} : memref<32x256xf32, #tpu.memory_space<vmem>>, vector<1x16xf32>,
      %get3A_538 = vector.shape_cast %get3A_537 : vector<1x16xf32> to vector<16xf32>
      %mul3A_539 = arith.mulf %get3A_538, %get3A_22 : vector<16xf32>
      %add3A_540 = arith.addf %add3A_532, %mul3A_539 : vector<16xf32>
      %mul3A_541 = arith.mulf %get3A_538, %get3A_538 : vector<16xf32>
      %add3A_542 = arith.addf %add3A_534, %mul3A_541 : vector<16xf32>
      %get3A_543 = arith.index_cast %add3A_496 : i32 to index
      %get3A_544 = arith.constant 96 : index
      %get3A_545 = tpu.vector_load %arg7[%get3A_543, %get3A_544] {strides = array<i32>} : memref<32x256xf32, #tpu.memory_space<vmem>>, vector<1x16xf32>,
      %get3A_546 = vector.shape_cast %get3A_545 : vector<1x16xf32> to vector<16xf32>
      %mul3A_547 = arith.mulf %get3A_546, %get3A_25 : vector<16xf32>
      %add3A_548 = arith.addf %add3A_540, %mul3A_547 : vector<16xf32>
      %mul3A_549 = arith.mulf %get3A_546, %get3A_546 : vector<16xf32>
      %add3A_550 = arith.addf %add3A_542, %mul3A_549 : vector<16xf32>
      %get3A_551 = arith.index_cast %add3A_496 : i32 to index
      %get3A_552 = arith.constant 112 : index
      %get3A_553 = tpu.vector_load %arg7[%get3A_551, %get3A_552] {strides = array<i32>} : memref<32x256xf32, #tpu.memory_space<vmem>>, vector<1x16xf32>,
      %get3A_554 = vector.shape_cast %get3A_553 : vector<1x16xf32> to vector<16xf32>
      %mul3A_555 = arith.mulf %get3A_554, %get3A_28 : vector<16xf32>
      %add3A_556 = arith.addf %add3A_548, %mul3A_555 : vector<16xf32>
      %mul3A_557 = arith.mulf %get3A_554, %get3A_554 : vector<16xf32>
      %add3A_558 = arith.addf %add3A_550, %mul3A_557 : vector<16xf32>
      %get3A_559 = arith.index_cast %add3A_496 : i32 to index
      %get3A_560 = arith.constant 128 : index
      %get3A_561 = tpu.vector_load %arg7[%get3A_559, %get3A_560] {strides = array<i32>} : memref<32x256xf32, #tpu.memory_space<vmem>>, vector<1x16xf32>,
      %get3A_562 = vector.shape_cast %get3A_561 : vector<1x16xf32> to vector<16xf32>
      %mul3A_563 = arith.mulf %get3A_562, %get3A_31 : vector<16xf32>
      %add3A_564 = arith.addf %add3A_556, %mul3A_563 : vector<16xf32>
      %mul3A_565 = arith.mulf %get3A_562, %get3A_562 : vector<16xf32>
      %add3A_566 = arith.addf %add3A_558, %mul3A_565 : vector<16xf32>
      %get3A_567 = arith.index_cast %add3A_496 : i32 to index
      %get3A_568 = arith.constant 144 : index
      %get3A_569 = tpu.vector_load %arg7[%get3A_567, %get3A_568] {strides = array<i32>} : memref<32x256xf32, #tpu.memory_space<vmem>>, vector<1x16xf32>,
      %get3A_570 = vector.shape_cast %get3A_569 : vector<1x16xf32> to vector<16xf32>
      %mul3A_571 = arith.mulf %get3A_570, %get3A_34 : vector<16xf32>
      %add3A_572 = arith.addf %add3A_564, %mul3A_571 : vector<16xf32>
      %mul3A_573 = arith.mulf %get3A_570, %get3A_570 : vector<16xf32>
      %add3A_574 = arith.addf %add3A_566, %mul3A_573 : vector<16xf32>
      %get3A_575 = arith.index_cast %add3A_496 : i32 to index
      %get3A_576 = arith.constant 160 : index
      %get3A_577 = tpu.vector_load %arg7[%get3A_575, %get3A_576] {strides = array<i32>} : memref<32x256xf32, #tpu.memory_space<vmem>>, vector<1x16xf32>,
      %get3A_578 = vector.shape_cast %get3A_577 : vector<1x16xf32> to vector<16xf32>
      %mul3A_579 = arith.mulf %get3A_578, %get3A_37 : vector<16xf32>
      %add3A_580 = arith.addf %add3A_572, %mul3A_579 : vector<16xf32>
      %mul3A_581 = arith.mulf %get3A_578, %get3A_578 : vector<16xf32>
      %add3A_582 = arith.addf %add3A_574, %mul3A_581 : vector<16xf32>
      %get3A_583 = arith.index_cast %add3A_496 : i32 to index
      %get3A_584 = arith.constant 176 : index
      %get3A_585 = tpu.vector_load %arg7[%get3A_583, %get3A_584] {strides = array<i32>} : memref<32x256xf32, #tpu.memory_space<vmem>>, vector<1x16xf32>,
      %get3A_586 = vector.shape_cast %get3A_585 : vector<1x16xf32> to vector<16xf32>
      %mul3A_587 = arith.mulf %get3A_586, %get3A_40 : vector<16xf32>
      %add3A_588 = arith.addf %add3A_580, %mul3A_587 : vector<16xf32>
      %mul3A_589 = arith.mulf %get3A_586, %get3A_586 : vector<16xf32>
      %add3A_590 = arith.addf %add3A_582, %mul3A_589 : vector<16xf32>
      %get3A_591 = arith.index_cast %add3A_496 : i32 to index
      %get3A_592 = arith.constant 192 : index
      %get3A_593 = tpu.vector_load %arg7[%get3A_591, %get3A_592] {strides = array<i32>} : memref<32x256xf32, #tpu.memory_space<vmem>>, vector<1x16xf32>,
      %get3A_594 = vector.shape_cast %get3A_593 : vector<1x16xf32> to vector<16xf32>
      %mul3A_595 = arith.mulf %get3A_594, %get3A_43 : vector<16xf32>
      %add3A_596 = arith.addf %add3A_588, %mul3A_595 : vector<16xf32>
      %mul3A_597 = arith.mulf %get3A_594, %get3A_594 : vector<16xf32>
      %add3A_598 = arith.addf %add3A_590, %mul3A_597 : vector<16xf32>
      %get3A_599 = arith.index_cast %add3A_496 : i32 to index
      %get3A_600 = arith.constant 208 : index
      %get3A_601 = tpu.vector_load %arg7[%get3A_599, %get3A_600] {strides = array<i32>} : memref<32x256xf32, #tpu.memory_space<vmem>>, vector<1x16xf32>,
      %get3A_602 = vector.shape_cast %get3A_601 : vector<1x16xf32> to vector<16xf32>
      %mul3A_603 = arith.mulf %get3A_602, %get3A_46 : vector<16xf32>
      %add3A_604 = arith.addf %add3A_596, %mul3A_603 : vector<16xf32>
      %mul3A_605 = arith.mulf %get3A_602, %get3A_602 : vector<16xf32>
      %add3A_606 = arith.addf %add3A_598, %mul3A_605 : vector<16xf32>
      %get3A_607 = arith.index_cast %add3A_496 : i32 to index
      %get3A_608 = arith.constant 224 : index
      %get3A_609 = tpu.vector_load %arg7[%get3A_607, %get3A_608] {strides = array<i32>} : memref<32x256xf32, #tpu.memory_space<vmem>>, vector<1x16xf32>,
      %get3A_610 = vector.shape_cast %get3A_609 : vector<1x16xf32> to vector<16xf32>
      %mul3A_611 = arith.mulf %get3A_610, %get3A_49 : vector<16xf32>
      %add3A_612 = arith.addf %add3A_604, %mul3A_611 : vector<16xf32>
      %mul3A_613 = arith.mulf %get3A_610, %get3A_610 : vector<16xf32>
      %add3A_614 = arith.addf %add3A_606, %mul3A_613 : vector<16xf32>
      %get3A_615 = arith.index_cast %add3A_496 : i32 to index
      %get3A_616 = arith.constant 240 : index
      %get3A_617 = tpu.vector_load %arg7[%get3A_615, %get3A_616] {strides = array<i32>} : memref<32x256xf32, #tpu.memory_space<vmem>>, vector<1x16xf32>,
      %get3A_618 = vector.shape_cast %get3A_617 : vector<1x16xf32> to vector<16xf32>
      %mul3A_619 = arith.mulf %get3A_618, %get3A_52 : vector<16xf32>
      %add3A_620 = arith.addf %add3A_612, %mul3A_619 : vector<16xf32>
      %mul3A_621 = arith.mulf %get3A_618, %get3A_618 : vector<16xf32>
      %add3A_622 = arith.addf %add3A_614, %mul3A_621 : vector<16xf32>
      %mul3A_623 = arith.constant 16 : i32
      %mul3A_624 = arith.muli %scan3A_70, %mul3A_623 : i32
      %add3A_625 = arith.constant 0 : i32
      %add3A_626 = arith.addi %mul3A_624, %add3A_625 : i32
      %add3A_627 = arith.constant 4 : i32
      %add3A_628 = arith.addi %add3A_626, %add3A_627 : i32
      %get3A_629 = arith.index_cast %add3A_628 : i32 to index
      %get3A_630 = arith.constant 0 : index
      %get3A_631 = tpu.vector_load %arg7[%get3A_629, %get3A_630] {strides = array<i32>} : memref<32x256xf32, #tpu.memory_space<vmem>>, vector<1x16xf32>,
      %get3A_632 = vector.shape_cast %get3A_631 : vector<1x16xf32> to vector<16xf32>
      %mul3A_633 = arith.mulf %get3A_632, %get3A_7 : vector<16xf32>
      %mul3A_634 = arith.mulf %get3A_632, %get3A_632 : vector<16xf32>
      %get3A_635 = arith.index_cast %add3A_628 : i32 to index
      %get3A_636 = arith.constant 16 : index
      %get3A_637 = tpu.vector_load %arg7[%get3A_635, %get3A_636] {strides = array<i32>} : memref<32x256xf32, #tpu.memory_space<vmem>>, vector<1x16xf32>,
      %get3A_638 = vector.shape_cast %get3A_637 : vector<1x16xf32> to vector<16xf32>
      %mul3A_639 = arith.mulf %get3A_638, %get3A_10 : vector<16xf32>
      %add3A_640 = arith.addf %mul3A_633, %mul3A_639 : vector<16xf32>
      %mul3A_641 = arith.mulf %get3A_638, %get3A_638 : vector<16xf32>
      %add3A_642 = arith.addf %mul3A_634, %mul3A_641 : vector<16xf32>
      %get3A_643 = arith.index_cast %add3A_628 : i32 to index
      %get3A_644 = arith.constant 32 : index
      %get3A_645 = tpu.vector_load %arg7[%get3A_643, %get3A_644] {strides = array<i32>} : memref<32x256xf32, #tpu.memory_space<vmem>>, vector<1x16xf32>,
      %get3A_646 = vector.shape_cast %get3A_645 : vector<1x16xf32> to vector<16xf32>
      %mul3A_647 = arith.mulf %get3A_646, %get3A_13 : vector<16xf32>
      %add3A_648 = arith.addf %add3A_640, %mul3A_647 : vector<16xf32>
      %mul3A_649 = arith.mulf %get3A_646, %get3A_646 : vector<16xf32>
      %add3A_650 = arith.addf %add3A_642, %mul3A_649 : vector<16xf32>
      %get3A_651 = arith.index_cast %add3A_628 : i32 to index
      %get3A_652 = arith.constant 48 : index
      %get3A_653 = tpu.vector_load %arg7[%get3A_651, %get3A_652] {strides = array<i32>} : memref<32x256xf32, #tpu.memory_space<vmem>>, vector<1x16xf32>,
      %get3A_654 = vector.shape_cast %get3A_653 : vector<1x16xf32> to vector<16xf32>
      %mul3A_655 = arith.mulf %get3A_654, %get3A_16 : vector<16xf32>
      %add3A_656 = arith.addf %add3A_648, %mul3A_655 : vector<16xf32>
      %mul3A_657 = arith.mulf %get3A_654, %get3A_654 : vector<16xf32>
      %add3A_658 = arith.addf %add3A_650, %mul3A_657 : vector<16xf32>
      %get3A_659 = arith.index_cast %add3A_628 : i32 to index
      %get3A_660 = arith.constant 64 : index
      %get3A_661 = tpu.vector_load %arg7[%get3A_659, %get3A_660] {strides = array<i32>} : memref<32x256xf32, #tpu.memory_space<vmem>>, vector<1x16xf32>,
      %get3A_662 = vector.shape_cast %get3A_661 : vector<1x16xf32> to vector<16xf32>
      %mul3A_663 = arith.mulf %get3A_662, %get3A_19 : vector<16xf32>
      %add3A_664 = arith.addf %add3A_656, %mul3A_663 : vector<16xf32>
      %mul3A_665 = arith.mulf %get3A_662, %get3A_662 : vector<16xf32>
      %add3A_666 = arith.addf %add3A_658, %mul3A_665 : vector<16xf32>
      %get3A_667 = arith.index_cast %add3A_628 : i32 to index
      %get3A_668 = arith.constant 80 : index
      %get3A_669 = tpu.vector_load %arg7[%get3A_667, %get3A_668] {strides = array<i32>} : memref<32x256xf32, #tpu.memory_space<vmem>>, vector<1x16xf32>,
      %get3A_670 = vector.shape_cast %get3A_669 : vector<1x16xf32> to vector<16xf32>
      %mul3A_671 = arith.mulf %get3A_670, %get3A_22 : vector<16xf32>
      %add3A_672 = arith.addf %add3A_664, %mul3A_671 : vector<16xf32>
      %mul3A_673 = arith.mulf %get3A_670, %get3A_670 : vector<16xf32>
      %add3A_674 = arith.addf %add3A_666, %mul3A_673 : vector<16xf32>
      %get3A_675 = arith.index_cast %add3A_628 : i32 to index
      %get3A_676 = arith.constant 96 : index
      %get3A_677 = tpu.vector_load %arg7[%get3A_675, %get3A_676] {strides = array<i32>} : memref<32x256xf32, #tpu.memory_space<vmem>>, vector<1x16xf32>,
      %get3A_678 = vector.shape_cast %get3A_677 : vector<1x16xf32> to vector<16xf32>
      %mul3A_679 = arith.mulf %get3A_678, %get3A_25 : vector<16xf32>
      %add3A_680 = arith.addf %add3A_672, %mul3A_679 : vector<16xf32>
      %mul3A_681 = arith.mulf %get3A_678, %get3A_678 : vector<16xf32>
      %add3A_682 = arith.addf %add3A_674, %mul3A_681 : vector<16xf32>
      %get3A_683 = arith.index_cast %add3A_628 : i32 to index
      %get3A_684 = arith.constant 112 : index
      %get3A_685 = tpu.vector_load %arg7[%get3A_683, %get3A_684] {strides = array<i32>} : memref<32x256xf32, #tpu.memory_space<vmem>>, vector<1x16xf32>,
      %get3A_686 = vector.shape_cast %get3A_685 : vector<1x16xf32> to vector<16xf32>
      %mul3A_687 = arith.mulf %get3A_686, %get3A_28 : vector<16xf32>
      %add3A_688 = arith.addf %add3A_680, %mul3A_687 : vector<16xf32>
      %mul3A_689 = arith.mulf %get3A_686, %get3A_686 : vector<16xf32>
      %add3A_690 = arith.addf %add3A_682, %mul3A_689 : vector<16xf32>
      %get3A_691 = arith.index_cast %add3A_628 : i32 to index
      %get3A_692 = arith.constant 128 : index
      %get3A_693 = tpu.vector_load %arg7[%get3A_691, %get3A_692] {strides = array<i32>} : memref<32x256xf32, #tpu.memory_space<vmem>>, vector<1x16xf32>,
      %get3A_694 = vector.shape_cast %get3A_693 : vector<1x16xf32> to vector<16xf32>
      %mul3A_695 = arith.mulf %get3A_694, %get3A_31 : vector<16xf32>
      %add3A_696 = arith.addf %add3A_688, %mul3A_695 : vector<16xf32>
      %mul3A_697 = arith.mulf %get3A_694, %get3A_694 : vector<16xf32>
      %add3A_698 = arith.addf %add3A_690, %mul3A_697 : vector<16xf32>
      %get3A_699 = arith.index_cast %add3A_628 : i32 to index
      %get3A_700 = arith.constant 144 : index
      %get3A_701 = tpu.vector_load %arg7[%get3A_699, %get3A_700] {strides = array<i32>} : memref<32x256xf32, #tpu.memory_space<vmem>>, vector<1x16xf32>,
      %get3A_702 = vector.shape_cast %get3A_701 : vector<1x16xf32> to vector<16xf32>
      %mul3A_703 = arith.mulf %get3A_702, %get3A_34 : vector<16xf32>
      %add3A_704 = arith.addf %add3A_696, %mul3A_703 : vector<16xf32>
      %mul3A_705 = arith.mulf %get3A_702, %get3A_702 : vector<16xf32>
      %add3A_706 = arith.addf %add3A_698, %mul3A_705 : vector<16xf32>
      %get3A_707 = arith.index_cast %add3A_628 : i32 to index
      %get3A_708 = arith.constant 160 : index
      %get3A_709 = tpu.vector_load %arg7[%get3A_707, %get3A_708] {strides = array<i32>} : memref<32x256xf32, #tpu.memory_space<vmem>>, vector<1x16xf32>,
      %get3A_710 = vector.shape_cast %get3A_709 : vector<1x16xf32> to vector<16xf32>
      %mul3A_711 = arith.mulf %get3A_710, %get3A_37 : vector<16xf32>
      %add3A_712 = arith.addf %add3A_704, %mul3A_711 : vector<16xf32>
      %mul3A_713 = arith.mulf %get3A_710, %get3A_710 : vector<16xf32>
      %add3A_714 = arith.addf %add3A_706, %mul3A_713 : vector<16xf32>
      %get3A_715 = arith.index_cast %add3A_628 : i32 to index
      %get3A_716 = arith.constant 176 : index
      %get3A_717 = tpu.vector_load %arg7[%get3A_715, %get3A_716] {strides = array<i32>} : memref<32x256xf32, #tpu.memory_space<vmem>>, vector<1x16xf32>,
      %get3A_718 = vector.shape_cast %get3A_717 : vector<1x16xf32> to vector<16xf32>
      %mul3A_719 = arith.mulf %get3A_718, %get3A_40 : vector<16xf32>
      %add3A_720 = arith.addf %add3A_712, %mul3A_719 : vector<16xf32>
      %mul3A_721 = arith.mulf %get3A_718, %get3A_718 : vector<16xf32>
      %add3A_722 = arith.addf %add3A_714, %mul3A_721 : vector<16xf32>
      %get3A_723 = arith.index_cast %add3A_628 : i32 to index
      %get3A_724 = arith.constant 192 : index
      %get3A_725 = tpu.vector_load %arg7[%get3A_723, %get3A_724] {strides = array<i32>} : memref<32x256xf32, #tpu.memory_space<vmem>>, vector<1x16xf32>,
      %get3A_726 = vector.shape_cast %get3A_725 : vector<1x16xf32> to vector<16xf32>
      %mul3A_727 = arith.mulf %get3A_726, %get3A_43 : vector<16xf32>
      %add3A_728 = arith.addf %add3A_720, %mul3A_727 : vector<16xf32>
      %mul3A_729 = arith.mulf %get3A_726, %get3A_726 : vector<16xf32>
      %add3A_730 = arith.addf %add3A_722, %mul3A_729 : vector<16xf32>
      %get3A_731 = arith.index_cast %add3A_628 : i32 to index
      %get3A_732 = arith.constant 208 : index
      %get3A_733 = tpu.vector_load %arg7[%get3A_731, %get3A_732] {strides = array<i32>} : memref<32x256xf32, #tpu.memory_space<vmem>>, vector<1x16xf32>,
      %get3A_734 = vector.shape_cast %get3A_733 : vector<1x16xf32> to vector<16xf32>
      %mul3A_735 = arith.mulf %get3A_734, %get3A_46 : vector<16xf32>
      %add3A_736 = arith.addf %add3A_728, %mul3A_735 : vector<16xf32>
      %mul3A_737 = arith.mulf %get3A_734, %get3A_734 : vector<16xf32>
      %add3A_738 = arith.addf %add3A_730, %mul3A_737 : vector<16xf32>
      %get3A_739 = arith.index_cast %add3A_628 : i32 to index
      %get3A_740 = arith.constant 224 : index
      %get3A_741 = tpu.vector_load %arg7[%get3A_739, %get3A_740] {strides = array<i32>} : memref<32x256xf32, #tpu.memory_space<vmem>>, vector<1x16xf32>,
      %get3A_742 = vector.shape_cast %get3A_741 : vector<1x16xf32> to vector<16xf32>
      %mul3A_743 = arith.mulf %get3A_742, %get3A_49 : vector<16xf32>
      %add3A_744 = arith.addf %add3A_736, %mul3A_743 : vector<16xf32>
      %mul3A_745 = arith.mulf %get3A_742, %get3A_742 : vector<16xf32>
      %add3A_746 = arith.addf %add3A_738, %mul3A_745 : vector<16xf32>
      %get3A_747 = arith.index_cast %add3A_628 : i32 to index
      %get3A_748 = arith.constant 240 : index
      %get3A_749 = tpu.vector_load %arg7[%get3A_747, %get3A_748] {strides = array<i32>} : memref<32x256xf32, #tpu.memory_space<vmem>>, vector<1x16xf32>,
      %get3A_750 = vector.shape_cast %get3A_749 : vector<1x16xf32> to vector<16xf32>
      %mul3A_751 = arith.mulf %get3A_750, %get3A_52 : vector<16xf32>
      %add3A_752 = arith.addf %add3A_744, %mul3A_751 : vector<16xf32>
      %mul3A_753 = arith.mulf %get3A_750, %get3A_750 : vector<16xf32>
      %add3A_754 = arith.addf %add3A_746, %mul3A_753 : vector<16xf32>
      %mul3A_755 = arith.constant 16 : i32
      %mul3A_756 = arith.muli %scan3A_70, %mul3A_755 : i32
      %add3A_757 = arith.constant 0 : i32
      %add3A_758 = arith.addi %mul3A_756, %add3A_757 : i32
      %add3A_759 = arith.constant 5 : i32
      %add3A_760 = arith.addi %add3A_758, %add3A_759 : i32
      %get3A_761 = arith.index_cast %add3A_760 : i32 to index
      %get3A_762 = arith.constant 0 : index
      %get3A_763 = tpu.vector_load %arg7[%get3A_761, %get3A_762] {strides = array<i32>} : memref<32x256xf32, #tpu.memory_space<vmem>>, vector<1x16xf32>,
      %get3A_764 = vector.shape_cast %get3A_763 : vector<1x16xf32> to vector<16xf32>
      %mul3A_765 = arith.mulf %get3A_764, %get3A_7 : vector<16xf32>
      %mul3A_766 = arith.mulf %get3A_764, %get3A_764 : vector<16xf32>
      %get3A_767 = arith.index_cast %add3A_760 : i32 to index
      %get3A_768 = arith.constant 16 : index
      %get3A_769 = tpu.vector_load %arg7[%get3A_767, %get3A_768] {strides = array<i32>} : memref<32x256xf32, #tpu.memory_space<vmem>>, vector<1x16xf32>,
      %get3A_770 = vector.shape_cast %get3A_769 : vector<1x16xf32> to vector<16xf32>
      %mul3A_771 = arith.mulf %get3A_770, %get3A_10 : vector<16xf32>
      %add3A_772 = arith.addf %mul3A_765, %mul3A_771 : vector<16xf32>
      %mul3A_773 = arith.mulf %get3A_770, %get3A_770 : vector<16xf32>
      %add3A_774 = arith.addf %mul3A_766, %mul3A_773 : vector<16xf32>
      %get3A_775 = arith.index_cast %add3A_760 : i32 to index
      %get3A_776 = arith.constant 32 : index
      %get3A_777 = tpu.vector_load %arg7[%get3A_775, %get3A_776] {strides = array<i32>} : memref<32x256xf32, #tpu.memory_space<vmem>>, vector<1x16xf32>,
      %get3A_778 = vector.shape_cast %get3A_777 : vector<1x16xf32> to vector<16xf32>
      %mul3A_779 = arith.mulf %get3A_778, %get3A_13 : vector<16xf32>
      %add3A_780 = arith.addf %add3A_772, %mul3A_779 : vector<16xf32>
      %mul3A_781 = arith.mulf %get3A_778, %get3A_778 : vector<16xf32>
      %add3A_782 = arith.addf %add3A_774, %mul3A_781 : vector<16xf32>
      %get3A_783 = arith.index_cast %add3A_760 : i32 to index
      %get3A_784 = arith.constant 48 : index
      %get3A_785 = tpu.vector_load %arg7[%get3A_783, %get3A_784] {strides = array<i32>} : memref<32x256xf32, #tpu.memory_space<vmem>>, vector<1x16xf32>,
      %get3A_786 = vector.shape_cast %get3A_785 : vector<1x16xf32> to vector<16xf32>
      %mul3A_787 = arith.mulf %get3A_786, %get3A_16 : vector<16xf32>
      %add3A_788 = arith.addf %add3A_780, %mul3A_787 : vector<16xf32>
      %mul3A_789 = arith.mulf %get3A_786, %get3A_786 : vector<16xf32>
      %add3A_790 = arith.addf %add3A_782, %mul3A_789 : vector<16xf32>
      %get3A_791 = arith.index_cast %add3A_760 : i32 to index
      %get3A_792 = arith.constant 64 : index
      %get3A_793 = tpu.vector_load %arg7[%get3A_791, %get3A_792] {strides = array<i32>} : memref<32x256xf32, #tpu.memory_space<vmem>>, vector<1x16xf32>,
      %get3A_794 = vector.shape_cast %get3A_793 : vector<1x16xf32> to vector<16xf32>
      %mul3A_795 = arith.mulf %get3A_794, %get3A_19 : vector<16xf32>
      %add3A_796 = arith.addf %add3A_788, %mul3A_795 : vector<16xf32>
      %mul3A_797 = arith.mulf %get3A_794, %get3A_794 : vector<16xf32>
      %add3A_798 = arith.addf %add3A_790, %mul3A_797 : vector<16xf32>
      %get3A_799 = arith.index_cast %add3A_760 : i32 to index
      %get3A_800 = arith.constant 80 : index
      %get3A_801 = tpu.vector_load %arg7[%get3A_799, %get3A_800] {strides = array<i32>} : memref<32x256xf32, #tpu.memory_space<vmem>>, vector<1x16xf32>,
      %get3A_802 = vector.shape_cast %get3A_801 : vector<1x16xf32> to vector<16xf32>
      %mul3A_803 = arith.mulf %get3A_802, %get3A_22 : vector<16xf32>
      %add3A_804 = arith.addf %add3A_796, %mul3A_803 : vector<16xf32>
      %mul3A_805 = arith.mulf %get3A_802, %get3A_802 : vector<16xf32>
      %add3A_806 = arith.addf %add3A_798, %mul3A_805 : vector<16xf32>
      %get3A_807 = arith.index_cast %add3A_760 : i32 to index
      %get3A_808 = arith.constant 96 : index
      %get3A_809 = tpu.vector_load %arg7[%get3A_807, %get3A_808] {strides = array<i32>} : memref<32x256xf32, #tpu.memory_space<vmem>>, vector<1x16xf32>,
      %get3A_810 = vector.shape_cast %get3A_809 : vector<1x16xf32> to vector<16xf32>
      %mul3A_811 = arith.mulf %get3A_810, %get3A_25 : vector<16xf32>
      %add3A_812 = arith.addf %add3A_804, %mul3A_811 : vector<16xf32>
      %mul3A_813 = arith.mulf %get3A_810, %get3A_810 : vector<16xf32>
      %add3A_814 = arith.addf %add3A_806, %mul3A_813 : vector<16xf32>
      %get3A_815 = arith.index_cast %add3A_760 : i32 to index
      %get3A_816 = arith.constant 112 : index
      %get3A_817 = tpu.vector_load %arg7[%get3A_815, %get3A_816] {strides = array<i32>} : memref<32x256xf32, #tpu.memory_space<vmem>>, vector<1x16xf32>,
      %get3A_818 = vector.shape_cast %get3A_817 : vector<1x16xf32> to vector<16xf32>
      %mul3A_819 = arith.mulf %get3A_818, %get3A_28 : vector<16xf32>
      %add3A_820 = arith.addf %add3A_812, %mul3A_819 : vector<16xf32>
      %mul3A_821 = arith.mulf %get3A_818, %get3A_818 : vector<16xf32>
      %add3A_822 = arith.addf %add3A_814, %mul3A_821 : vector<16xf32>
      %get3A_823 = arith.index_cast %add3A_760 : i32 to index
      %get3A_824 = arith.constant 128 : index
      %get3A_825 = tpu.vector_load %arg7[%get3A_823, %get3A_824] {strides = array<i32>} : memref<32x256xf32, #tpu.memory_space<vmem>>, vector<1x16xf32>,
      %get3A_826 = vector.shape_cast %get3A_825 : vector<1x16xf32> to vector<16xf32>
      %mul3A_827 = arith.mulf %get3A_826, %get3A_31 : vector<16xf32>
      %add3A_828 = arith.addf %add3A_820, %mul3A_827 : vector<16xf32>
      %mul3A_829 = arith.mulf %get3A_826, %get3A_826 : vector<16xf32>
      %add3A_830 = arith.addf %add3A_822, %mul3A_829 : vector<16xf32>
      %get3A_831 = arith.index_cast %add3A_760 : i32 to index
      %get3A_832 = arith.constant 144 : index
      %get3A_833 = tpu.vector_load %arg7[%get3A_831, %get3A_832] {strides = array<i32>} : memref<32x256xf32, #tpu.memory_space<vmem>>, vector<1x16xf32>,
      %get3A_834 = vector.shape_cast %get3A_833 : vector<1x16xf32> to vector<16xf32>
      %mul3A_835 = arith.mulf %get3A_834, %get3A_34 : vector<16xf32>
      %add3A_836 = arith.addf %add3A_828, %mul3A_835 : vector<16xf32>
      %mul3A_837 = arith.mulf %get3A_834, %get3A_834 : vector<16xf32>
      %add3A_838 = arith.addf %add3A_830, %mul3A_837 : vector<16xf32>
      %get3A_839 = arith.index_cast %add3A_760 : i32 to index
      %get3A_840 = arith.constant 160 : index
      %get3A_841 = tpu.vector_load %arg7[%get3A_839, %get3A_840] {strides = array<i32>} : memref<32x256xf32, #tpu.memory_space<vmem>>, vector<1x16xf32>,
      %get3A_842 = vector.shape_cast %get3A_841 : vector<1x16xf32> to vector<16xf32>
      %mul3A_843 = arith.mulf %get3A_842, %get3A_37 : vector<16xf32>
      %add3A_844 = arith.addf %add3A_836, %mul3A_843 : vector<16xf32>
      %mul3A_845 = arith.mulf %get3A_842, %get3A_842 : vector<16xf32>
      %add3A_846 = arith.addf %add3A_838, %mul3A_845 : vector<16xf32>
      %get3A_847 = arith.index_cast %add3A_760 : i32 to index
      %get3A_848 = arith.constant 176 : index
      %get3A_849 = tpu.vector_load %arg7[%get3A_847, %get3A_848] {strides = array<i32>} : memref<32x256xf32, #tpu.memory_space<vmem>>, vector<1x16xf32>,
      %get3A_850 = vector.shape_cast %get3A_849 : vector<1x16xf32> to vector<16xf32>
      %mul3A_851 = arith.mulf %get3A_850, %get3A_40 : vector<16xf32>
      %add3A_852 = arith.addf %add3A_844, %mul3A_851 : vector<16xf32>
      %mul3A_853 = arith.mulf %get3A_850, %get3A_850 : vector<16xf32>
      %add3A_854 = arith.addf %add3A_846, %mul3A_853 : vector<16xf32>
      %get3A_855 = arith.index_cast %add3A_760 : i32 to index
      %get3A_856 = arith.constant 192 : index
      %get3A_857 = tpu.vector_load %arg7[%get3A_855, %get3A_856] {strides = array<i32>} : memref<32x256xf32, #tpu.memory_space<vmem>>, vector<1x16xf32>,
      %get3A_858 = vector.shape_cast %get3A_857 : vector<1x16xf32> to vector<16xf32>
      %mul3A_859 = arith.mulf %get3A_858, %get3A_43 : vector<16xf32>
      %add3A_860 = arith.addf %add3A_852, %mul3A_859 : vector<16xf32>
      %mul3A_861 = arith.mulf %get3A_858, %get3A_858 : vector<16xf32>
      %add3A_862 = arith.addf %add3A_854, %mul3A_861 : vector<16xf32>
      %get3A_863 = arith.index_cast %add3A_760 : i32 to index
      %get3A_864 = arith.constant 208 : index
      %get3A_865 = tpu.vector_load %arg7[%get3A_863, %get3A_864] {strides = array<i32>} : memref<32x256xf32, #tpu.memory_space<vmem>>, vector<1x16xf32>,
      %get3A_866 = vector.shape_cast %get3A_865 : vector<1x16xf32> to vector<16xf32>
      %mul3A_867 = arith.mulf %get3A_866, %get3A_46 : vector<16xf32>
      %add3A_868 = arith.addf %add3A_860, %mul3A_867 : vector<16xf32>
      %mul3A_869 = arith.mulf %get3A_866, %get3A_866 : vector<16xf32>
      %add3A_870 = arith.addf %add3A_862, %mul3A_869 : vector<16xf32>
      %get3A_871 = arith.index_cast %add3A_760 : i32 to index
      %get3A_872 = arith.constant 224 : index
      %get3A_873 = tpu.vector_load %arg7[%get3A_871, %get3A_872] {strides = array<i32>} : memref<32x256xf32, #tpu.memory_space<vmem>>, vector<1x16xf32>,
      %get3A_874 = vector.shape_cast %get3A_873 : vector<1x16xf32> to vector<16xf32>
      %mul3A_875 = arith.mulf %get3A_874, %get3A_49 : vector<16xf32>
      %add3A_876 = arith.addf %add3A_868, %mul3A_875 : vector<16xf32>
      %mul3A_877 = arith.mulf %get3A_874, %get3A_874 : vector<16xf32>
      %add3A_878 = arith.addf %add3A_870, %mul3A_877 : vector<16xf32>
      %get3A_879 = arith.index_cast %add3A_760 : i32 to index
      %get3A_880 = arith.constant 240 : index
      %get3A_881 = tpu.vector_load %arg7[%get3A_879, %get3A_880] {strides = array<i32>} : memref<32x256xf32, #tpu.memory_space<vmem>>, vector<1x16xf32>,
      %get3A_882 = vector.shape_cast %get3A_881 : vector<1x16xf32> to vector<16xf32>
      %mul3A_883 = arith.mulf %get3A_882, %get3A_52 : vector<16xf32>
      %add3A_884 = arith.addf %add3A_876, %mul3A_883 : vector<16xf32>
      %mul3A_885 = arith.mulf %get3A_882, %get3A_882 : vector<16xf32>
      %add3A_886 = arith.addf %add3A_878, %mul3A_885 : vector<16xf32>
      %mul3A_887 = arith.constant 16 : i32
      %mul3A_888 = arith.muli %scan3A_70, %mul3A_887 : i32
      %add3A_889 = arith.constant 0 : i32
      %add3A_890 = arith.addi %mul3A_888, %add3A_889 : i32
      %add3A_891 = arith.constant 6 : i32
      %add3A_892 = arith.addi %add3A_890, %add3A_891 : i32
      %get3A_893 = arith.index_cast %add3A_892 : i32 to index
      %get3A_894 = arith.constant 0 : index
      %get3A_895 = tpu.vector_load %arg7[%get3A_893, %get3A_894] {strides = array<i32>} : memref<32x256xf32, #tpu.memory_space<vmem>>, vector<1x16xf32>,
      %get3A_896 = vector.shape_cast %get3A_895 : vector<1x16xf32> to vector<16xf32>
      %mul3A_897 = arith.mulf %get3A_896, %get3A_7 : vector<16xf32>
      %mul3A_898 = arith.mulf %get3A_896, %get3A_896 : vector<16xf32>
      %get3A_899 = arith.index_cast %add3A_892 : i32 to index
      %get3A_900 = arith.constant 16 : index
      %get3A_901 = tpu.vector_load %arg7[%get3A_899, %get3A_900] {strides = array<i32>} : memref<32x256xf32, #tpu.memory_space<vmem>>, vector<1x16xf32>,
      %get3A_902 = vector.shape_cast %get3A_901 : vector<1x16xf32> to vector<16xf32>
      %mul3A_903 = arith.mulf %get3A_902, %get3A_10 : vector<16xf32>
      %add3A_904 = arith.addf %mul3A_897, %mul3A_903 : vector<16xf32>
      %mul3A_905 = arith.mulf %get3A_902, %get3A_902 : vector<16xf32>
      %add3A_906 = arith.addf %mul3A_898, %mul3A_905 : vector<16xf32>
      %get3A_907 = arith.index_cast %add3A_892 : i32 to index
      %get3A_908 = arith.constant 32 : index
      %get3A_909 = tpu.vector_load %arg7[%get3A_907, %get3A_908] {strides = array<i32>} : memref<32x256xf32, #tpu.memory_space<vmem>>, vector<1x16xf32>,
      %get3A_910 = vector.shape_cast %get3A_909 : vector<1x16xf32> to vector<16xf32>
      %mul3A_911 = arith.mulf %get3A_910, %get3A_13 : vector<16xf32>
      %add3A_912 = arith.addf %add3A_904, %mul3A_911 : vector<16xf32>
      %mul3A_913 = arith.mulf %get3A_910, %get3A_910 : vector<16xf32>
      %add3A_914 = arith.addf %add3A_906, %mul3A_913 : vector<16xf32>
      %get3A_915 = arith.index_cast %add3A_892 : i32 to index
      %get3A_916 = arith.constant 48 : index
      %get3A_917 = tpu.vector_load %arg7[%get3A_915, %get3A_916] {strides = array<i32>} : memref<32x256xf32, #tpu.memory_space<vmem>>, vector<1x16xf32>,
      %get3A_918 = vector.shape_cast %get3A_917 : vector<1x16xf32> to vector<16xf32>
      %mul3A_919 = arith.mulf %get3A_918, %get3A_16 : vector<16xf32>
      %add3A_920 = arith.addf %add3A_912, %mul3A_919 : vector<16xf32>
      %mul3A_921 = arith.mulf %get3A_918, %get3A_918 : vector<16xf32>
      %add3A_922 = arith.addf %add3A_914, %mul3A_921 : vector<16xf32>
      %get3A_923 = arith.index_cast %add3A_892 : i32 to index
      %get3A_924 = arith.constant 64 : index
      %get3A_925 = tpu.vector_load %arg7[%get3A_923, %get3A_924] {strides = array<i32>} : memref<32x256xf32, #tpu.memory_space<vmem>>, vector<1x16xf32>,
      %get3A_926 = vector.shape_cast %get3A_925 : vector<1x16xf32> to vector<16xf32>
      %mul3A_927 = arith.mulf %get3A_926, %get3A_19 : vector<16xf32>
      %add3A_928 = arith.addf %add3A_920, %mul3A_927 : vector<16xf32>
      %mul3A_929 = arith.mulf %get3A_926, %get3A_926 : vector<16xf32>
      %add3A_930 = arith.addf %add3A_922, %mul3A_929 : vector<16xf32>
      %get3A_931 = arith.index_cast %add3A_892 : i32 to index
      %get3A_932 = arith.constant 80 : index
      %get3A_933 = tpu.vector_load %arg7[%get3A_931, %get3A_932] {strides = array<i32>} : memref<32x256xf32, #tpu.memory_space<vmem>>, vector<1x16xf32>,
      %get3A_934 = vector.shape_cast %get3A_933 : vector<1x16xf32> to vector<16xf32>
      %mul3A_935 = arith.mulf %get3A_934, %get3A_22 : vector<16xf32>
      %add3A_936 = arith.addf %add3A_928, %mul3A_935 : vector<16xf32>
      %mul3A_937 = arith.mulf %get3A_934, %get3A_934 : vector<16xf32>
      %add3A_938 = arith.addf %add3A_930, %mul3A_937 : vector<16xf32>
      %get3A_939 = arith.index_cast %add3A_892 : i32 to index
      %get3A_940 = arith.constant 96 : index
      %get3A_941 = tpu.vector_load %arg7[%get3A_939, %get3A_940] {strides = array<i32>} : memref<32x256xf32, #tpu.memory_space<vmem>>, vector<1x16xf32>,
      %get3A_942 = vector.shape_cast %get3A_941 : vector<1x16xf32> to vector<16xf32>
      %mul3A_943 = arith.mulf %get3A_942, %get3A_25 : vector<16xf32>
      %add3A_944 = arith.addf %add3A_936, %mul3A_943 : vector<16xf32>
      %mul3A_945 = arith.mulf %get3A_942, %get3A_942 : vector<16xf32>
      %add3A_946 = arith.addf %add3A_938, %mul3A_945 : vector<16xf32>
      %get3A_947 = arith.index_cast %add3A_892 : i32 to index
      %get3A_948 = arith.constant 112 : index
      %get3A_949 = tpu.vector_load %arg7[%get3A_947, %get3A_948] {strides = array<i32>} : memref<32x256xf32, #tpu.memory_space<vmem>>, vector<1x16xf32>,
      %get3A_950 = vector.shape_cast %get3A_949 : vector<1x16xf32> to vector<16xf32>
      %mul3A_951 = arith.mulf %get3A_950, %get3A_28 : vector<16xf32>
      %add3A_952 = arith.addf %add3A_944, %mul3A_951 : vector<16xf32>
      %mul3A_953 = arith.mulf %get3A_950, %get3A_950 : vector<16xf32>
      %add3A_954 = arith.addf %add3A_946, %mul3A_953 : vector<16xf32>
      %get3A_955 = arith.index_cast %add3A_892 : i32 to index
      %get3A_956 = arith.constant 128 : index
      %get3A_957 = tpu.vector_load %arg7[%get3A_955, %get3A_956] {strides = array<i32>} : memref<32x256xf32, #tpu.memory_space<vmem>>, vector<1x16xf32>,
      %get3A_958 = vector.shape_cast %get3A_957 : vector<1x16xf32> to vector<16xf32>
      %mul3A_959 = arith.mulf %get3A_958, %get3A_31 : vector<16xf32>
      %add3A_960 = arith.addf %add3A_952, %mul3A_959 : vector<16xf32>
      %mul3A_961 = arith.mulf %get3A_958, %get3A_958 : vector<16xf32>
      %add3A_962 = arith.addf %add3A_954, %mul3A_961 : vector<16xf32>
      %get3A_963 = arith.index_cast %add3A_892 : i32 to index
      %get3A_964 = arith.constant 144 : index
      %get3A_965 = tpu.vector_load %arg7[%get3A_963, %get3A_964] {strides = array<i32>} : memref<32x256xf32, #tpu.memory_space<vmem>>, vector<1x16xf32>,
      %get3A_966 = vector.shape_cast %get3A_965 : vector<1x16xf32> to vector<16xf32>
      %mul3A_967 = arith.mulf %get3A_966, %get3A_34 : vector<16xf32>
      %add3A_968 = arith.addf %add3A_960, %mul3A_967 : vector<16xf32>
      %mul3A_969 = arith.mulf %get3A_966, %get3A_966 : vector<16xf32>
      %add3A_970 = arith.addf %add3A_962, %mul3A_969 : vector<16xf32>
      %get3A_971 = arith.index_cast %add3A_892 : i32 to index
      %get3A_972 = arith.constant 160 : index
      %get3A_973 = tpu.vector_load %arg7[%get3A_971, %get3A_972] {strides = array<i32>} : memref<32x256xf32, #tpu.memory_space<vmem>>, vector<1x16xf32>,
      %get3A_974 = vector.shape_cast %get3A_973 : vector<1x16xf32> to vector<16xf32>
      %mul3A_975 = arith.mulf %get3A_974, %get3A_37 : vector<16xf32>
      %add3A_976 = arith.addf %add3A_968, %mul3A_975 : vector<16xf32>
      %mul3A_977 = arith.mulf %get3A_974, %get3A_974 : vector<16xf32>
      %add3A_978 = arith.addf %add3A_970, %mul3A_977 : vector<16xf32>
      %get3A_979 = arith.index_cast %add3A_892 : i32 to index
      %get3A_980 = arith.constant 176 : index
      %get3A_981 = tpu.vector_load %arg7[%get3A_979, %get3A_980] {strides = array<i32>} : memref<32x256xf32, #tpu.memory_space<vmem>>, vector<1x16xf32>,
      %get3A_982 = vector.shape_cast %get3A_981 : vector<1x16xf32> to vector<16xf32>
      %mul3A_983 = arith.mulf %get3A_982, %get3A_40 : vector<16xf32>
      %add3A_984 = arith.addf %add3A_976, %mul3A_983 : vector<16xf32>
      %mul3A_985 = arith.mulf %get3A_982, %get3A_982 : vector<16xf32>
      %add3A_986 = arith.addf %add3A_978, %mul3A_985 : vector<16xf32>
      %get3A_987 = arith.index_cast %add3A_892 : i32 to index
      %get3A_988 = arith.constant 192 : index
      %get3A_989 = tpu.vector_load %arg7[%get3A_987, %get3A_988] {strides = array<i32>} : memref<32x256xf32, #tpu.memory_space<vmem>>, vector<1x16xf32>,
      %get3A_990 = vector.shape_cast %get3A_989 : vector<1x16xf32> to vector<16xf32>
      %mul3A_991 = arith.mulf %get3A_990, %get3A_43 : vector<16xf32>
      %add3A_992 = arith.addf %add3A_984, %mul3A_991 : vector<16xf32>
      %mul3A_993 = arith.mulf %get3A_990, %get3A_990 : vector<16xf32>
      %add3A_994 = arith.addf %add3A_986, %mul3A_993 : vector<16xf32>
      %get3A_995 = arith.index_cast %add3A_892 : i32 to index
      %get3A_996 = arith.constant 208 : index
      %get3A_997 = tpu.vector_load %arg7[%get3A_995, %get3A_996] {strides = array<i32>} : memref<32x256xf32, #tpu.memory_space<vmem>>, vector<1x16xf32>,
      %get3A_998 = vector.shape_cast %get3A_997 : vector<1x16xf32> to vector<16xf32>
      %mul3A_999 = arith.mulf %get3A_998, %get3A_46 : vector<16xf32>
      %add3A_1000 = arith.addf %add3A_992, %mul3A_999 : vector<16xf32>
      %mul3A_1001 = arith.mulf %get3A_998, %get3A_998 : vector<16xf32>
      %add3A_1002 = arith.addf %add3A_994, %mul3A_1001 : vector<16xf32>
      %get3A_1003 = arith.index_cast %add3A_892 : i32 to index
      %get3A_1004 = arith.constant 224 : index
      %get3A_1005 = tpu.vector_load %arg7[%get3A_1003, %get3A_1004] {strides = array<i32>} : memref<32x256xf32, #tpu.memory_space<vmem>>, vector<1x16xf32>,
      %get3A_1006 = vector.shape_cast %get3A_1005 : vector<1x16xf32> to vector<16xf32>
      %mul3A_1007 = arith.mulf %get3A_1006, %get3A_49 : vector<16xf32>
      %add3A_1008 = arith.addf %add3A_1000, %mul3A_1007 : vector<16xf32>
      %mul3A_1009 = arith.mulf %get3A_1006, %get3A_1006 : vector<16xf32>
      %add3A_1010 = arith.addf %add3A_1002, %mul3A_1009 : vector<16xf32>
      %get3A_1011 = arith.index_cast %add3A_892 : i32 to index
      %get3A_1012 = arith.constant 240 : index
      %get3A_1013 = tpu.vector_load %arg7[%get3A_1011, %get3A_1012] {strides = array<i32>} : memref<32x256xf32, #tpu.memory_space<vmem>>, vector<1x16xf32>,
      %get3A_1014 = vector.shape_cast %get3A_1013 : vector<1x16xf32> to vector<16xf32>
      %mul3A_1015 = arith.mulf %get3A_1014, %get3A_52 : vector<16xf32>
      %add3A_1016 = arith.addf %add3A_1008, %mul3A_1015 : vector<16xf32>
      %mul3A_1017 = arith.mulf %get3A_1014, %get3A_1014 : vector<16xf32>
      %add3A_1018 = arith.addf %add3A_1010, %mul3A_1017 : vector<16xf32>
      %mul3A_1019 = arith.constant 16 : i32
      %mul3A_1020 = arith.muli %scan3A_70, %mul3A_1019 : i32
      %add3A_1021 = arith.constant 0 : i32
      %add3A_1022 = arith.addi %mul3A_1020, %add3A_1021 : i32
      %add3A_1023 = arith.constant 7 : i32
      %add3A_1024 = arith.addi %add3A_1022, %add3A_1023 : i32
      %get3A_1025 = arith.index_cast %add3A_1024 : i32 to index
      %get3A_1026 = arith.constant 0 : index
      %get3A_1027 = tpu.vector_load %arg7[%get3A_1025, %get3A_1026] {strides = array<i32>} : memref<32x256xf32, #tpu.memory_space<vmem>>, vector<1x16xf32>,
      %get3A_1028 = vector.shape_cast %get3A_1027 : vector<1x16xf32> to vector<16xf32>
      %mul3A_1029 = arith.mulf %get3A_1028, %get3A_7 : vector<16xf32>
      %mul3A_1030 = arith.mulf %get3A_1028, %get3A_1028 : vector<16xf32>
      %get3A_1031 = arith.index_cast %add3A_1024 : i32 to index
      %get3A_1032 = arith.constant 16 : index
      %get3A_1033 = tpu.vector_load %arg7[%get3A_1031, %get3A_1032] {strides = array<i32>} : memref<32x256xf32, #tpu.memory_space<vmem>>, vector<1x16xf32>,
      %get3A_1034 = vector.shape_cast %get3A_1033 : vector<1x16xf32> to vector<16xf32>
      %mul3A_1035 = arith.mulf %get3A_1034, %get3A_10 : vector<16xf32>
      %add3A_1036 = arith.addf %mul3A_1029, %mul3A_1035 : vector<16xf32>
      %mul3A_1037 = arith.mulf %get3A_1034, %get3A_1034 : vector<16xf32>
      %add3A_1038 = arith.addf %mul3A_1030, %mul3A_1037 : vector<16xf32>
      %get3A_1039 = arith.index_cast %add3A_1024 : i32 to index
      %get3A_1040 = arith.constant 32 : index
      %get3A_1041 = tpu.vector_load %arg7[%get3A_1039, %get3A_1040] {strides = array<i32>} : memref<32x256xf32, #tpu.memory_space<vmem>>, vector<1x16xf32>,
      %get3A_1042 = vector.shape_cast %get3A_1041 : vector<1x16xf32> to vector<16xf32>
      %mul3A_1043 = arith.mulf %get3A_1042, %get3A_13 : vector<16xf32>
      %add3A_1044 = arith.addf %add3A_1036, %mul3A_1043 : vector<16xf32>
      %mul3A_1045 = arith.mulf %get3A_1042, %get3A_1042 : vector<16xf32>
      %add3A_1046 = arith.addf %add3A_1038, %mul3A_1045 : vector<16xf32>
      %get3A_1047 = arith.index_cast %add3A_1024 : i32 to index
      %get3A_1048 = arith.constant 48 : index
      %get3A_1049 = tpu.vector_load %arg7[%get3A_1047, %get3A_1048] {strides = array<i32>} : memref<32x256xf32, #tpu.memory_space<vmem>>, vector<1x16xf32>,
      %get3A_1050 = vector.shape_cast %get3A_1049 : vector<1x16xf32> to vector<16xf32>
      %mul3A_1051 = arith.mulf %get3A_1050, %get3A_16 : vector<16xf32>
      %add3A_1052 = arith.addf %add3A_1044, %mul3A_1051 : vector<16xf32>
      %mul3A_1053 = arith.mulf %get3A_1050, %get3A_1050 : vector<16xf32>
      %add3A_1054 = arith.addf %add3A_1046, %mul3A_1053 : vector<16xf32>
      %get3A_1055 = arith.index_cast %add3A_1024 : i32 to index
      %get3A_1056 = arith.constant 64 : index
      %get3A_1057 = tpu.vector_load %arg7[%get3A_1055, %get3A_1056] {strides = array<i32>} : memref<32x256xf32, #tpu.memory_space<vmem>>, vector<1x16xf32>,
      %get3A_1058 = vector.shape_cast %get3A_1057 : vector<1x16xf32> to vector<16xf32>
      %mul3A_1059 = arith.mulf %get3A_1058, %get3A_19 : vector<16xf32>
      %add3A_1060 = arith.addf %add3A_1052, %mul3A_1059 : vector<16xf32>
      %mul3A_1061 = arith.mulf %get3A_1058, %get3A_1058 : vector<16xf32>
      %add3A_1062 = arith.addf %add3A_1054, %mul3A_1061 : vector<16xf32>
      %get3A_1063 = arith.index_cast %add3A_1024 : i32 to index
      %get3A_1064 = arith.constant 80 : index
      %get3A_1065 = tpu.vector_load %arg7[%get3A_1063, %get3A_1064] {strides = array<i32>} : memref<32x256xf32, #tpu.memory_space<vmem>>, vector<1x16xf32>,
      %get3A_1066 = vector.shape_cast %get3A_1065 : vector<1x16xf32> to vector<16xf32>
      %mul3A_1067 = arith.mulf %get3A_1066, %get3A_22 : vector<16xf32>
      %add3A_1068 = arith.addf %add3A_1060, %mul3A_1067 : vector<16xf32>
      %mul3A_1069 = arith.mulf %get3A_1066, %get3A_1066 : vector<16xf32>
      %add3A_1070 = arith.addf %add3A_1062, %mul3A_1069 : vector<16xf32>
      %get3A_1071 = arith.index_cast %add3A_1024 : i32 to index
      %get3A_1072 = arith.constant 96 : index
      %get3A_1073 = tpu.vector_load %arg7[%get3A_1071, %get3A_1072] {strides = array<i32>} : memref<32x256xf32, #tpu.memory_space<vmem>>, vector<1x16xf32>,
      %get3A_1074 = vector.shape_cast %get3A_1073 : vector<1x16xf32> to vector<16xf32>
      %mul3A_1075 = arith.mulf %get3A_1074, %get3A_25 : vector<16xf32>
      %add3A_1076 = arith.addf %add3A_1068, %mul3A_1075 : vector<16xf32>
      %mul3A_1077 = arith.mulf %get3A_1074, %get3A_1074 : vector<16xf32>
      %add3A_1078 = arith.addf %add3A_1070, %mul3A_1077 : vector<16xf32>
      %get3A_1079 = arith.index_cast %add3A_1024 : i32 to index
      %get3A_1080 = arith.constant 112 : index
      %get3A_1081 = tpu.vector_load %arg7[%get3A_1079, %get3A_1080] {strides = array<i32>} : memref<32x256xf32, #tpu.memory_space<vmem>>, vector<1x16xf32>,
      %get3A_1082 = vector.shape_cast %get3A_1081 : vector<1x16xf32> to vector<16xf32>
      %mul3A_1083 = arith.mulf %get3A_1082, %get3A_28 : vector<16xf32>
      %add3A_1084 = arith.addf %add3A_1076, %mul3A_1083 : vector<16xf32>
      %mul3A_1085 = arith.mulf %get3A_1082, %get3A_1082 : vector<16xf32>
      %add3A_1086 = arith.addf %add3A_1078, %mul3A_1085 : vector<16xf32>
      %get3A_1087 = arith.index_cast %add3A_1024 : i32 to index
      %get3A_1088 = arith.constant 128 : index
      %get3A_1089 = tpu.vector_load %arg7[%get3A_1087, %get3A_1088] {strides = array<i32>} : memref<32x256xf32, #tpu.memory_space<vmem>>, vector<1x16xf32>,
      %get3A_1090 = vector.shape_cast %get3A_1089 : vector<1x16xf32> to vector<16xf32>
      %mul3A_1091 = arith.mulf %get3A_1090, %get3A_31 : vector<16xf32>
      %add3A_1092 = arith.addf %add3A_1084, %mul3A_1091 : vector<16xf32>
      %mul3A_1093 = arith.mulf %get3A_1090, %get3A_1090 : vector<16xf32>
      %add3A_1094 = arith.addf %add3A_1086, %mul3A_1093 : vector<16xf32>
      %get3A_1095 = arith.index_cast %add3A_1024 : i32 to index
      %get3A_1096 = arith.constant 144 : index
      %get3A_1097 = tpu.vector_load %arg7[%get3A_1095, %get3A_1096] {strides = array<i32>} : memref<32x256xf32, #tpu.memory_space<vmem>>, vector<1x16xf32>,
      %get3A_1098 = vector.shape_cast %get3A_1097 : vector<1x16xf32> to vector<16xf32>
      %mul3A_1099 = arith.mulf %get3A_1098, %get3A_34 : vector<16xf32>
      %add3A_1100 = arith.addf %add3A_1092, %mul3A_1099 : vector<16xf32>
      %mul3A_1101 = arith.mulf %get3A_1098, %get3A_1098 : vector<16xf32>
      %add3A_1102 = arith.addf %add3A_1094, %mul3A_1101 : vector<16xf32>
      %get3A_1103 = arith.index_cast %add3A_1024 : i32 to index
      %get3A_1104 = arith.constant 160 : index
      %get3A_1105 = tpu.vector_load %arg7[%get3A_1103, %get3A_1104] {strides = array<i32>} : memref<32x256xf32, #tpu.memory_space<vmem>>, vector<1x16xf32>,
      %get3A_1106 = vector.shape_cast %get3A_1105 : vector<1x16xf32> to vector<16xf32>
      %mul3A_1107 = arith.mulf %get3A_1106, %get3A_37 : vector<16xf32>
      %add3A_1108 = arith.addf %add3A_1100, %mul3A_1107 : vector<16xf32>
      %mul3A_1109 = arith.mulf %get3A_1106, %get3A_1106 : vector<16xf32>
      %add3A_1110 = arith.addf %add3A_1102, %mul3A_1109 : vector<16xf32>
      %get3A_1111 = arith.index_cast %add3A_1024 : i32 to index
      %get3A_1112 = arith.constant 176 : index
      %get3A_1113 = tpu.vector_load %arg7[%get3A_1111, %get3A_1112] {strides = array<i32>} : memref<32x256xf32, #tpu.memory_space<vmem>>, vector<1x16xf32>,
      %get3A_1114 = vector.shape_cast %get3A_1113 : vector<1x16xf32> to vector<16xf32>
      %mul3A_1115 = arith.mulf %get3A_1114, %get3A_40 : vector<16xf32>
      %add3A_1116 = arith.addf %add3A_1108, %mul3A_1115 : vector<16xf32>
      %mul3A_1117 = arith.mulf %get3A_1114, %get3A_1114 : vector<16xf32>
      %add3A_1118 = arith.addf %add3A_1110, %mul3A_1117 : vector<16xf32>
      %get3A_1119 = arith.index_cast %add3A_1024 : i32 to index
      %get3A_1120 = arith.constant 192 : index
      %get3A_1121 = tpu.vector_load %arg7[%get3A_1119, %get3A_1120] {strides = array<i32>} : memref<32x256xf32, #tpu.memory_space<vmem>>, vector<1x16xf32>,
      %get3A_1122 = vector.shape_cast %get3A_1121 : vector<1x16xf32> to vector<16xf32>
      %mul3A_1123 = arith.mulf %get3A_1122, %get3A_43 : vector<16xf32>
      %add3A_1124 = arith.addf %add3A_1116, %mul3A_1123 : vector<16xf32>
      %mul3A_1125 = arith.mulf %get3A_1122, %get3A_1122 : vector<16xf32>
      %add3A_1126 = arith.addf %add3A_1118, %mul3A_1125 : vector<16xf32>
      %get3A_1127 = arith.index_cast %add3A_1024 : i32 to index
      %get3A_1128 = arith.constant 208 : index
      %get3A_1129 = tpu.vector_load %arg7[%get3A_1127, %get3A_1128] {strides = array<i32>} : memref<32x256xf32, #tpu.memory_space<vmem>>, vector<1x16xf32>,
      %get3A_1130 = vector.shape_cast %get3A_1129 : vector<1x16xf32> to vector<16xf32>
      %mul3A_1131 = arith.mulf %get3A_1130, %get3A_46 : vector<16xf32>
      %add3A_1132 = arith.addf %add3A_1124, %mul3A_1131 : vector<16xf32>
      %mul3A_1133 = arith.mulf %get3A_1130, %get3A_1130 : vector<16xf32>
      %add3A_1134 = arith.addf %add3A_1126, %mul3A_1133 : vector<16xf32>
      %get3A_1135 = arith.index_cast %add3A_1024 : i32 to index
      %get3A_1136 = arith.constant 224 : index
      %get3A_1137 = tpu.vector_load %arg7[%get3A_1135, %get3A_1136] {strides = array<i32>} : memref<32x256xf32, #tpu.memory_space<vmem>>, vector<1x16xf32>,
      %get3A_1138 = vector.shape_cast %get3A_1137 : vector<1x16xf32> to vector<16xf32>
      %mul3A_1139 = arith.mulf %get3A_1138, %get3A_49 : vector<16xf32>
      %add3A_1140 = arith.addf %add3A_1132, %mul3A_1139 : vector<16xf32>
      %mul3A_1141 = arith.mulf %get3A_1138, %get3A_1138 : vector<16xf32>
      %add3A_1142 = arith.addf %add3A_1134, %mul3A_1141 : vector<16xf32>
      %get3A_1143 = arith.index_cast %add3A_1024 : i32 to index
      %get3A_1144 = arith.constant 240 : index
      %get3A_1145 = tpu.vector_load %arg7[%get3A_1143, %get3A_1144] {strides = array<i32>} : memref<32x256xf32, #tpu.memory_space<vmem>>, vector<1x16xf32>,
      %get3A_1146 = vector.shape_cast %get3A_1145 : vector<1x16xf32> to vector<16xf32>
      %mul3A_1147 = arith.mulf %get3A_1146, %get3A_52 : vector<16xf32>
      %add3A_1148 = arith.addf %add3A_1140, %mul3A_1147 : vector<16xf32>
      %mul3A_1149 = arith.mulf %get3A_1146, %get3A_1146 : vector<16xf32>
      %add3A_1150 = arith.addf %add3A_1142, %mul3A_1149 : vector<16xf32>
      %xor3A = arith.constant 8 : i32
      %xor3A_1151 = vector.broadcast %xor3A : i32 to vector<16xi32>
      %xor3A_1152 = arith.xori %iota3A, %xor3A_1151 : vector<16xi32>
      %broadcast_in_dim3A = vector.shape_cast %xor3A_1152 : vector<16xi32> to vector<16x1xi32>
      %gather3A = vector.shape_cast %broadcast_in_dim3A : vector<16x1xi32> to vector<16xi32>
      %gather3A_1153 = tpu.dynamic_gather %add3A_224[%gather3A] in [0] : vector<16xf32>, vector<16xi32> -> vector<16xf32>
      %add3A_1154 = arith.addf %add3A_224, %gather3A_1153 : vector<16xf32>
      %xor3A_1155 = arith.constant 8 : i32
      %xor3A_1156 = vector.broadcast %xor3A_1155 : i32 to vector<16xi32>
      %xor3A_1157 = arith.xori %iota3A, %xor3A_1156 : vector<16xi32>
      %broadcast_in_dim3A_1158 = vector.shape_cast %xor3A_1157 : vector<16xi32> to vector<16x1xi32>
      %gather3A_1159 = vector.shape_cast %broadcast_in_dim3A_1158 : vector<16x1xi32> to vector<16xi32>
      %gather3A_1160 = tpu.dynamic_gather %add3A_356[%gather3A_1159] in [0] : vector<16xf32>, vector<16xi32> -> vector<16xf32>
      %add3A_1161 = arith.addf %add3A_356, %gather3A_1160 : vector<16xf32>
      %and3A_1162 = arith.constant 8 : i32
      %and3A_1163 = vector.broadcast %and3A_1162 : i32 to vector<16xi32>
      %and3A_1164 = arith.andi %iota3A, %and3A_1163 : vector<16xi32>
      %eq3A = arith.constant 0 : i32
      %eq3A_1165 = vector.broadcast %eq3A : i32 to vector<16xi32>
      %eq3A_1166 = arith.cmpi eq, %and3A_1164, %eq3A_1165 : vector<16xi32>
      %select_n3A = arith.select %eq3A_1166, %add3A_1154, %add3A_1161 : vector<16xi1>, vector<16xf32>
      %xor3A_1167 = arith.constant 8 : i32
      %xor3A_1168 = vector.broadcast %xor3A_1167 : i32 to vector<16xi32>
      %xor3A_1169 = arith.xori %iota3A, %xor3A_1168 : vector<16xi32>
      %broadcast_in_dim3A_1170 = vector.shape_cast %xor3A_1169 : vector<16xi32> to vector<16x1xi32>
      %gather3A_1171 = vector.shape_cast %broadcast_in_dim3A_1170 : vector<16x1xi32> to vector<16xi32>
      %gather3A_1172 = tpu.dynamic_gather %add3A_488[%gather3A_1171] in [0] : vector<16xf32>, vector<16xi32> -> vector<16xf32>
      %add3A_1173 = arith.addf %add3A_488, %gather3A_1172 : vector<16xf32>
      %xor3A_1174 = arith.constant 8 : i32
      %xor3A_1175 = vector.broadcast %xor3A_1174 : i32 to vector<16xi32>
      %xor3A_1176 = arith.xori %iota3A, %xor3A_1175 : vector<16xi32>
      %broadcast_in_dim3A_1177 = vector.shape_cast %xor3A_1176 : vector<16xi32> to vector<16x1xi32>
      %gather3A_1178 = vector.shape_cast %broadcast_in_dim3A_1177 : vector<16x1xi32> to vector<16xi32>
      %gather3A_1179 = tpu.dynamic_gather %add3A_620[%gather3A_1178] in [0] : vector<16xf32>, vector<16xi32> -> vector<16xf32>
      %add3A_1180 = arith.addf %add3A_620, %gather3A_1179 : vector<16xf32>
      %and3A_1181 = arith.constant 8 : i32
      %and3A_1182 = vector.broadcast %and3A_1181 : i32 to vector<16xi32>
      %and3A_1183 = arith.andi %iota3A, %and3A_1182 : vector<16xi32>
      %eq3A_1184 = arith.constant 0 : i32
      %eq3A_1185 = vector.broadcast %eq3A_1184 : i32 to vector<16xi32>
      %eq3A_1186 = arith.cmpi eq, %and3A_1183, %eq3A_1185 : vector<16xi32>
      %select_n3A_1187 = arith.select %eq3A_1186, %add3A_1173, %add3A_1180 : vector<16xi1>, vector<16xf32>
      %xor3A_1188 = arith.constant 8 : i32
      %xor3A_1189 = vector.broadcast %xor3A_1188 : i32 to vector<16xi32>
      %xor3A_1190 = arith.xori %iota3A, %xor3A_1189 : vector<16xi32>
      %broadcast_in_dim3A_1191 = vector.shape_cast %xor3A_1190 : vector<16xi32> to vector<16x1xi32>
      %gather3A_1192 = vector.shape_cast %broadcast_in_dim3A_1191 : vector<16x1xi32> to vector<16xi32>
      %gather3A_1193 = tpu.dynamic_gather %add3A_752[%gather3A_1192] in [0] : vector<16xf32>, vector<16xi32> -> vector<16xf32>
      %add3A_1194 = arith.addf %add3A_752, %gather3A_1193 : vector<16xf32>
      %xor3A_1195 = arith.constant 8 : i32
      %xor3A_1196 = vector.broadcast %xor3A_1195 : i32 to vector<16xi32>
      %xor3A_1197 = arith.xori %iota3A, %xor3A_1196 : vector<16xi32>
      %broadcast_in_dim3A_1198 = vector.shape_cast %xor3A_1197 : vector<16xi32> to vector<16x1xi32>
      %gather3A_1199 = vector.shape_cast %broadcast_in_dim3A_1198 : vector<16x1xi32> to vector<16xi32>
      %gather3A_1200 = tpu.dynamic_gather %add3A_884[%gather3A_1199] in [0] : vector<16xf32>, vector<16xi32> -> vector<16xf32>
      %add3A_1201 = arith.addf %add3A_884, %gather3A_1200 : vector<16xf32>
      %and3A_1202 = arith.constant 8 : i32
      %and3A_1203 = vector.broadcast %and3A_1202 : i32 to vector<16xi32>
      %and3A_1204 = arith.andi %iota3A, %and3A_1203 : vector<16xi32>
      %eq3A_1205 = arith.constant 0 : i32
      %eq3A_1206 = vector.broadcast %eq3A_1205 : i32 to vector<16xi32>
      %eq3A_1207 = arith.cmpi eq, %and3A_1204, %eq3A_1206 : vector<16xi32>
      %select_n3A_1208 = arith.select %eq3A_1207, %add3A_1194, %add3A_1201 : vector<16xi1>, vector<16xf32>
      %xor3A_1209 = arith.constant 8 : i32
      %xor3A_1210 = vector.broadcast %xor3A_1209 : i32 to vector<16xi32>
      %xor3A_1211 = arith.xori %iota3A, %xor3A_1210 : vector<16xi32>
      %broadcast_in_dim3A_1212 = vector.shape_cast %xor3A_1211 : vector<16xi32> to vector<16x1xi32>
      %gather3A_1213 = vector.shape_cast %broadcast_in_dim3A_1212 : vector<16x1xi32> to vector<16xi32>
      %gather3A_1214 = tpu.dynamic_gather %add3A_1016[%gather3A_1213] in [0] : vector<16xf32>, vector<16xi32> -> vector<16xf32>
      %add3A_1215 = arith.addf %add3A_1016, %gather3A_1214 : vector<16xf32>
      %xor3A_1216 = arith.constant 8 : i32
      %xor3A_1217 = vector.broadcast %xor3A_1216 : i32 to vector<16xi32>
      %xor3A_1218 = arith.xori %iota3A, %xor3A_1217 : vector<16xi32>
      %broadcast_in_dim3A_1219 = vector.shape_cast %xor3A_1218 : vector<16xi32> to vector<16x1xi32>
      %gather3A_1220 = vector.shape_cast %broadcast_in_dim3A_1219 : vector<16x1xi32> to vector<16xi32>
      %gather3A_1221 = tpu.dynamic_gather %add3A_1148[%gather3A_1220] in [0] : vector<16xf32>, vector<16xi32> -> vector<16xf32>
      %add3A_1222 = arith.addf %add3A_1148, %gather3A_1221 : vector<16xf32>
      %and3A_1223 = arith.constant 8 : i32
      %and3A_1224 = vector.broadcast %and3A_1223 : i32 to vector<16xi32>
      %and3A_1225 = arith.andi %iota3A, %and3A_1224 : vector<16xi32>
      %eq3A_1226 = arith.constant 0 : i32
      %eq3A_1227 = vector.broadcast %eq3A_1226 : i32 to vector<16xi32>
      %eq3A_1228 = arith.cmpi eq, %and3A_1225, %eq3A_1227 : vector<16xi32>
      %select_n3A_1229 = arith.select %eq3A_1228, %add3A_1215, %add3A_1222 : vector<16xi1>, vector<16xf32>
      %xor3A_1230 = arith.constant 4 : i32
      %xor3A_1231 = vector.broadcast %xor3A_1230 : i32 to vector<16xi32>
      %xor3A_1232 = arith.xori %iota3A, %xor3A_1231 : vector<16xi32>
      %broadcast_in_dim3A_1233 = vector.shape_cast %xor3A_1232 : vector<16xi32> to vector<16x1xi32>
      %gather3A_1234 = vector.shape_cast %broadcast_in_dim3A_1233 : vector<16x1xi32> to vector<16xi32>
      %gather3A_1235 = tpu.dynamic_gather %select_n3A[%gather3A_1234] in [0] : vector<16xf32>, vector<16xi32> -> vector<16xf32>
      %add3A_1236 = arith.addf %select_n3A, %gather3A_1235 : vector<16xf32>
      %xor3A_1237 = arith.constant 4 : i32
      %xor3A_1238 = vector.broadcast %xor3A_1237 : i32 to vector<16xi32>
      %xor3A_1239 = arith.xori %iota3A, %xor3A_1238 : vector<16xi32>
      %broadcast_in_dim3A_1240 = vector.shape_cast %xor3A_1239 : vector<16xi32> to vector<16x1xi32>
      %gather3A_1241 = vector.shape_cast %broadcast_in_dim3A_1240 : vector<16x1xi32> to vector<16xi32>
      %gather3A_1242 = tpu.dynamic_gather %select_n3A_1187[%gather3A_1241] in [0] : vector<16xf32>, vector<16xi32> -> vector<16xf32>
      %add3A_1243 = arith.addf %select_n3A_1187, %gather3A_1242 : vector<16xf32>
      %and3A_1244 = arith.constant 4 : i32
      %and3A_1245 = vector.broadcast %and3A_1244 : i32 to vector<16xi32>
      %and3A_1246 = arith.andi %iota3A, %and3A_1245 : vector<16xi32>
      %eq3A_1247 = arith.constant 0 : i32
      %eq3A_1248 = vector.broadcast %eq3A_1247 : i32 to vector<16xi32>
      %eq3A_1249 = arith.cmpi eq, %and3A_1246, %eq3A_1248 : vector<16xi32>
      %select_n3A_1250 = arith.select %eq3A_1249, %add3A_1236, %add3A_1243 : vector<16xi1>, vector<16xf32>
      %xor3A_1251 = arith.constant 4 : i32
      %xor3A_1252 = vector.broadcast %xor3A_1251 : i32 to vector<16xi32>
      %xor3A_1253 = arith.xori %iota3A, %xor3A_1252 : vector<16xi32>
      %broadcast_in_dim3A_1254 = vector.shape_cast %xor3A_1253 : vector<16xi32> to vector<16x1xi32>
      %gather3A_1255 = vector.shape_cast %broadcast_in_dim3A_1254 : vector<16x1xi32> to vector<16xi32>
      %gather3A_1256 = tpu.dynamic_gather %select_n3A_1208[%gather3A_1255] in [0] : vector<16xf32>, vector<16xi32> -> vector<16xf32>
      %add3A_1257 = arith.addf %select_n3A_1208, %gather3A_1256 : vector<16xf32>
      %xor3A_1258 = arith.constant 4 : i32
      %xor3A_1259 = vector.broadcast %xor3A_1258 : i32 to vector<16xi32>
      %xor3A_1260 = arith.xori %iota3A, %xor3A_1259 : vector<16xi32>
      %broadcast_in_dim3A_1261 = vector.shape_cast %xor3A_1260 : vector<16xi32> to vector<16x1xi32>
      %gather3A_1262 = vector.shape_cast %broadcast_in_dim3A_1261 : vector<16x1xi32> to vector<16xi32>
      %gather3A_1263 = tpu.dynamic_gather %select_n3A_1229[%gather3A_1262] in [0] : vector<16xf32>, vector<16xi32> -> vector<16xf32>
      %add3A_1264 = arith.addf %select_n3A_1229, %gather3A_1263 : vector<16xf32>
      %and3A_1265 = arith.constant 4 : i32
      %and3A_1266 = vector.broadcast %and3A_1265 : i32 to vector<16xi32>
      %and3A_1267 = arith.andi %iota3A, %and3A_1266 : vector<16xi32>
      %eq3A_1268 = arith.constant 0 : i32
      %eq3A_1269 = vector.broadcast %eq3A_1268 : i32 to vector<16xi32>
      %eq3A_1270 = arith.cmpi eq, %and3A_1267, %eq3A_1269 : vector<16xi32>
      %select_n3A_1271 = arith.select %eq3A_1270, %add3A_1257, %add3A_1264 : vector<16xi1>, vector<16xf32>
      %xor3A_1272 = arith.constant 2 : i32
      %xor3A_1273 = vector.broadcast %xor3A_1272 : i32 to vector<16xi32>
      %xor3A_1274 = arith.xori %iota3A, %xor3A_1273 : vector<16xi32>
      %broadcast_in_dim3A_1275 = vector.shape_cast %xor3A_1274 : vector<16xi32> to vector<16x1xi32>
      %gather3A_1276 = vector.shape_cast %broadcast_in_dim3A_1275 : vector<16x1xi32> to vector<16xi32>
      %gather3A_1277 = tpu.dynamic_gather %select_n3A_1250[%gather3A_1276] in [0] : vector<16xf32>, vector<16xi32> -> vector<16xf32>
      %add3A_1278 = arith.addf %select_n3A_1250, %gather3A_1277 : vector<16xf32>
      %xor3A_1279 = arith.constant 2 : i32
      %xor3A_1280 = vector.broadcast %xor3A_1279 : i32 to vector<16xi32>
      %xor3A_1281 = arith.xori %iota3A, %xor3A_1280 : vector<16xi32>
      %broadcast_in_dim3A_1282 = vector.shape_cast %xor3A_1281 : vector<16xi32> to vector<16x1xi32>
      %gather3A_1283 = vector.shape_cast %broadcast_in_dim3A_1282 : vector<16x1xi32> to vector<16xi32>
      %gather3A_1284 = tpu.dynamic_gather %select_n3A_1271[%gather3A_1283] in [0] : vector<16xf32>, vector<16xi32> -> vector<16xf32>
      %add3A_1285 = arith.addf %select_n3A_1271, %gather3A_1284 : vector<16xf32>
      %and3A_1286 = arith.constant 2 : i32
      %and3A_1287 = vector.broadcast %and3A_1286 : i32 to vector<16xi32>
      %and3A_1288 = arith.andi %iota3A, %and3A_1287 : vector<16xi32>
      %eq3A_1289 = arith.constant 0 : i32
      %eq3A_1290 = vector.broadcast %eq3A_1289 : i32 to vector<16xi32>
      %eq3A_1291 = arith.cmpi eq, %and3A_1288, %eq3A_1290 : vector<16xi32>
      %select_n3A_1292 = arith.select %eq3A_1291, %add3A_1278, %add3A_1285 : vector<16xi1>, vector<16xf32>
      %xor3A_1293 = arith.constant 8 : i32
      %xor3A_1294 = vector.broadcast %xor3A_1293 : i32 to vector<16xi32>
      %xor3A_1295 = arith.xori %iota3A, %xor3A_1294 : vector<16xi32>
      %broadcast_in_dim3A_1296 = vector.shape_cast %xor3A_1295 : vector<16xi32> to vector<16x1xi32>
      %gather3A_1297 = vector.shape_cast %broadcast_in_dim3A_1296 : vector<16x1xi32> to vector<16xi32>
      %gather3A_1298 = tpu.dynamic_gather %add3A_226[%gather3A_1297] in [0] : vector<16xf32>, vector<16xi32> -> vector<16xf32>
      %add3A_1299 = arith.addf %add3A_226, %gather3A_1298 : vector<16xf32>
      %xor3A_1300 = arith.constant 8 : i32
      %xor3A_1301 = vector.broadcast %xor3A_1300 : i32 to vector<16xi32>
      %xor3A_1302 = arith.xori %iota3A, %xor3A_1301 : vector<16xi32>
      %broadcast_in_dim3A_1303 = vector.shape_cast %xor3A_1302 : vector<16xi32> to vector<16x1xi32>
      %gather3A_1304 = vector.shape_cast %broadcast_in_dim3A_1303 : vector<16x1xi32> to vector<16xi32>
      %gather3A_1305 = tpu.dynamic_gather %add3A_358[%gather3A_1304] in [0] : vector<16xf32>, vector<16xi32> -> vector<16xf32>
      %add3A_1306 = arith.addf %add3A_358, %gather3A_1305 : vector<16xf32>
      %and3A_1307 = arith.constant 8 : i32
      %and3A_1308 = vector.broadcast %and3A_1307 : i32 to vector<16xi32>
      %and3A_1309 = arith.andi %iota3A, %and3A_1308 : vector<16xi32>
      %eq3A_1310 = arith.constant 0 : i32
      %eq3A_1311 = vector.broadcast %eq3A_1310 : i32 to vector<16xi32>
      %eq3A_1312 = arith.cmpi eq, %and3A_1309, %eq3A_1311 : vector<16xi32>
      %select_n3A_1313 = arith.select %eq3A_1312, %add3A_1299, %add3A_1306 : vector<16xi1>, vector<16xf32>
      %xor3A_1314 = arith.constant 8 : i32
      %xor3A_1315 = vector.broadcast %xor3A_1314 : i32 to vector<16xi32>
      %xor3A_1316 = arith.xori %iota3A, %xor3A_1315 : vector<16xi32>
      %broadcast_in_dim3A_1317 = vector.shape_cast %xor3A_1316 : vector<16xi32> to vector<16x1xi32>
      %gather3A_1318 = vector.shape_cast %broadcast_in_dim3A_1317 : vector<16x1xi32> to vector<16xi32>
      %gather3A_1319 = tpu.dynamic_gather %add3A_490[%gather3A_1318] in [0] : vector<16xf32>, vector<16xi32> -> vector<16xf32>
      %add3A_1320 = arith.addf %add3A_490, %gather3A_1319 : vector<16xf32>
      %xor3A_1321 = arith.constant 8 : i32
      %xor3A_1322 = vector.broadcast %xor3A_1321 : i32 to vector<16xi32>
      %xor3A_1323 = arith.xori %iota3A, %xor3A_1322 : vector<16xi32>
      %broadcast_in_dim3A_1324 = vector.shape_cast %xor3A_1323 : vector<16xi32> to vector<16x1xi32>
      %gather3A_1325 = vector.shape_cast %broadcast_in_dim3A_1324 : vector<16x1xi32> to vector<16xi32>
      %gather3A_1326 = tpu.dynamic_gather %add3A_622[%gather3A_1325] in [0] : vector<16xf32>, vector<16xi32> -> vector<16xf32>
      %add3A_1327 = arith.addf %add3A_622, %gather3A_1326 : vector<16xf32>
      %and3A_1328 = arith.constant 8 : i32
      %and3A_1329 = vector.broadcast %and3A_1328 : i32 to vector<16xi32>
      %and3A_1330 = arith.andi %iota3A, %and3A_1329 : vector<16xi32>
      %eq3A_1331 = arith.constant 0 : i32
      %eq3A_1332 = vector.broadcast %eq3A_1331 : i32 to vector<16xi32>
      %eq3A_1333 = arith.cmpi eq, %and3A_1330, %eq3A_1332 : vector<16xi32>
      %select_n3A_1334 = arith.select %eq3A_1333, %add3A_1320, %add3A_1327 : vector<16xi1>, vector<16xf32>
      %xor3A_1335 = arith.constant 8 : i32
      %xor3A_1336 = vector.broadcast %xor3A_1335 : i32 to vector<16xi32>
      %xor3A_1337 = arith.xori %iota3A, %xor3A_1336 : vector<16xi32>
      %broadcast_in_dim3A_1338 = vector.shape_cast %xor3A_1337 : vector<16xi32> to vector<16x1xi32>
      %gather3A_1339 = vector.shape_cast %broadcast_in_dim3A_1338 : vector<16x1xi32> to vector<16xi32>
      %gather3A_1340 = tpu.dynamic_gather %add3A_754[%gather3A_1339] in [0] : vector<16xf32>, vector<16xi32> -> vector<16xf32>
      %add3A_1341 = arith.addf %add3A_754, %gather3A_1340 : vector<16xf32>
      %xor3A_1342 = arith.constant 8 : i32
      %xor3A_1343 = vector.broadcast %xor3A_1342 : i32 to vector<16xi32>
      %xor3A_1344 = arith.xori %iota3A, %xor3A_1343 : vector<16xi32>
      %broadcast_in_dim3A_1345 = vector.shape_cast %xor3A_1344 : vector<16xi32> to vector<16x1xi32>
      %gather3A_1346 = vector.shape_cast %broadcast_in_dim3A_1345 : vector<16x1xi32> to vector<16xi32>
      %gather3A_1347 = tpu.dynamic_gather %add3A_886[%gather3A_1346] in [0] : vector<16xf32>, vector<16xi32> -> vector<16xf32>
      %add3A_1348 = arith.addf %add3A_886, %gather3A_1347 : vector<16xf32>
      %and3A_1349 = arith.constant 8 : i32
      %and3A_1350 = vector.broadcast %and3A_1349 : i32 to vector<16xi32>
      %and3A_1351 = arith.andi %iota3A, %and3A_1350 : vector<16xi32>
      %eq3A_1352 = arith.constant 0 : i32
      %eq3A_1353 = vector.broadcast %eq3A_1352 : i32 to vector<16xi32>
      %eq3A_1354 = arith.cmpi eq, %and3A_1351, %eq3A_1353 : vector<16xi32>
      %select_n3A_1355 = arith.select %eq3A_1354, %add3A_1341, %add3A_1348 : vector<16xi1>, vector<16xf32>
      %xor3A_1356 = arith.constant 8 : i32
      %xor3A_1357 = vector.broadcast %xor3A_1356 : i32 to vector<16xi32>
      %xor3A_1358 = arith.xori %iota3A, %xor3A_1357 : vector<16xi32>
      %broadcast_in_dim3A_1359 = vector.shape_cast %xor3A_1358 : vector<16xi32> to vector<16x1xi32>
      %gather3A_1360 = vector.shape_cast %broadcast_in_dim3A_1359 : vector<16x1xi32> to vector<16xi32>
      %gather3A_1361 = tpu.dynamic_gather %add3A_1018[%gather3A_1360] in [0] : vector<16xf32>, vector<16xi32> -> vector<16xf32>
      %add3A_1362 = arith.addf %add3A_1018, %gather3A_1361 : vector<16xf32>
      %xor3A_1363 = arith.constant 8 : i32
      %xor3A_1364 = vector.broadcast %xor3A_1363 : i32 to vector<16xi32>
      %xor3A_1365 = arith.xori %iota3A, %xor3A_1364 : vector<16xi32>
      %broadcast_in_dim3A_1366 = vector.shape_cast %xor3A_1365 : vector<16xi32> to vector<16x1xi32>
      %gather3A_1367 = vector.shape_cast %broadcast_in_dim3A_1366 : vector<16x1xi32> to vector<16xi32>
      %gather3A_1368 = tpu.dynamic_gather %add3A_1150[%gather3A_1367] in [0] : vector<16xf32>, vector<16xi32> -> vector<16xf32>
      %add3A_1369 = arith.addf %add3A_1150, %gather3A_1368 : vector<16xf32>
      %and3A_1370 = arith.constant 8 : i32
      %and3A_1371 = vector.broadcast %and3A_1370 : i32 to vector<16xi32>
      %and3A_1372 = arith.andi %iota3A, %and3A_1371 : vector<16xi32>
      %eq3A_1373 = arith.constant 0 : i32
      %eq3A_1374 = vector.broadcast %eq3A_1373 : i32 to vector<16xi32>
      %eq3A_1375 = arith.cmpi eq, %and3A_1372, %eq3A_1374 : vector<16xi32>
      %select_n3A_1376 = arith.select %eq3A_1375, %add3A_1362, %add3A_1369 : vector<16xi1>, vector<16xf32>
      %xor3A_1377 = arith.constant 4 : i32
      %xor3A_1378 = vector.broadcast %xor3A_1377 : i32 to vector<16xi32>
      %xor3A_1379 = arith.xori %iota3A, %xor3A_1378 : vector<16xi32>
      %broadcast_in_dim3A_1380 = vector.shape_cast %xor3A_1379 : vector<16xi32> to vector<16x1xi32>
      %gather3A_1381 = vector.shape_cast %broadcast_in_dim3A_1380 : vector<16x1xi32> to vector<16xi32>
      %gather3A_1382 = tpu.dynamic_gather %select_n3A_1313[%gather3A_1381] in [0] : vector<16xf32>, vector<16xi32> -> vector<16xf32>
      %add3A_1383 = arith.addf %select_n3A_1313, %gather3A_1382 : vector<16xf32>
      %xor3A_1384 = arith.constant 4 : i32
      %xor3A_1385 = vector.broadcast %xor3A_1384 : i32 to vector<16xi32>
      %xor3A_1386 = arith.xori %iota3A, %xor3A_1385 : vector<16xi32>
      %broadcast_in_dim3A_1387 = vector.shape_cast %xor3A_1386 : vector<16xi32> to vector<16x1xi32>
      %gather3A_1388 = vector.shape_cast %broadcast_in_dim3A_1387 : vector<16x1xi32> to vector<16xi32>
      %gather3A_1389 = tpu.dynamic_gather %select_n3A_1334[%gather3A_1388] in [0] : vector<16xf32>, vector<16xi32> -> vector<16xf32>
      %add3A_1390 = arith.addf %select_n3A_1334, %gather3A_1389 : vector<16xf32>
      %and3A_1391 = arith.constant 4 : i32
      %and3A_1392 = vector.broadcast %and3A_1391 : i32 to vector<16xi32>
      %and3A_1393 = arith.andi %iota3A, %and3A_1392 : vector<16xi32>
      %eq3A_1394 = arith.constant 0 : i32
      %eq3A_1395 = vector.broadcast %eq3A_1394 : i32 to vector<16xi32>
      %eq3A_1396 = arith.cmpi eq, %and3A_1393, %eq3A_1395 : vector<16xi32>
      %select_n3A_1397 = arith.select %eq3A_1396, %add3A_1383, %add3A_1390 : vector<16xi1>, vector<16xf32>
      %xor3A_1398 = arith.constant 4 : i32
      %xor3A_1399 = vector.broadcast %xor3A_1398 : i32 to vector<16xi32>
      %xor3A_1400 = arith.xori %iota3A, %xor3A_1399 : vector<16xi32>
      %broadcast_in_dim3A_1401 = vector.shape_cast %xor3A_1400 : vector<16xi32> to vector<16x1xi32>
      %gather3A_1402 = vector.shape_cast %broadcast_in_dim3A_1401 : vector<16x1xi32> to vector<16xi32>
      %gather3A_1403 = tpu.dynamic_gather %select_n3A_1355[%gather3A_1402] in [0] : vector<16xf32>, vector<16xi32> -> vector<16xf32>
      %add3A_1404 = arith.addf %select_n3A_1355, %gather3A_1403 : vector<16xf32>
      %xor3A_1405 = arith.constant 4 : i32
      %xor3A_1406 = vector.broadcast %xor3A_1405 : i32 to vector<16xi32>
      %xor3A_1407 = arith.xori %iota3A, %xor3A_1406 : vector<16xi32>
      %broadcast_in_dim3A_1408 = vector.shape_cast %xor3A_1407 : vector<16xi32> to vector<16x1xi32>
      %gather3A_1409 = vector.shape_cast %broadcast_in_dim3A_1408 : vector<16x1xi32> to vector<16xi32>
      %gather3A_1410 = tpu.dynamic_gather %select_n3A_1376[%gather3A_1409] in [0] : vector<16xf32>, vector<16xi32> -> vector<16xf32>
      %add3A_1411 = arith.addf %select_n3A_1376, %gather3A_1410 : vector<16xf32>
      %and3A_1412 = arith.constant 4 : i32
      %and3A_1413 = vector.broadcast %and3A_1412 : i32 to vector<16xi32>
      %and3A_1414 = arith.andi %iota3A, %and3A_1413 : vector<16xi32>
      %eq3A_1415 = arith.constant 0 : i32
      %eq3A_1416 = vector.broadcast %eq3A_1415 : i32 to vector<16xi32>
      %eq3A_1417 = arith.cmpi eq, %and3A_1414, %eq3A_1416 : vector<16xi32>
      %select_n3A_1418 = arith.select %eq3A_1417, %add3A_1404, %add3A_1411 : vector<16xi1>, vector<16xf32>
      %xor3A_1419 = arith.constant 2 : i32
      %xor3A_1420 = vector.broadcast %xor3A_1419 : i32 to vector<16xi32>
      %xor3A_1421 = arith.xori %iota3A, %xor3A_1420 : vector<16xi32>
      %broadcast_in_dim3A_1422 = vector.shape_cast %xor3A_1421 : vector<16xi32> to vector<16x1xi32>
      %gather3A_1423 = vector.shape_cast %broadcast_in_dim3A_1422 : vector<16x1xi32> to vector<16xi32>
      %gather3A_1424 = tpu.dynamic_gather %select_n3A_1397[%gather3A_1423] in [0] : vector<16xf32>, vector<16xi32> -> vector<16xf32>
      %add3A_1425 = arith.addf %select_n3A_1397, %gather3A_1424 : vector<16xf32>
      %xor3A_1426 = arith.constant 2 : i32
      %xor3A_1427 = vector.broadcast %xor3A_1426 : i32 to vector<16xi32>
      %xor3A_1428 = arith.xori %iota3A, %xor3A_1427 : vector<16xi32>
      %broadcast_in_dim3A_1429 = vector.shape_cast %xor3A_1428 : vector<16xi32> to vector<16x1xi32>
      %gather3A_1430 = vector.shape_cast %broadcast_in_dim3A_1429 : vector<16x1xi32> to vector<16xi32>
      %gather3A_1431 = tpu.dynamic_gather %select_n3A_1418[%gather3A_1430] in [0] : vector<16xf32>, vector<16xi32> -> vector<16xf32>
      %add3A_1432 = arith.addf %select_n3A_1418, %gather3A_1431 : vector<16xf32>
      %and3A_1433 = arith.constant 2 : i32
      %and3A_1434 = vector.broadcast %and3A_1433 : i32 to vector<16xi32>
      %and3A_1435 = arith.andi %iota3A, %and3A_1434 : vector<16xi32>
      %eq3A_1436 = arith.constant 0 : i32
      %eq3A_1437 = vector.broadcast %eq3A_1436 : i32 to vector<16xi32>
      %eq3A_1438 = arith.cmpi eq, %and3A_1435, %eq3A_1437 : vector<16xi32>
      %select_n3A_1439 = arith.select %eq3A_1438, %add3A_1425, %add3A_1432 : vector<16xi1>, vector<16xf32>
      %mul3A_1440 = arith.constant 16 : i32
      %mul3A_1441 = arith.muli %scan3A_70, %mul3A_1440 : i32
      %add3A_1442 = arith.constant 8 : i32
      %add3A_1443 = arith.addi %mul3A_1441, %add3A_1442 : i32
      %add3A_1444 = arith.constant 0 : i32
      %add3A_1445 = arith.addi %add3A_1443, %add3A_1444 : i32
      %get3A_1446 = arith.index_cast %add3A_1445 : i32 to index
      %get3A_1447 = arith.constant 0 : index
      %get3A_1448 = tpu.vector_load %arg7[%get3A_1446, %get3A_1447] {strides = array<i32>} : memref<32x256xf32, #tpu.memory_space<vmem>>, vector<1x16xf32>,
      %get3A_1449 = vector.shape_cast %get3A_1448 : vector<1x16xf32> to vector<16xf32>
      %mul3A_1450 = arith.mulf %get3A_1449, %get3A_7 : vector<16xf32>
      %mul3A_1451 = arith.mulf %get3A_1449, %get3A_1449 : vector<16xf32>
      %get3A_1452 = arith.index_cast %add3A_1445 : i32 to index
      %get3A_1453 = arith.constant 16 : index
      %get3A_1454 = tpu.vector_load %arg7[%get3A_1452, %get3A_1453] {strides = array<i32>} : memref<32x256xf32, #tpu.memory_space<vmem>>, vector<1x16xf32>,
      %get3A_1455 = vector.shape_cast %get3A_1454 : vector<1x16xf32> to vector<16xf32>
      %mul3A_1456 = arith.mulf %get3A_1455, %get3A_10 : vector<16xf32>
      %add3A_1457 = arith.addf %mul3A_1450, %mul3A_1456 : vector<16xf32>
      %mul3A_1458 = arith.mulf %get3A_1455, %get3A_1455 : vector<16xf32>
      %add3A_1459 = arith.addf %mul3A_1451, %mul3A_1458 : vector<16xf32>
      %get3A_1460 = arith.index_cast %add3A_1445 : i32 to index
      %get3A_1461 = arith.constant 32 : index
      %get3A_1462 = tpu.vector_load %arg7[%get3A_1460, %get3A_1461] {strides = array<i32>} : memref<32x256xf32, #tpu.memory_space<vmem>>, vector<1x16xf32>,
      %get3A_1463 = vector.shape_cast %get3A_1462 : vector<1x16xf32> to vector<16xf32>
      %mul3A_1464 = arith.mulf %get3A_1463, %get3A_13 : vector<16xf32>
      %add3A_1465 = arith.addf %add3A_1457, %mul3A_1464 : vector<16xf32>
      %mul3A_1466 = arith.mulf %get3A_1463, %get3A_1463 : vector<16xf32>
      %add3A_1467 = arith.addf %add3A_1459, %mul3A_1466 : vector<16xf32>
      %get3A_1468 = arith.index_cast %add3A_1445 : i32 to index
      %get3A_1469 = arith.constant 48 : index
      %get3A_1470 = tpu.vector_load %arg7[%get3A_1468, %get3A_1469] {strides = array<i32>} : memref<32x256xf32, #tpu.memory_space<vmem>>, vector<1x16xf32>,
      %get3A_1471 = vector.shape_cast %get3A_1470 : vector<1x16xf32> to vector<16xf32>
      %mul3A_1472 = arith.mulf %get3A_1471, %get3A_16 : vector<16xf32>
      %add3A_1473 = arith.addf %add3A_1465, %mul3A_1472 : vector<16xf32>
      %mul3A_1474 = arith.mulf %get3A_1471, %get3A_1471 : vector<16xf32>
      %add3A_1475 = arith.addf %add3A_1467, %mul3A_1474 : vector<16xf32>
      %get3A_1476 = arith.index_cast %add3A_1445 : i32 to index
      %get3A_1477 = arith.constant 64 : index
      %get3A_1478 = tpu.vector_load %arg7[%get3A_1476, %get3A_1477] {strides = array<i32>} : memref<32x256xf32, #tpu.memory_space<vmem>>, vector<1x16xf32>,
      %get3A_1479 = vector.shape_cast %get3A_1478 : vector<1x16xf32> to vector<16xf32>
      %mul3A_1480 = arith.mulf %get3A_1479, %get3A_19 : vector<16xf32>
      %add3A_1481 = arith.addf %add3A_1473, %mul3A_1480 : vector<16xf32>
      %mul3A_1482 = arith.mulf %get3A_1479, %get3A_1479 : vector<16xf32>
      %add3A_1483 = arith.addf %add3A_1475, %mul3A_1482 : vector<16xf32>
      %get3A_1484 = arith.index_cast %add3A_1445 : i32 to index
      %get3A_1485 = arith.constant 80 : index
      %get3A_1486 = tpu.vector_load %arg7[%get3A_1484, %get3A_1485] {strides = array<i32>} : memref<32x256xf32, #tpu.memory_space<vmem>>, vector<1x16xf32>,
      %get3A_1487 = vector.shape_cast %get3A_1486 : vector<1x16xf32> to vector<16xf32>
      %mul3A_1488 = arith.mulf %get3A_1487, %get3A_22 : vector<16xf32>
      %add3A_1489 = arith.addf %add3A_1481, %mul3A_1488 : vector<16xf32>
      %mul3A_1490 = arith.mulf %get3A_1487, %get3A_1487 : vector<16xf32>
      %add3A_1491 = arith.addf %add3A_1483, %mul3A_1490 : vector<16xf32>
      %get3A_1492 = arith.index_cast %add3A_1445 : i32 to index
      %get3A_1493 = arith.constant 96 : index
      %get3A_1494 = tpu.vector_load %arg7[%get3A_1492, %get3A_1493] {strides = array<i32>} : memref<32x256xf32, #tpu.memory_space<vmem>>, vector<1x16xf32>,
      %get3A_1495 = vector.shape_cast %get3A_1494 : vector<1x16xf32> to vector<16xf32>
      %mul3A_1496 = arith.mulf %get3A_1495, %get3A_25 : vector<16xf32>
      %add3A_1497 = arith.addf %add3A_1489, %mul3A_1496 : vector<16xf32>
      %mul3A_1498 = arith.mulf %get3A_1495, %get3A_1495 : vector<16xf32>
      %add3A_1499 = arith.addf %add3A_1491, %mul3A_1498 : vector<16xf32>
      %get3A_1500 = arith.index_cast %add3A_1445 : i32 to index
      %get3A_1501 = arith.constant 112 : index
      %get3A_1502 = tpu.vector_load %arg7[%get3A_1500, %get3A_1501] {strides = array<i32>} : memref<32x256xf32, #tpu.memory_space<vmem>>, vector<1x16xf32>,
      %get3A_1503 = vector.shape_cast %get3A_1502 : vector<1x16xf32> to vector<16xf32>
      %mul3A_1504 = arith.mulf %get3A_1503, %get3A_28 : vector<16xf32>
      %add3A_1505 = arith.addf %add3A_1497, %mul3A_1504 : vector<16xf32>
      %mul3A_1506 = arith.mulf %get3A_1503, %get3A_1503 : vector<16xf32>
      %add3A_1507 = arith.addf %add3A_1499, %mul3A_1506 : vector<16xf32>
      %get3A_1508 = arith.index_cast %add3A_1445 : i32 to index
      %get3A_1509 = arith.constant 128 : index
      %get3A_1510 = tpu.vector_load %arg7[%get3A_1508, %get3A_1509] {strides = array<i32>} : memref<32x256xf32, #tpu.memory_space<vmem>>, vector<1x16xf32>,
      %get3A_1511 = vector.shape_cast %get3A_1510 : vector<1x16xf32> to vector<16xf32>
      %mul3A_1512 = arith.mulf %get3A_1511, %get3A_31 : vector<16xf32>
      %add3A_1513 = arith.addf %add3A_1505, %mul3A_1512 : vector<16xf32>
      %mul3A_1514 = arith.mulf %get3A_1511, %get3A_1511 : vector<16xf32>
      %add3A_1515 = arith.addf %add3A_1507, %mul3A_1514 : vector<16xf32>
      %get3A_1516 = arith.index_cast %add3A_1445 : i32 to index
      %get3A_1517 = arith.constant 144 : index
      %get3A_1518 = tpu.vector_load %arg7[%get3A_1516, %get3A_1517] {strides = array<i32>} : memref<32x256xf32, #tpu.memory_space<vmem>>, vector<1x16xf32>,
      %get3A_1519 = vector.shape_cast %get3A_1518 : vector<1x16xf32> to vector<16xf32>
      %mul3A_1520 = arith.mulf %get3A_1519, %get3A_34 : vector<16xf32>
      %add3A_1521 = arith.addf %add3A_1513, %mul3A_1520 : vector<16xf32>
      %mul3A_1522 = arith.mulf %get3A_1519, %get3A_1519 : vector<16xf32>
      %add3A_1523 = arith.addf %add3A_1515, %mul3A_1522 : vector<16xf32>
      %get3A_1524 = arith.index_cast %add3A_1445 : i32 to index
      %get3A_1525 = arith.constant 160 : index
      %get3A_1526 = tpu.vector_load %arg7[%get3A_1524, %get3A_1525] {strides = array<i32>} : memref<32x256xf32, #tpu.memory_space<vmem>>, vector<1x16xf32>,
      %get3A_1527 = vector.shape_cast %get3A_1526 : vector<1x16xf32> to vector<16xf32>
      %mul3A_1528 = arith.mulf %get3A_1527, %get3A_37 : vector<16xf32>
      %add3A_1529 = arith.addf %add3A_1521, %mul3A_1528 : vector<16xf32>
      %mul3A_1530 = arith.mulf %get3A_1527, %get3A_1527 : vector<16xf32>
      %add3A_1531 = arith.addf %add3A_1523, %mul3A_1530 : vector<16xf32>
      %get3A_1532 = arith.index_cast %add3A_1445 : i32 to index
      %get3A_1533 = arith.constant 176 : index
      %get3A_1534 = tpu.vector_load %arg7[%get3A_1532, %get3A_1533] {strides = array<i32>} : memref<32x256xf32, #tpu.memory_space<vmem>>, vector<1x16xf32>,
      %get3A_1535 = vector.shape_cast %get3A_1534 : vector<1x16xf32> to vector<16xf32>
      %mul3A_1536 = arith.mulf %get3A_1535, %get3A_40 : vector<16xf32>
      %add3A_1537 = arith.addf %add3A_1529, %mul3A_1536 : vector<16xf32>
      %mul3A_1538 = arith.mulf %get3A_1535, %get3A_1535 : vector<16xf32>
      %add3A_1539 = arith.addf %add3A_1531, %mul3A_1538 : vector<16xf32>
      %get3A_1540 = arith.index_cast %add3A_1445 : i32 to index
      %get3A_1541 = arith.constant 192 : index
      %get3A_1542 = tpu.vector_load %arg7[%get3A_1540, %get3A_1541] {strides = array<i32>} : memref<32x256xf32, #tpu.memory_space<vmem>>, vector<1x16xf32>,
      %get3A_1543 = vector.shape_cast %get3A_1542 : vector<1x16xf32> to vector<16xf32>
      %mul3A_1544 = arith.mulf %get3A_1543, %get3A_43 : vector<16xf32>
      %add3A_1545 = arith.addf %add3A_1537, %mul3A_1544 : vector<16xf32>
      %mul3A_1546 = arith.mulf %get3A_1543, %get3A_1543 : vector<16xf32>
      %add3A_1547 = arith.addf %add3A_1539, %mul3A_1546 : vector<16xf32>
      %get3A_1548 = arith.index_cast %add3A_1445 : i32 to index
      %get3A_1549 = arith.constant 208 : index
      %get3A_1550 = tpu.vector_load %arg7[%get3A_1548, %get3A_1549] {strides = array<i32>} : memref<32x256xf32, #tpu.memory_space<vmem>>, vector<1x16xf32>,
      %get3A_1551 = vector.shape_cast %get3A_1550 : vector<1x16xf32> to vector<16xf32>
      %mul3A_1552 = arith.mulf %get3A_1551, %get3A_46 : vector<16xf32>
      %add3A_1553 = arith.addf %add3A_1545, %mul3A_1552 : vector<16xf32>
      %mul3A_1554 = arith.mulf %get3A_1551, %get3A_1551 : vector<16xf32>
      %add3A_1555 = arith.addf %add3A_1547, %mul3A_1554 : vector<16xf32>
      %get3A_1556 = arith.index_cast %add3A_1445 : i32 to index
      %get3A_1557 = arith.constant 224 : index
      %get3A_1558 = tpu.vector_load %arg7[%get3A_1556, %get3A_1557] {strides = array<i32>} : memref<32x256xf32, #tpu.memory_space<vmem>>, vector<1x16xf32>,
      %get3A_1559 = vector.shape_cast %get3A_1558 : vector<1x16xf32> to vector<16xf32>
      %mul3A_1560 = arith.mulf %get3A_1559, %get3A_49 : vector<16xf32>
      %add3A_1561 = arith.addf %add3A_1553, %mul3A_1560 : vector<16xf32>
      %mul3A_1562 = arith.mulf %get3A_1559, %get3A_1559 : vector<16xf32>
      %add3A_1563 = arith.addf %add3A_1555, %mul3A_1562 : vector<16xf32>
      %get3A_1564 = arith.index_cast %add3A_1445 : i32 to index
      %get3A_1565 = arith.constant 240 : index
      %get3A_1566 = tpu.vector_load %arg7[%get3A_1564, %get3A_1565] {strides = array<i32>} : memref<32x256xf32, #tpu.memory_space<vmem>>, vector<1x16xf32>,
      %get3A_1567 = vector.shape_cast %get3A_1566 : vector<1x16xf32> to vector<16xf32>
      %mul3A_1568 = arith.mulf %get3A_1567, %get3A_52 : vector<16xf32>
      %add3A_1569 = arith.addf %add3A_1561, %mul3A_1568 : vector<16xf32>
      %mul3A_1570 = arith.mulf %get3A_1567, %get3A_1567 : vector<16xf32>
      %add3A_1571 = arith.addf %add3A_1563, %mul3A_1570 : vector<16xf32>
      %mul3A_1572 = arith.constant 16 : i32
      %mul3A_1573 = arith.muli %scan3A_70, %mul3A_1572 : i32
      %add3A_1574 = arith.constant 8 : i32
      %add3A_1575 = arith.addi %mul3A_1573, %add3A_1574 : i32
      %add3A_1576 = arith.constant 1 : i32
      %add3A_1577 = arith.addi %add3A_1575, %add3A_1576 : i32
      %get3A_1578 = arith.index_cast %add3A_1577 : i32 to index
      %get3A_1579 = arith.constant 0 : index
      %get3A_1580 = tpu.vector_load %arg7[%get3A_1578, %get3A_1579] {strides = array<i32>} : memref<32x256xf32, #tpu.memory_space<vmem>>, vector<1x16xf32>,
      %get3A_1581 = vector.shape_cast %get3A_1580 : vector<1x16xf32> to vector<16xf32>
      %mul3A_1582 = arith.mulf %get3A_1581, %get3A_7 : vector<16xf32>
      %mul3A_1583 = arith.mulf %get3A_1581, %get3A_1581 : vector<16xf32>
      %get3A_1584 = arith.index_cast %add3A_1577 : i32 to index
      %get3A_1585 = arith.constant 16 : index
      %get3A_1586 = tpu.vector_load %arg7[%get3A_1584, %get3A_1585] {strides = array<i32>} : memref<32x256xf32, #tpu.memory_space<vmem>>, vector<1x16xf32>,
      %get3A_1587 = vector.shape_cast %get3A_1586 : vector<1x16xf32> to vector<16xf32>
      %mul3A_1588 = arith.mulf %get3A_1587, %get3A_10 : vector<16xf32>
      %add3A_1589 = arith.addf %mul3A_1582, %mul3A_1588 : vector<16xf32>
      %mul3A_1590 = arith.mulf %get3A_1587, %get3A_1587 : vector<16xf32>
      %add3A_1591 = arith.addf %mul3A_1583, %mul3A_1590 : vector<16xf32>
      %get3A_1592 = arith.index_cast %add3A_1577 : i32 to index
      %get3A_1593 = arith.constant 32 : index
      %get3A_1594 = tpu.vector_load %arg7[%get3A_1592, %get3A_1593] {strides = array<i32>} : memref<32x256xf32, #tpu.memory_space<vmem>>, vector<1x16xf32>,
      %get3A_1595 = vector.shape_cast %get3A_1594 : vector<1x16xf32> to vector<16xf32>
      %mul3A_1596 = arith.mulf %get3A_1595, %get3A_13 : vector<16xf32>
      %add3A_1597 = arith.addf %add3A_1589, %mul3A_1596 : vector<16xf32>
      %mul3A_1598 = arith.mulf %get3A_1595, %get3A_1595 : vector<16xf32>
      %add3A_1599 = arith.addf %add3A_1591, %mul3A_1598 : vector<16xf32>
      %get3A_1600 = arith.index_cast %add3A_1577 : i32 to index
      %get3A_1601 = arith.constant 48 : index
      %get3A_1602 = tpu.vector_load %arg7[%get3A_1600, %get3A_1601] {strides = array<i32>} : memref<32x256xf32, #tpu.memory_space<vmem>>, vector<1x16xf32>,
      %get3A_1603 = vector.shape_cast %get3A_1602 : vector<1x16xf32> to vector<16xf32>
      %mul3A_1604 = arith.mulf %get3A_1603, %get3A_16 : vector<16xf32>
      %add3A_1605 = arith.addf %add3A_1597, %mul3A_1604 : vector<16xf32>
      %mul3A_1606 = arith.mulf %get3A_1603, %get3A_1603 : vector<16xf32>
      %add3A_1607 = arith.addf %add3A_1599, %mul3A_1606 : vector<16xf32>
      %get3A_1608 = arith.index_cast %add3A_1577 : i32 to index
      %get3A_1609 = arith.constant 64 : index
      %get3A_1610 = tpu.vector_load %arg7[%get3A_1608, %get3A_1609] {strides = array<i32>} : memref<32x256xf32, #tpu.memory_space<vmem>>, vector<1x16xf32>,
      %get3A_1611 = vector.shape_cast %get3A_1610 : vector<1x16xf32> to vector<16xf32>
      %mul3A_1612 = arith.mulf %get3A_1611, %get3A_19 : vector<16xf32>
      %add3A_1613 = arith.addf %add3A_1605, %mul3A_1612 : vector<16xf32>
      %mul3A_1614 = arith.mulf %get3A_1611, %get3A_1611 : vector<16xf32>
      %add3A_1615 = arith.addf %add3A_1607, %mul3A_1614 : vector<16xf32>
      %get3A_1616 = arith.index_cast %add3A_1577 : i32 to index
      %get3A_1617 = arith.constant 80 : index
      %get3A_1618 = tpu.vector_load %arg7[%get3A_1616, %get3A_1617] {strides = array<i32>} : memref<32x256xf32, #tpu.memory_space<vmem>>, vector<1x16xf32>,
      %get3A_1619 = vector.shape_cast %get3A_1618 : vector<1x16xf32> to vector<16xf32>
      %mul3A_1620 = arith.mulf %get3A_1619, %get3A_22 : vector<16xf32>
      %add3A_1621 = arith.addf %add3A_1613, %mul3A_1620 : vector<16xf32>
      %mul3A_1622 = arith.mulf %get3A_1619, %get3A_1619 : vector<16xf32>
      %add3A_1623 = arith.addf %add3A_1615, %mul3A_1622 : vector<16xf32>
      %get3A_1624 = arith.index_cast %add3A_1577 : i32 to index
      %get3A_1625 = arith.constant 96 : index
      %get3A_1626 = tpu.vector_load %arg7[%get3A_1624, %get3A_1625] {strides = array<i32>} : memref<32x256xf32, #tpu.memory_space<vmem>>, vector<1x16xf32>,
      %get3A_1627 = vector.shape_cast %get3A_1626 : vector<1x16xf32> to vector<16xf32>
      %mul3A_1628 = arith.mulf %get3A_1627, %get3A_25 : vector<16xf32>
      %add3A_1629 = arith.addf %add3A_1621, %mul3A_1628 : vector<16xf32>
      %mul3A_1630 = arith.mulf %get3A_1627, %get3A_1627 : vector<16xf32>
      %add3A_1631 = arith.addf %add3A_1623, %mul3A_1630 : vector<16xf32>
      %get3A_1632 = arith.index_cast %add3A_1577 : i32 to index
      %get3A_1633 = arith.constant 112 : index
      %get3A_1634 = tpu.vector_load %arg7[%get3A_1632, %get3A_1633] {strides = array<i32>} : memref<32x256xf32, #tpu.memory_space<vmem>>, vector<1x16xf32>,
      %get3A_1635 = vector.shape_cast %get3A_1634 : vector<1x16xf32> to vector<16xf32>
      %mul3A_1636 = arith.mulf %get3A_1635, %get3A_28 : vector<16xf32>
      %add3A_1637 = arith.addf %add3A_1629, %mul3A_1636 : vector<16xf32>
      %mul3A_1638 = arith.mulf %get3A_1635, %get3A_1635 : vector<16xf32>
      %add3A_1639 = arith.addf %add3A_1631, %mul3A_1638 : vector<16xf32>
      %get3A_1640 = arith.index_cast %add3A_1577 : i32 to index
      %get3A_1641 = arith.constant 128 : index
      %get3A_1642 = tpu.vector_load %arg7[%get3A_1640, %get3A_1641] {strides = array<i32>} : memref<32x256xf32, #tpu.memory_space<vmem>>, vector<1x16xf32>,
      %get3A_1643 = vector.shape_cast %get3A_1642 : vector<1x16xf32> to vector<16xf32>
      %mul3A_1644 = arith.mulf %get3A_1643, %get3A_31 : vector<16xf32>
      %add3A_1645 = arith.addf %add3A_1637, %mul3A_1644 : vector<16xf32>
      %mul3A_1646 = arith.mulf %get3A_1643, %get3A_1643 : vector<16xf32>
      %add3A_1647 = arith.addf %add3A_1639, %mul3A_1646 : vector<16xf32>
      %get3A_1648 = arith.index_cast %add3A_1577 : i32 to index
      %get3A_1649 = arith.constant 144 : index
      %get3A_1650 = tpu.vector_load %arg7[%get3A_1648, %get3A_1649] {strides = array<i32>} : memref<32x256xf32, #tpu.memory_space<vmem>>, vector<1x16xf32>,
      %get3A_1651 = vector.shape_cast %get3A_1650 : vector<1x16xf32> to vector<16xf32>
      %mul3A_1652 = arith.mulf %get3A_1651, %get3A_34 : vector<16xf32>
      %add3A_1653 = arith.addf %add3A_1645, %mul3A_1652 : vector<16xf32>
      %mul3A_1654 = arith.mulf %get3A_1651, %get3A_1651 : vector<16xf32>
      %add3A_1655 = arith.addf %add3A_1647, %mul3A_1654 : vector<16xf32>
      %get3A_1656 = arith.index_cast %add3A_1577 : i32 to index
      %get3A_1657 = arith.constant 160 : index
      %get3A_1658 = tpu.vector_load %arg7[%get3A_1656, %get3A_1657] {strides = array<i32>} : memref<32x256xf32, #tpu.memory_space<vmem>>, vector<1x16xf32>,
      %get3A_1659 = vector.shape_cast %get3A_1658 : vector<1x16xf32> to vector<16xf32>
      %mul3A_1660 = arith.mulf %get3A_1659, %get3A_37 : vector<16xf32>
      %add3A_1661 = arith.addf %add3A_1653, %mul3A_1660 : vector<16xf32>
      %mul3A_1662 = arith.mulf %get3A_1659, %get3A_1659 : vector<16xf32>
      %add3A_1663 = arith.addf %add3A_1655, %mul3A_1662 : vector<16xf32>
      %get3A_1664 = arith.index_cast %add3A_1577 : i32 to index
      %get3A_1665 = arith.constant 176 : index
      %get3A_1666 = tpu.vector_load %arg7[%get3A_1664, %get3A_1665] {strides = array<i32>} : memref<32x256xf32, #tpu.memory_space<vmem>>, vector<1x16xf32>,
      %get3A_1667 = vector.shape_cast %get3A_1666 : vector<1x16xf32> to vector<16xf32>
      %mul3A_1668 = arith.mulf %get3A_1667, %get3A_40 : vector<16xf32>
      %add3A_1669 = arith.addf %add3A_1661, %mul3A_1668 : vector<16xf32>
      %mul3A_1670 = arith.mulf %get3A_1667, %get3A_1667 : vector<16xf32>
      %add3A_1671 = arith.addf %add3A_1663, %mul3A_1670 : vector<16xf32>
      %get3A_1672 = arith.index_cast %add3A_1577 : i32 to index
      %get3A_1673 = arith.constant 192 : index
      %get3A_1674 = tpu.vector_load %arg7[%get3A_1672, %get3A_1673] {strides = array<i32>} : memref<32x256xf32, #tpu.memory_space<vmem>>, vector<1x16xf32>,
      %get3A_1675 = vector.shape_cast %get3A_1674 : vector<1x16xf32> to vector<16xf32>
      %mul3A_1676 = arith.mulf %get3A_1675, %get3A_43 : vector<16xf32>
      %add3A_1677 = arith.addf %add3A_1669, %mul3A_1676 : vector<16xf32>
      %mul3A_1678 = arith.mulf %get3A_1675, %get3A_1675 : vector<16xf32>
      %add3A_1679 = arith.addf %add3A_1671, %mul3A_1678 : vector<16xf32>
      %get3A_1680 = arith.index_cast %add3A_1577 : i32 to index
      %get3A_1681 = arith.constant 208 : index
      %get3A_1682 = tpu.vector_load %arg7[%get3A_1680, %get3A_1681] {strides = array<i32>} : memref<32x256xf32, #tpu.memory_space<vmem>>, vector<1x16xf32>,
      %get3A_1683 = vector.shape_cast %get3A_1682 : vector<1x16xf32> to vector<16xf32>
      %mul3A_1684 = arith.mulf %get3A_1683, %get3A_46 : vector<16xf32>
      %add3A_1685 = arith.addf %add3A_1677, %mul3A_1684 : vector<16xf32>
      %mul3A_1686 = arith.mulf %get3A_1683, %get3A_1683 : vector<16xf32>
      %add3A_1687 = arith.addf %add3A_1679, %mul3A_1686 : vector<16xf32>
      %get3A_1688 = arith.index_cast %add3A_1577 : i32 to index
      %get3A_1689 = arith.constant 224 : index
      %get3A_1690 = tpu.vector_load %arg7[%get3A_1688, %get3A_1689] {strides = array<i32>} : memref<32x256xf32, #tpu.memory_space<vmem>>, vector<1x16xf32>,
      %get3A_1691 = vector.shape_cast %get3A_1690 : vector<1x16xf32> to vector<16xf32>
      %mul3A_1692 = arith.mulf %get3A_1691, %get3A_49 : vector<16xf32>
      %add3A_1693 = arith.addf %add3A_1685, %mul3A_1692 : vector<16xf32>
      %mul3A_1694 = arith.mulf %get3A_1691, %get3A_1691 : vector<16xf32>
      %add3A_1695 = arith.addf %add3A_1687, %mul3A_1694 : vector<16xf32>
      %get3A_1696 = arith.index_cast %add3A_1577 : i32 to index
      %get3A_1697 = arith.constant 240 : index
      %get3A_1698 = tpu.vector_load %arg7[%get3A_1696, %get3A_1697] {strides = array<i32>} : memref<32x256xf32, #tpu.memory_space<vmem>>, vector<1x16xf32>,
      %get3A_1699 = vector.shape_cast %get3A_1698 : vector<1x16xf32> to vector<16xf32>
      %mul3A_1700 = arith.mulf %get3A_1699, %get3A_52 : vector<16xf32>
      %add3A_1701 = arith.addf %add3A_1693, %mul3A_1700 : vector<16xf32>
      %mul3A_1702 = arith.mulf %get3A_1699, %get3A_1699 : vector<16xf32>
      %add3A_1703 = arith.addf %add3A_1695, %mul3A_1702 : vector<16xf32>
      %mul3A_1704 = arith.constant 16 : i32
      %mul3A_1705 = arith.muli %scan3A_70, %mul3A_1704 : i32
      %add3A_1706 = arith.constant 8 : i32
      %add3A_1707 = arith.addi %mul3A_1705, %add3A_1706 : i32
      %add3A_1708 = arith.constant 2 : i32
      %add3A_1709 = arith.addi %add3A_1707, %add3A_1708 : i32
      %get3A_1710 = arith.index_cast %add3A_1709 : i32 to index
      %get3A_1711 = arith.constant 0 : index
      %get3A_1712 = tpu.vector_load %arg7[%get3A_1710, %get3A_1711] {strides = array<i32>} : memref<32x256xf32, #tpu.memory_space<vmem>>, vector<1x16xf32>,
      %get3A_1713 = vector.shape_cast %get3A_1712 : vector<1x16xf32> to vector<16xf32>
      %mul3A_1714 = arith.mulf %get3A_1713, %get3A_7 : vector<16xf32>
      %mul3A_1715 = arith.mulf %get3A_1713, %get3A_1713 : vector<16xf32>
      %get3A_1716 = arith.index_cast %add3A_1709 : i32 to index
      %get3A_1717 = arith.constant 16 : index
      %get3A_1718 = tpu.vector_load %arg7[%get3A_1716, %get3A_1717] {strides = array<i32>} : memref<32x256xf32, #tpu.memory_space<vmem>>, vector<1x16xf32>,
      %get3A_1719 = vector.shape_cast %get3A_1718 : vector<1x16xf32> to vector<16xf32>
      %mul3A_1720 = arith.mulf %get3A_1719, %get3A_10 : vector<16xf32>
      %add3A_1721 = arith.addf %mul3A_1714, %mul3A_1720 : vector<16xf32>
      %mul3A_1722 = arith.mulf %get3A_1719, %get3A_1719 : vector<16xf32>
      %add3A_1723 = arith.addf %mul3A_1715, %mul3A_1722 : vector<16xf32>
      %get3A_1724 = arith.index_cast %add3A_1709 : i32 to index
      %get3A_1725 = arith.constant 32 : index
      %get3A_1726 = tpu.vector_load %arg7[%get3A_1724, %get3A_1725] {strides = array<i32>} : memref<32x256xf32, #tpu.memory_space<vmem>>, vector<1x16xf32>,
      %get3A_1727 = vector.shape_cast %get3A_1726 : vector<1x16xf32> to vector<16xf32>
      %mul3A_1728 = arith.mulf %get3A_1727, %get3A_13 : vector<16xf32>
      %add3A_1729 = arith.addf %add3A_1721, %mul3A_1728 : vector<16xf32>
      %mul3A_1730 = arith.mulf %get3A_1727, %get3A_1727 : vector<16xf32>
      %add3A_1731 = arith.addf %add3A_1723, %mul3A_1730 : vector<16xf32>
      %get3A_1732 = arith.index_cast %add3A_1709 : i32 to index
      %get3A_1733 = arith.constant 48 : index
      %get3A_1734 = tpu.vector_load %arg7[%get3A_1732, %get3A_1733] {strides = array<i32>} : memref<32x256xf32, #tpu.memory_space<vmem>>, vector<1x16xf32>,
      %get3A_1735 = vector.shape_cast %get3A_1734 : vector<1x16xf32> to vector<16xf32>
      %mul3A_1736 = arith.mulf %get3A_1735, %get3A_16 : vector<16xf32>
      %add3A_1737 = arith.addf %add3A_1729, %mul3A_1736 : vector<16xf32>
      %mul3A_1738 = arith.mulf %get3A_1735, %get3A_1735 : vector<16xf32>
      %add3A_1739 = arith.addf %add3A_1731, %mul3A_1738 : vector<16xf32>
      %get3A_1740 = arith.index_cast %add3A_1709 : i32 to index
      %get3A_1741 = arith.constant 64 : index
      %get3A_1742 = tpu.vector_load %arg7[%get3A_1740, %get3A_1741] {strides = array<i32>} : memref<32x256xf32, #tpu.memory_space<vmem>>, vector<1x16xf32>,
      %get3A_1743 = vector.shape_cast %get3A_1742 : vector<1x16xf32> to vector<16xf32>
      %mul3A_1744 = arith.mulf %get3A_1743, %get3A_19 : vector<16xf32>
      %add3A_1745 = arith.addf %add3A_1737, %mul3A_1744 : vector<16xf32>
      %mul3A_1746 = arith.mulf %get3A_1743, %get3A_1743 : vector<16xf32>
      %add3A_1747 = arith.addf %add3A_1739, %mul3A_1746 : vector<16xf32>
      %get3A_1748 = arith.index_cast %add3A_1709 : i32 to index
      %get3A_1749 = arith.constant 80 : index
      %get3A_1750 = tpu.vector_load %arg7[%get3A_1748, %get3A_1749] {strides = array<i32>} : memref<32x256xf32, #tpu.memory_space<vmem>>, vector<1x16xf32>,
      %get3A_1751 = vector.shape_cast %get3A_1750 : vector<1x16xf32> to vector<16xf32>
      %mul3A_1752 = arith.mulf %get3A_1751, %get3A_22 : vector<16xf32>
      %add3A_1753 = arith.addf %add3A_1745, %mul3A_1752 : vector<16xf32>
      %mul3A_1754 = arith.mulf %get3A_1751, %get3A_1751 : vector<16xf32>
      %add3A_1755 = arith.addf %add3A_1747, %mul3A_1754 : vector<16xf32>
      %get3A_1756 = arith.index_cast %add3A_1709 : i32 to index
      %get3A_1757 = arith.constant 96 : index
      %get3A_1758 = tpu.vector_load %arg7[%get3A_1756, %get3A_1757] {strides = array<i32>} : memref<32x256xf32, #tpu.memory_space<vmem>>, vector<1x16xf32>,
      %get3A_1759 = vector.shape_cast %get3A_1758 : vector<1x16xf32> to vector<16xf32>
      %mul3A_1760 = arith.mulf %get3A_1759, %get3A_25 : vector<16xf32>
      %add3A_1761 = arith.addf %add3A_1753, %mul3A_1760 : vector<16xf32>
      %mul3A_1762 = arith.mulf %get3A_1759, %get3A_1759 : vector<16xf32>
      %add3A_1763 = arith.addf %add3A_1755, %mul3A_1762 : vector<16xf32>
      %get3A_1764 = arith.index_cast %add3A_1709 : i32 to index
      %get3A_1765 = arith.constant 112 : index
      %get3A_1766 = tpu.vector_load %arg7[%get3A_1764, %get3A_1765] {strides = array<i32>} : memref<32x256xf32, #tpu.memory_space<vmem>>, vector<1x16xf32>,
      %get3A_1767 = vector.shape_cast %get3A_1766 : vector<1x16xf32> to vector<16xf32>
      %mul3A_1768 = arith.mulf %get3A_1767, %get3A_28 : vector<16xf32>
      %add3A_1769 = arith.addf %add3A_1761, %mul3A_1768 : vector<16xf32>
      %mul3A_1770 = arith.mulf %get3A_1767, %get3A_1767 : vector<16xf32>
      %add3A_1771 = arith.addf %add3A_1763, %mul3A_1770 : vector<16xf32>
      %get3A_1772 = arith.index_cast %add3A_1709 : i32 to index
      %get3A_1773 = arith.constant 128 : index
      %get3A_1774 = tpu.vector_load %arg7[%get3A_1772, %get3A_1773] {strides = array<i32>} : memref<32x256xf32, #tpu.memory_space<vmem>>, vector<1x16xf32>,
      %get3A_1775 = vector.shape_cast %get3A_1774 : vector<1x16xf32> to vector<16xf32>
      %mul3A_1776 = arith.mulf %get3A_1775, %get3A_31 : vector<16xf32>
      %add3A_1777 = arith.addf %add3A_1769, %mul3A_1776 : vector<16xf32>
      %mul3A_1778 = arith.mulf %get3A_1775, %get3A_1775 : vector<16xf32>
      %add3A_1779 = arith.addf %add3A_1771, %mul3A_1778 : vector<16xf32>
      %get3A_1780 = arith.index_cast %add3A_1709 : i32 to index
      %get3A_1781 = arith.constant 144 : index
      %get3A_1782 = tpu.vector_load %arg7[%get3A_1780, %get3A_1781] {strides = array<i32>} : memref<32x256xf32, #tpu.memory_space<vmem>>, vector<1x16xf32>,
      %get3A_1783 = vector.shape_cast %get3A_1782 : vector<1x16xf32> to vector<16xf32>
      %mul3A_1784 = arith.mulf %get3A_1783, %get3A_34 : vector<16xf32>
      %add3A_1785 = arith.addf %add3A_1777, %mul3A_1784 : vector<16xf32>
      %mul3A_1786 = arith.mulf %get3A_1783, %get3A_1783 : vector<16xf32>
      %add3A_1787 = arith.addf %add3A_1779, %mul3A_1786 : vector<16xf32>
      %get3A_1788 = arith.index_cast %add3A_1709 : i32 to index
      %get3A_1789 = arith.constant 160 : index
      %get3A_1790 = tpu.vector_load %arg7[%get3A_1788, %get3A_1789] {strides = array<i32>} : memref<32x256xf32, #tpu.memory_space<vmem>>, vector<1x16xf32>,
      %get3A_1791 = vector.shape_cast %get3A_1790 : vector<1x16xf32> to vector<16xf32>
      %mul3A_1792 = arith.mulf %get3A_1791, %get3A_37 : vector<16xf32>
      %add3A_1793 = arith.addf %add3A_1785, %mul3A_1792 : vector<16xf32>
      %mul3A_1794 = arith.mulf %get3A_1791, %get3A_1791 : vector<16xf32>
      %add3A_1795 = arith.addf %add3A_1787, %mul3A_1794 : vector<16xf32>
      %get3A_1796 = arith.index_cast %add3A_1709 : i32 to index
      %get3A_1797 = arith.constant 176 : index
      %get3A_1798 = tpu.vector_load %arg7[%get3A_1796, %get3A_1797] {strides = array<i32>} : memref<32x256xf32, #tpu.memory_space<vmem>>, vector<1x16xf32>,
      %get3A_1799 = vector.shape_cast %get3A_1798 : vector<1x16xf32> to vector<16xf32>
      %mul3A_1800 = arith.mulf %get3A_1799, %get3A_40 : vector<16xf32>
      %add3A_1801 = arith.addf %add3A_1793, %mul3A_1800 : vector<16xf32>
      %mul3A_1802 = arith.mulf %get3A_1799, %get3A_1799 : vector<16xf32>
      %add3A_1803 = arith.addf %add3A_1795, %mul3A_1802 : vector<16xf32>
      %get3A_1804 = arith.index_cast %add3A_1709 : i32 to index
      %get3A_1805 = arith.constant 192 : index
      %get3A_1806 = tpu.vector_load %arg7[%get3A_1804, %get3A_1805] {strides = array<i32>} : memref<32x256xf32, #tpu.memory_space<vmem>>, vector<1x16xf32>,
      %get3A_1807 = vector.shape_cast %get3A_1806 : vector<1x16xf32> to vector<16xf32>
      %mul3A_1808 = arith.mulf %get3A_1807, %get3A_43 : vector<16xf32>
      %add3A_1809 = arith.addf %add3A_1801, %mul3A_1808 : vector<16xf32>
      %mul3A_1810 = arith.mulf %get3A_1807, %get3A_1807 : vector<16xf32>
      %add3A_1811 = arith.addf %add3A_1803, %mul3A_1810 : vector<16xf32>
      %get3A_1812 = arith.index_cast %add3A_1709 : i32 to index
      %get3A_1813 = arith.constant 208 : index
      %get3A_1814 = tpu.vector_load %arg7[%get3A_1812, %get3A_1813] {strides = array<i32>} : memref<32x256xf32, #tpu.memory_space<vmem>>, vector<1x16xf32>,
      %get3A_1815 = vector.shape_cast %get3A_1814 : vector<1x16xf32> to vector<16xf32>
      %mul3A_1816 = arith.mulf %get3A_1815, %get3A_46 : vector<16xf32>
      %add3A_1817 = arith.addf %add3A_1809, %mul3A_1816 : vector<16xf32>
      %mul3A_1818 = arith.mulf %get3A_1815, %get3A_1815 : vector<16xf32>
      %add3A_1819 = arith.addf %add3A_1811, %mul3A_1818 : vector<16xf32>
      %get3A_1820 = arith.index_cast %add3A_1709 : i32 to index
      %get3A_1821 = arith.constant 224 : index
      %get3A_1822 = tpu.vector_load %arg7[%get3A_1820, %get3A_1821] {strides = array<i32>} : memref<32x256xf32, #tpu.memory_space<vmem>>, vector<1x16xf32>,
      %get3A_1823 = vector.shape_cast %get3A_1822 : vector<1x16xf32> to vector<16xf32>
      %mul3A_1824 = arith.mulf %get3A_1823, %get3A_49 : vector<16xf32>
      %add3A_1825 = arith.addf %add3A_1817, %mul3A_1824 : vector<16xf32>
      %mul3A_1826 = arith.mulf %get3A_1823, %get3A_1823 : vector<16xf32>
      %add3A_1827 = arith.addf %add3A_1819, %mul3A_1826 : vector<16xf32>
      %get3A_1828 = arith.index_cast %add3A_1709 : i32 to index
      %get3A_1829 = arith.constant 240 : index
      %get3A_1830 = tpu.vector_load %arg7[%get3A_1828, %get3A_1829] {strides = array<i32>} : memref<32x256xf32, #tpu.memory_space<vmem>>, vector<1x16xf32>,
      %get3A_1831 = vector.shape_cast %get3A_1830 : vector<1x16xf32> to vector<16xf32>
      %mul3A_1832 = arith.mulf %get3A_1831, %get3A_52 : vector<16xf32>
      %add3A_1833 = arith.addf %add3A_1825, %mul3A_1832 : vector<16xf32>
      %mul3A_1834 = arith.mulf %get3A_1831, %get3A_1831 : vector<16xf32>
      %add3A_1835 = arith.addf %add3A_1827, %mul3A_1834 : vector<16xf32>
      %mul3A_1836 = arith.constant 16 : i32
      %mul3A_1837 = arith.muli %scan3A_70, %mul3A_1836 : i32
      %add3A_1838 = arith.constant 8 : i32
      %add3A_1839 = arith.addi %mul3A_1837, %add3A_1838 : i32
      %add3A_1840 = arith.constant 3 : i32
      %add3A_1841 = arith.addi %add3A_1839, %add3A_1840 : i32
      %get3A_1842 = arith.index_cast %add3A_1841 : i32 to index
      %get3A_1843 = arith.constant 0 : index
      %get3A_1844 = tpu.vector_load %arg7[%get3A_1842, %get3A_1843] {strides = array<i32>} : memref<32x256xf32, #tpu.memory_space<vmem>>, vector<1x16xf32>,
      %get3A_1845 = vector.shape_cast %get3A_1844 : vector<1x16xf32> to vector<16xf32>
      %mul3A_1846 = arith.mulf %get3A_1845, %get3A_7 : vector<16xf32>
      %mul3A_1847 = arith.mulf %get3A_1845, %get3A_1845 : vector<16xf32>
      %get3A_1848 = arith.index_cast %add3A_1841 : i32 to index
      %get3A_1849 = arith.constant 16 : index
      %get3A_1850 = tpu.vector_load %arg7[%get3A_1848, %get3A_1849] {strides = array<i32>} : memref<32x256xf32, #tpu.memory_space<vmem>>, vector<1x16xf32>,
      %get3A_1851 = vector.shape_cast %get3A_1850 : vector<1x16xf32> to vector<16xf32>
      %mul3A_1852 = arith.mulf %get3A_1851, %get3A_10 : vector<16xf32>
      %add3A_1853 = arith.addf %mul3A_1846, %mul3A_1852 : vector<16xf32>
      %mul3A_1854 = arith.mulf %get3A_1851, %get3A_1851 : vector<16xf32>
      %add3A_1855 = arith.addf %mul3A_1847, %mul3A_1854 : vector<16xf32>
      %get3A_1856 = arith.index_cast %add3A_1841 : i32 to index
      %get3A_1857 = arith.constant 32 : index
      %get3A_1858 = tpu.vector_load %arg7[%get3A_1856, %get3A_1857] {strides = array<i32>} : memref<32x256xf32, #tpu.memory_space<vmem>>, vector<1x16xf32>,
      %get3A_1859 = vector.shape_cast %get3A_1858 : vector<1x16xf32> to vector<16xf32>
      %mul3A_1860 = arith.mulf %get3A_1859, %get3A_13 : vector<16xf32>
      %add3A_1861 = arith.addf %add3A_1853, %mul3A_1860 : vector<16xf32>
      %mul3A_1862 = arith.mulf %get3A_1859, %get3A_1859 : vector<16xf32>
      %add3A_1863 = arith.addf %add3A_1855, %mul3A_1862 : vector<16xf32>
      %get3A_1864 = arith.index_cast %add3A_1841 : i32 to index
      %get3A_1865 = arith.constant 48 : index
      %get3A_1866 = tpu.vector_load %arg7[%get3A_1864, %get3A_1865] {strides = array<i32>} : memref<32x256xf32, #tpu.memory_space<vmem>>, vector<1x16xf32>,
      %get3A_1867 = vector.shape_cast %get3A_1866 : vector<1x16xf32> to vector<16xf32>
      %mul3A_1868 = arith.mulf %get3A_1867, %get3A_16 : vector<16xf32>
      %add3A_1869 = arith.addf %add3A_1861, %mul3A_1868 : vector<16xf32>
      %mul3A_1870 = arith.mulf %get3A_1867, %get3A_1867 : vector<16xf32>
      %add3A_1871 = arith.addf %add3A_1863, %mul3A_1870 : vector<16xf32>
      %get3A_1872 = arith.index_cast %add3A_1841 : i32 to index
      %get3A_1873 = arith.constant 64 : index
      %get3A_1874 = tpu.vector_load %arg7[%get3A_1872, %get3A_1873] {strides = array<i32>} : memref<32x256xf32, #tpu.memory_space<vmem>>, vector<1x16xf32>,
      %get3A_1875 = vector.shape_cast %get3A_1874 : vector<1x16xf32> to vector<16xf32>
      %mul3A_1876 = arith.mulf %get3A_1875, %get3A_19 : vector<16xf32>
      %add3A_1877 = arith.addf %add3A_1869, %mul3A_1876 : vector<16xf32>
      %mul3A_1878 = arith.mulf %get3A_1875, %get3A_1875 : vector<16xf32>
      %add3A_1879 = arith.addf %add3A_1871, %mul3A_1878 : vector<16xf32>
      %get3A_1880 = arith.index_cast %add3A_1841 : i32 to index
      %get3A_1881 = arith.constant 80 : index
      %get3A_1882 = tpu.vector_load %arg7[%get3A_1880, %get3A_1881] {strides = array<i32>} : memref<32x256xf32, #tpu.memory_space<vmem>>, vector<1x16xf32>,
      %get3A_1883 = vector.shape_cast %get3A_1882 : vector<1x16xf32> to vector<16xf32>
      %mul3A_1884 = arith.mulf %get3A_1883, %get3A_22 : vector<16xf32>
      %add3A_1885 = arith.addf %add3A_1877, %mul3A_1884 : vector<16xf32>
      %mul3A_1886 = arith.mulf %get3A_1883, %get3A_1883 : vector<16xf32>
      %add3A_1887 = arith.addf %add3A_1879, %mul3A_1886 : vector<16xf32>
      %get3A_1888 = arith.index_cast %add3A_1841 : i32 to index
      %get3A_1889 = arith.constant 96 : index
      %get3A_1890 = tpu.vector_load %arg7[%get3A_1888, %get3A_1889] {strides = array<i32>} : memref<32x256xf32, #tpu.memory_space<vmem>>, vector<1x16xf32>,
      %get3A_1891 = vector.shape_cast %get3A_1890 : vector<1x16xf32> to vector<16xf32>
      %mul3A_1892 = arith.mulf %get3A_1891, %get3A_25 : vector<16xf32>
      %add3A_1893 = arith.addf %add3A_1885, %mul3A_1892 : vector<16xf32>
      %mul3A_1894 = arith.mulf %get3A_1891, %get3A_1891 : vector<16xf32>
      %add3A_1895 = arith.addf %add3A_1887, %mul3A_1894 : vector<16xf32>
      %get3A_1896 = arith.index_cast %add3A_1841 : i32 to index
      %get3A_1897 = arith.constant 112 : index
      %get3A_1898 = tpu.vector_load %arg7[%get3A_1896, %get3A_1897] {strides = array<i32>} : memref<32x256xf32, #tpu.memory_space<vmem>>, vector<1x16xf32>,
      %get3A_1899 = vector.shape_cast %get3A_1898 : vector<1x16xf32> to vector<16xf32>
      %mul3A_1900 = arith.mulf %get3A_1899, %get3A_28 : vector<16xf32>
      %add3A_1901 = arith.addf %add3A_1893, %mul3A_1900 : vector<16xf32>
      %mul3A_1902 = arith.mulf %get3A_1899, %get3A_1899 : vector<16xf32>
      %add3A_1903 = arith.addf %add3A_1895, %mul3A_1902 : vector<16xf32>
      %get3A_1904 = arith.index_cast %add3A_1841 : i32 to index
      %get3A_1905 = arith.constant 128 : index
      %get3A_1906 = tpu.vector_load %arg7[%get3A_1904, %get3A_1905] {strides = array<i32>} : memref<32x256xf32, #tpu.memory_space<vmem>>, vector<1x16xf32>,
      %get3A_1907 = vector.shape_cast %get3A_1906 : vector<1x16xf32> to vector<16xf32>
      %mul3A_1908 = arith.mulf %get3A_1907, %get3A_31 : vector<16xf32>
      %add3A_1909 = arith.addf %add3A_1901, %mul3A_1908 : vector<16xf32>
      %mul3A_1910 = arith.mulf %get3A_1907, %get3A_1907 : vector<16xf32>
      %add3A_1911 = arith.addf %add3A_1903, %mul3A_1910 : vector<16xf32>
      %get3A_1912 = arith.index_cast %add3A_1841 : i32 to index
      %get3A_1913 = arith.constant 144 : index
      %get3A_1914 = tpu.vector_load %arg7[%get3A_1912, %get3A_1913] {strides = array<i32>} : memref<32x256xf32, #tpu.memory_space<vmem>>, vector<1x16xf32>,
      %get3A_1915 = vector.shape_cast %get3A_1914 : vector<1x16xf32> to vector<16xf32>
      %mul3A_1916 = arith.mulf %get3A_1915, %get3A_34 : vector<16xf32>
      %add3A_1917 = arith.addf %add3A_1909, %mul3A_1916 : vector<16xf32>
      %mul3A_1918 = arith.mulf %get3A_1915, %get3A_1915 : vector<16xf32>
      %add3A_1919 = arith.addf %add3A_1911, %mul3A_1918 : vector<16xf32>
      %get3A_1920 = arith.index_cast %add3A_1841 : i32 to index
      %get3A_1921 = arith.constant 160 : index
      %get3A_1922 = tpu.vector_load %arg7[%get3A_1920, %get3A_1921] {strides = array<i32>} : memref<32x256xf32, #tpu.memory_space<vmem>>, vector<1x16xf32>,
      %get3A_1923 = vector.shape_cast %get3A_1922 : vector<1x16xf32> to vector<16xf32>
      %mul3A_1924 = arith.mulf %get3A_1923, %get3A_37 : vector<16xf32>
      %add3A_1925 = arith.addf %add3A_1917, %mul3A_1924 : vector<16xf32>
      %mul3A_1926 = arith.mulf %get3A_1923, %get3A_1923 : vector<16xf32>
      %add3A_1927 = arith.addf %add3A_1919, %mul3A_1926 : vector<16xf32>
      %get3A_1928 = arith.index_cast %add3A_1841 : i32 to index
      %get3A_1929 = arith.constant 176 : index
      %get3A_1930 = tpu.vector_load %arg7[%get3A_1928, %get3A_1929] {strides = array<i32>} : memref<32x256xf32, #tpu.memory_space<vmem>>, vector<1x16xf32>,
      %get3A_1931 = vector.shape_cast %get3A_1930 : vector<1x16xf32> to vector<16xf32>
      %mul3A_1932 = arith.mulf %get3A_1931, %get3A_40 : vector<16xf32>
      %add3A_1933 = arith.addf %add3A_1925, %mul3A_1932 : vector<16xf32>
      %mul3A_1934 = arith.mulf %get3A_1931, %get3A_1931 : vector<16xf32>
      %add3A_1935 = arith.addf %add3A_1927, %mul3A_1934 : vector<16xf32>
      %get3A_1936 = arith.index_cast %add3A_1841 : i32 to index
      %get3A_1937 = arith.constant 192 : index
      %get3A_1938 = tpu.vector_load %arg7[%get3A_1936, %get3A_1937] {strides = array<i32>} : memref<32x256xf32, #tpu.memory_space<vmem>>, vector<1x16xf32>,
      %get3A_1939 = vector.shape_cast %get3A_1938 : vector<1x16xf32> to vector<16xf32>
      %mul3A_1940 = arith.mulf %get3A_1939, %get3A_43 : vector<16xf32>
      %add3A_1941 = arith.addf %add3A_1933, %mul3A_1940 : vector<16xf32>
      %mul3A_1942 = arith.mulf %get3A_1939, %get3A_1939 : vector<16xf32>
      %add3A_1943 = arith.addf %add3A_1935, %mul3A_1942 : vector<16xf32>
      %get3A_1944 = arith.index_cast %add3A_1841 : i32 to index
      %get3A_1945 = arith.constant 208 : index
      %get3A_1946 = tpu.vector_load %arg7[%get3A_1944, %get3A_1945] {strides = array<i32>} : memref<32x256xf32, #tpu.memory_space<vmem>>, vector<1x16xf32>,
      %get3A_1947 = vector.shape_cast %get3A_1946 : vector<1x16xf32> to vector<16xf32>
      %mul3A_1948 = arith.mulf %get3A_1947, %get3A_46 : vector<16xf32>
      %add3A_1949 = arith.addf %add3A_1941, %mul3A_1948 : vector<16xf32>
      %mul3A_1950 = arith.mulf %get3A_1947, %get3A_1947 : vector<16xf32>
      %add3A_1951 = arith.addf %add3A_1943, %mul3A_1950 : vector<16xf32>
      %get3A_1952 = arith.index_cast %add3A_1841 : i32 to index
      %get3A_1953 = arith.constant 224 : index
      %get3A_1954 = tpu.vector_load %arg7[%get3A_1952, %get3A_1953] {strides = array<i32>} : memref<32x256xf32, #tpu.memory_space<vmem>>, vector<1x16xf32>,
      %get3A_1955 = vector.shape_cast %get3A_1954 : vector<1x16xf32> to vector<16xf32>
      %mul3A_1956 = arith.mulf %get3A_1955, %get3A_49 : vector<16xf32>
      %add3A_1957 = arith.addf %add3A_1949, %mul3A_1956 : vector<16xf32>
      %mul3A_1958 = arith.mulf %get3A_1955, %get3A_1955 : vector<16xf32>
      %add3A_1959 = arith.addf %add3A_1951, %mul3A_1958 : vector<16xf32>
      %get3A_1960 = arith.index_cast %add3A_1841 : i32 to index
      %get3A_1961 = arith.constant 240 : index
      %get3A_1962 = tpu.vector_load %arg7[%get3A_1960, %get3A_1961] {strides = array<i32>} : memref<32x256xf32, #tpu.memory_space<vmem>>, vector<1x16xf32>,
      %get3A_1963 = vector.shape_cast %get3A_1962 : vector<1x16xf32> to vector<16xf32>
      %mul3A_1964 = arith.mulf %get3A_1963, %get3A_52 : vector<16xf32>
      %add3A_1965 = arith.addf %add3A_1957, %mul3A_1964 : vector<16xf32>
      %mul3A_1966 = arith.mulf %get3A_1963, %get3A_1963 : vector<16xf32>
      %add3A_1967 = arith.addf %add3A_1959, %mul3A_1966 : vector<16xf32>
      %mul3A_1968 = arith.constant 16 : i32
      %mul3A_1969 = arith.muli %scan3A_70, %mul3A_1968 : i32
      %add3A_1970 = arith.constant 8 : i32
      %add3A_1971 = arith.addi %mul3A_1969, %add3A_1970 : i32
      %add3A_1972 = arith.constant 4 : i32
      %add3A_1973 = arith.addi %add3A_1971, %add3A_1972 : i32
      %get3A_1974 = arith.index_cast %add3A_1973 : i32 to index
      %get3A_1975 = arith.constant 0 : index
      %get3A_1976 = tpu.vector_load %arg7[%get3A_1974, %get3A_1975] {strides = array<i32>} : memref<32x256xf32, #tpu.memory_space<vmem>>, vector<1x16xf32>,
      %get3A_1977 = vector.shape_cast %get3A_1976 : vector<1x16xf32> to vector<16xf32>
      %mul3A_1978 = arith.mulf %get3A_1977, %get3A_7 : vector<16xf32>
      %mul3A_1979 = arith.mulf %get3A_1977, %get3A_1977 : vector<16xf32>
      %get3A_1980 = arith.index_cast %add3A_1973 : i32 to index
      %get3A_1981 = arith.constant 16 : index
      %get3A_1982 = tpu.vector_load %arg7[%get3A_1980, %get3A_1981] {strides = array<i32>} : memref<32x256xf32, #tpu.memory_space<vmem>>, vector<1x16xf32>,
      %get3A_1983 = vector.shape_cast %get3A_1982 : vector<1x16xf32> to vector<16xf32>
      %mul3A_1984 = arith.mulf %get3A_1983, %get3A_10 : vector<16xf32>
      %add3A_1985 = arith.addf %mul3A_1978, %mul3A_1984 : vector<16xf32>
      %mul3A_1986 = arith.mulf %get3A_1983, %get3A_1983 : vector<16xf32>
      %add3A_1987 = arith.addf %mul3A_1979, %mul3A_1986 : vector<16xf32>
      %get3A_1988 = arith.index_cast %add3A_1973 : i32 to index
      %get3A_1989 = arith.constant 32 : index
      %get3A_1990 = tpu.vector_load %arg7[%get3A_1988, %get3A_1989] {strides = array<i32>} : memref<32x256xf32, #tpu.memory_space<vmem>>, vector<1x16xf32>,
      %get3A_1991 = vector.shape_cast %get3A_1990 : vector<1x16xf32> to vector<16xf32>
      %mul3A_1992 = arith.mulf %get3A_1991, %get3A_13 : vector<16xf32>
      %add3A_1993 = arith.addf %add3A_1985, %mul3A_1992 : vector<16xf32>
      %mul3A_1994 = arith.mulf %get3A_1991, %get3A_1991 : vector<16xf32>
      %add3A_1995 = arith.addf %add3A_1987, %mul3A_1994 : vector<16xf32>
      %get3A_1996 = arith.index_cast %add3A_1973 : i32 to index
      %get3A_1997 = arith.constant 48 : index
      %get3A_1998 = tpu.vector_load %arg7[%get3A_1996, %get3A_1997] {strides = array<i32>} : memref<32x256xf32, #tpu.memory_space<vmem>>, vector<1x16xf32>,
      %get3A_1999 = vector.shape_cast %get3A_1998 : vector<1x16xf32> to vector<16xf32>
      %mul3A_2000 = arith.mulf %get3A_1999, %get3A_16 : vector<16xf32>
      %add3A_2001 = arith.addf %add3A_1993, %mul3A_2000 : vector<16xf32>
      %mul3A_2002 = arith.mulf %get3A_1999, %get3A_1999 : vector<16xf32>
      %add3A_2003 = arith.addf %add3A_1995, %mul3A_2002 : vector<16xf32>
      %get3A_2004 = arith.index_cast %add3A_1973 : i32 to index
      %get3A_2005 = arith.constant 64 : index
      %get3A_2006 = tpu.vector_load %arg7[%get3A_2004, %get3A_2005] {strides = array<i32>} : memref<32x256xf32, #tpu.memory_space<vmem>>, vector<1x16xf32>,
      %get3A_2007 = vector.shape_cast %get3A_2006 : vector<1x16xf32> to vector<16xf32>
      %mul3A_2008 = arith.mulf %get3A_2007, %get3A_19 : vector<16xf32>
      %add3A_2009 = arith.addf %add3A_2001, %mul3A_2008 : vector<16xf32>
      %mul3A_2010 = arith.mulf %get3A_2007, %get3A_2007 : vector<16xf32>
      %add3A_2011 = arith.addf %add3A_2003, %mul3A_2010 : vector<16xf32>
      %get3A_2012 = arith.index_cast %add3A_1973 : i32 to index
      %get3A_2013 = arith.constant 80 : index
      %get3A_2014 = tpu.vector_load %arg7[%get3A_2012, %get3A_2013] {strides = array<i32>} : memref<32x256xf32, #tpu.memory_space<vmem>>, vector<1x16xf32>,
      %get3A_2015 = vector.shape_cast %get3A_2014 : vector<1x16xf32> to vector<16xf32>
      %mul3A_2016 = arith.mulf %get3A_2015, %get3A_22 : vector<16xf32>
      %add3A_2017 = arith.addf %add3A_2009, %mul3A_2016 : vector<16xf32>
      %mul3A_2018 = arith.mulf %get3A_2015, %get3A_2015 : vector<16xf32>
      %add3A_2019 = arith.addf %add3A_2011, %mul3A_2018 : vector<16xf32>
      %get3A_2020 = arith.index_cast %add3A_1973 : i32 to index
      %get3A_2021 = arith.constant 96 : index
      %get3A_2022 = tpu.vector_load %arg7[%get3A_2020, %get3A_2021] {strides = array<i32>} : memref<32x256xf32, #tpu.memory_space<vmem>>, vector<1x16xf32>,
      %get3A_2023 = vector.shape_cast %get3A_2022 : vector<1x16xf32> to vector<16xf32>
      %mul3A_2024 = arith.mulf %get3A_2023, %get3A_25 : vector<16xf32>
      %add3A_2025 = arith.addf %add3A_2017, %mul3A_2024 : vector<16xf32>
      %mul3A_2026 = arith.mulf %get3A_2023, %get3A_2023 : vector<16xf32>
      %add3A_2027 = arith.addf %add3A_2019, %mul3A_2026 : vector<16xf32>
      %get3A_2028 = arith.index_cast %add3A_1973 : i32 to index
      %get3A_2029 = arith.constant 112 : index
      %get3A_2030 = tpu.vector_load %arg7[%get3A_2028, %get3A_2029] {strides = array<i32>} : memref<32x256xf32, #tpu.memory_space<vmem>>, vector<1x16xf32>,
      %get3A_2031 = vector.shape_cast %get3A_2030 : vector<1x16xf32> to vector<16xf32>
      %mul3A_2032 = arith.mulf %get3A_2031, %get3A_28 : vector<16xf32>
      %add3A_2033 = arith.addf %add3A_2025, %mul3A_2032 : vector<16xf32>
      %mul3A_2034 = arith.mulf %get3A_2031, %get3A_2031 : vector<16xf32>
      %add3A_2035 = arith.addf %add3A_2027, %mul3A_2034 : vector<16xf32>
      %get3A_2036 = arith.index_cast %add3A_1973 : i32 to index
      %get3A_2037 = arith.constant 128 : index
      %get3A_2038 = tpu.vector_load %arg7[%get3A_2036, %get3A_2037] {strides = array<i32>} : memref<32x256xf32, #tpu.memory_space<vmem>>, vector<1x16xf32>,
      %get3A_2039 = vector.shape_cast %get3A_2038 : vector<1x16xf32> to vector<16xf32>
      %mul3A_2040 = arith.mulf %get3A_2039, %get3A_31 : vector<16xf32>
      %add3A_2041 = arith.addf %add3A_2033, %mul3A_2040 : vector<16xf32>
      %mul3A_2042 = arith.mulf %get3A_2039, %get3A_2039 : vector<16xf32>
      %add3A_2043 = arith.addf %add3A_2035, %mul3A_2042 : vector<16xf32>
      %get3A_2044 = arith.index_cast %add3A_1973 : i32 to index
      %get3A_2045 = arith.constant 144 : index
      %get3A_2046 = tpu.vector_load %arg7[%get3A_2044, %get3A_2045] {strides = array<i32>} : memref<32x256xf32, #tpu.memory_space<vmem>>, vector<1x16xf32>,
      %get3A_2047 = vector.shape_cast %get3A_2046 : vector<1x16xf32> to vector<16xf32>
      %mul3A_2048 = arith.mulf %get3A_2047, %get3A_34 : vector<16xf32>
      %add3A_2049 = arith.addf %add3A_2041, %mul3A_2048 : vector<16xf32>
      %mul3A_2050 = arith.mulf %get3A_2047, %get3A_2047 : vector<16xf32>
      %add3A_2051 = arith.addf %add3A_2043, %mul3A_2050 : vector<16xf32>
      %get3A_2052 = arith.index_cast %add3A_1973 : i32 to index
      %get3A_2053 = arith.constant 160 : index
      %get3A_2054 = tpu.vector_load %arg7[%get3A_2052, %get3A_2053] {strides = array<i32>} : memref<32x256xf32, #tpu.memory_space<vmem>>, vector<1x16xf32>,
      %get3A_2055 = vector.shape_cast %get3A_2054 : vector<1x16xf32> to vector<16xf32>
      %mul3A_2056 = arith.mulf %get3A_2055, %get3A_37 : vector<16xf32>
      %add3A_2057 = arith.addf %add3A_2049, %mul3A_2056 : vector<16xf32>
      %mul3A_2058 = arith.mulf %get3A_2055, %get3A_2055 : vector<16xf32>
      %add3A_2059 = arith.addf %add3A_2051, %mul3A_2058 : vector<16xf32>
      %get3A_2060 = arith.index_cast %add3A_1973 : i32 to index
      %get3A_2061 = arith.constant 176 : index
      %get3A_2062 = tpu.vector_load %arg7[%get3A_2060, %get3A_2061] {strides = array<i32>} : memref<32x256xf32, #tpu.memory_space<vmem>>, vector<1x16xf32>,
      %get3A_2063 = vector.shape_cast %get3A_2062 : vector<1x16xf32> to vector<16xf32>
      %mul3A_2064 = arith.mulf %get3A_2063, %get3A_40 : vector<16xf32>
      %add3A_2065 = arith.addf %add3A_2057, %mul3A_2064 : vector<16xf32>
      %mul3A_2066 = arith.mulf %get3A_2063, %get3A_2063 : vector<16xf32>
      %add3A_2067 = arith.addf %add3A_2059, %mul3A_2066 : vector<16xf32>
      %get3A_2068 = arith.index_cast %add3A_1973 : i32 to index
      %get3A_2069 = arith.constant 192 : index
      %get3A_2070 = tpu.vector_load %arg7[%get3A_2068, %get3A_2069] {strides = array<i32>} : memref<32x256xf32, #tpu.memory_space<vmem>>, vector<1x16xf32>,
      %get3A_2071 = vector.shape_cast %get3A_2070 : vector<1x16xf32> to vector<16xf32>
      %mul3A_2072 = arith.mulf %get3A_2071, %get3A_43 : vector<16xf32>
      %add3A_2073 = arith.addf %add3A_2065, %mul3A_2072 : vector<16xf32>
      %mul3A_2074 = arith.mulf %get3A_2071, %get3A_2071 : vector<16xf32>
      %add3A_2075 = arith.addf %add3A_2067, %mul3A_2074 : vector<16xf32>
      %get3A_2076 = arith.index_cast %add3A_1973 : i32 to index
      %get3A_2077 = arith.constant 208 : index
      %get3A_2078 = tpu.vector_load %arg7[%get3A_2076, %get3A_2077] {strides = array<i32>} : memref<32x256xf32, #tpu.memory_space<vmem>>, vector<1x16xf32>,
      %get3A_2079 = vector.shape_cast %get3A_2078 : vector<1x16xf32> to vector<16xf32>
      %mul3A_2080 = arith.mulf %get3A_2079, %get3A_46 : vector<16xf32>
      %add3A_2081 = arith.addf %add3A_2073, %mul3A_2080 : vector<16xf32>
      %mul3A_2082 = arith.mulf %get3A_2079, %get3A_2079 : vector<16xf32>
      %add3A_2083 = arith.addf %add3A_2075, %mul3A_2082 : vector<16xf32>
      %get3A_2084 = arith.index_cast %add3A_1973 : i32 to index
      %get3A_2085 = arith.constant 224 : index
      %get3A_2086 = tpu.vector_load %arg7[%get3A_2084, %get3A_2085] {strides = array<i32>} : memref<32x256xf32, #tpu.memory_space<vmem>>, vector<1x16xf32>,
      %get3A_2087 = vector.shape_cast %get3A_2086 : vector<1x16xf32> to vector<16xf32>
      %mul3A_2088 = arith.mulf %get3A_2087, %get3A_49 : vector<16xf32>
      %add3A_2089 = arith.addf %add3A_2081, %mul3A_2088 : vector<16xf32>
      %mul3A_2090 = arith.mulf %get3A_2087, %get3A_2087 : vector<16xf32>
      %add3A_2091 = arith.addf %add3A_2083, %mul3A_2090 : vector<16xf32>
      %get3A_2092 = arith.index_cast %add3A_1973 : i32 to index
      %get3A_2093 = arith.constant 240 : index
      %get3A_2094 = tpu.vector_load %arg7[%get3A_2092, %get3A_2093] {strides = array<i32>} : memref<32x256xf32, #tpu.memory_space<vmem>>, vector<1x16xf32>,
      %get3A_2095 = vector.shape_cast %get3A_2094 : vector<1x16xf32> to vector<16xf32>
      %mul3A_2096 = arith.mulf %get3A_2095, %get3A_52 : vector<16xf32>
      %add3A_2097 = arith.addf %add3A_2089, %mul3A_2096 : vector<16xf32>
      %mul3A_2098 = arith.mulf %get3A_2095, %get3A_2095 : vector<16xf32>
      %add3A_2099 = arith.addf %add3A_2091, %mul3A_2098 : vector<16xf32>
      %mul3A_2100 = arith.constant 16 : i32
      %mul3A_2101 = arith.muli %scan3A_70, %mul3A_2100 : i32
      %add3A_2102 = arith.constant 8 : i32
      %add3A_2103 = arith.addi %mul3A_2101, %add3A_2102 : i32
      %add3A_2104 = arith.constant 5 : i32
      %add3A_2105 = arith.addi %add3A_2103, %add3A_2104 : i32
      %get3A_2106 = arith.index_cast %add3A_2105 : i32 to index
      %get3A_2107 = arith.constant 0 : index
      %get3A_2108 = tpu.vector_load %arg7[%get3A_2106, %get3A_2107] {strides = array<i32>} : memref<32x256xf32, #tpu.memory_space<vmem>>, vector<1x16xf32>,
      %get3A_2109 = vector.shape_cast %get3A_2108 : vector<1x16xf32> to vector<16xf32>
      %mul3A_2110 = arith.mulf %get3A_2109, %get3A_7 : vector<16xf32>
      %mul3A_2111 = arith.mulf %get3A_2109, %get3A_2109 : vector<16xf32>
      %get3A_2112 = arith.index_cast %add3A_2105 : i32 to index
      %get3A_2113 = arith.constant 16 : index
      %get3A_2114 = tpu.vector_load %arg7[%get3A_2112, %get3A_2113] {strides = array<i32>} : memref<32x256xf32, #tpu.memory_space<vmem>>, vector<1x16xf32>,
      %get3A_2115 = vector.shape_cast %get3A_2114 : vector<1x16xf32> to vector<16xf32>
      %mul3A_2116 = arith.mulf %get3A_2115, %get3A_10 : vector<16xf32>
      %add3A_2117 = arith.addf %mul3A_2110, %mul3A_2116 : vector<16xf32>
      %mul3A_2118 = arith.mulf %get3A_2115, %get3A_2115 : vector<16xf32>
      %add3A_2119 = arith.addf %mul3A_2111, %mul3A_2118 : vector<16xf32>
      %get3A_2120 = arith.index_cast %add3A_2105 : i32 to index
      %get3A_2121 = arith.constant 32 : index
      %get3A_2122 = tpu.vector_load %arg7[%get3A_2120, %get3A_2121] {strides = array<i32>} : memref<32x256xf32, #tpu.memory_space<vmem>>, vector<1x16xf32>,
      %get3A_2123 = vector.shape_cast %get3A_2122 : vector<1x16xf32> to vector<16xf32>
      %mul3A_2124 = arith.mulf %get3A_2123, %get3A_13 : vector<16xf32>
      %add3A_2125 = arith.addf %add3A_2117, %mul3A_2124 : vector<16xf32>
      %mul3A_2126 = arith.mulf %get3A_2123, %get3A_2123 : vector<16xf32>
      %add3A_2127 = arith.addf %add3A_2119, %mul3A_2126 : vector<16xf32>
      %get3A_2128 = arith.index_cast %add3A_2105 : i32 to index
      %get3A_2129 = arith.constant 48 : index
      %get3A_2130 = tpu.vector_load %arg7[%get3A_2128, %get3A_2129] {strides = array<i32>} : memref<32x256xf32, #tpu.memory_space<vmem>>, vector<1x16xf32>,
      %get3A_2131 = vector.shape_cast %get3A_2130 : vector<1x16xf32> to vector<16xf32>
      %mul3A_2132 = arith.mulf %get3A_2131, %get3A_16 : vector<16xf32>
      %add3A_2133 = arith.addf %add3A_2125, %mul3A_2132 : vector<16xf32>
      %mul3A_2134 = arith.mulf %get3A_2131, %get3A_2131 : vector<16xf32>
      %add3A_2135 = arith.addf %add3A_2127, %mul3A_2134 : vector<16xf32>
      %get3A_2136 = arith.index_cast %add3A_2105 : i32 to index
      %get3A_2137 = arith.constant 64 : index
      %get3A_2138 = tpu.vector_load %arg7[%get3A_2136, %get3A_2137] {strides = array<i32>} : memref<32x256xf32, #tpu.memory_space<vmem>>, vector<1x16xf32>,
      %get3A_2139 = vector.shape_cast %get3A_2138 : vector<1x16xf32> to vector<16xf32>
      %mul3A_2140 = arith.mulf %get3A_2139, %get3A_19 : vector<16xf32>
      %add3A_2141 = arith.addf %add3A_2133, %mul3A_2140 : vector<16xf32>
      %mul3A_2142 = arith.mulf %get3A_2139, %get3A_2139 : vector<16xf32>
      %add3A_2143 = arith.addf %add3A_2135, %mul3A_2142 : vector<16xf32>
      %get3A_2144 = arith.index_cast %add3A_2105 : i32 to index
      %get3A_2145 = arith.constant 80 : index
      %get3A_2146 = tpu.vector_load %arg7[%get3A_2144, %get3A_2145] {strides = array<i32>} : memref<32x256xf32, #tpu.memory_space<vmem>>, vector<1x16xf32>,
      %get3A_2147 = vector.shape_cast %get3A_2146 : vector<1x16xf32> to vector<16xf32>
      %mul3A_2148 = arith.mulf %get3A_2147, %get3A_22 : vector<16xf32>
      %add3A_2149 = arith.addf %add3A_2141, %mul3A_2148 : vector<16xf32>
      %mul3A_2150 = arith.mulf %get3A_2147, %get3A_2147 : vector<16xf32>
      %add3A_2151 = arith.addf %add3A_2143, %mul3A_2150 : vector<16xf32>
      %get3A_2152 = arith.index_cast %add3A_2105 : i32 to index
      %get3A_2153 = arith.constant 96 : index
      %get3A_2154 = tpu.vector_load %arg7[%get3A_2152, %get3A_2153] {strides = array<i32>} : memref<32x256xf32, #tpu.memory_space<vmem>>, vector<1x16xf32>,
      %get3A_2155 = vector.shape_cast %get3A_2154 : vector<1x16xf32> to vector<16xf32>
      %mul3A_2156 = arith.mulf %get3A_2155, %get3A_25 : vector<16xf32>
      %add3A_2157 = arith.addf %add3A_2149, %mul3A_2156 : vector<16xf32>
      %mul3A_2158 = arith.mulf %get3A_2155, %get3A_2155 : vector<16xf32>
      %add3A_2159 = arith.addf %add3A_2151, %mul3A_2158 : vector<16xf32>
      %get3A_2160 = arith.index_cast %add3A_2105 : i32 to index
      %get3A_2161 = arith.constant 112 : index
      %get3A_2162 = tpu.vector_load %arg7[%get3A_2160, %get3A_2161] {strides = array<i32>} : memref<32x256xf32, #tpu.memory_space<vmem>>, vector<1x16xf32>,
      %get3A_2163 = vector.shape_cast %get3A_2162 : vector<1x16xf32> to vector<16xf32>
      %mul3A_2164 = arith.mulf %get3A_2163, %get3A_28 : vector<16xf32>
      %add3A_2165 = arith.addf %add3A_2157, %mul3A_2164 : vector<16xf32>
      %mul3A_2166 = arith.mulf %get3A_2163, %get3A_2163 : vector<16xf32>
      %add3A_2167 = arith.addf %add3A_2159, %mul3A_2166 : vector<16xf32>
      %get3A_2168 = arith.index_cast %add3A_2105 : i32 to index
      %get3A_2169 = arith.constant 128 : index
      %get3A_2170 = tpu.vector_load %arg7[%get3A_2168, %get3A_2169] {strides = array<i32>} : memref<32x256xf32, #tpu.memory_space<vmem>>, vector<1x16xf32>,
      %get3A_2171 = vector.shape_cast %get3A_2170 : vector<1x16xf32> to vector<16xf32>
      %mul3A_2172 = arith.mulf %get3A_2171, %get3A_31 : vector<16xf32>
      %add3A_2173 = arith.addf %add3A_2165, %mul3A_2172 : vector<16xf32>
      %mul3A_2174 = arith.mulf %get3A_2171, %get3A_2171 : vector<16xf32>
      %add3A_2175 = arith.addf %add3A_2167, %mul3A_2174 : vector<16xf32>
      %get3A_2176 = arith.index_cast %add3A_2105 : i32 to index
      %get3A_2177 = arith.constant 144 : index
      %get3A_2178 = tpu.vector_load %arg7[%get3A_2176, %get3A_2177] {strides = array<i32>} : memref<32x256xf32, #tpu.memory_space<vmem>>, vector<1x16xf32>,
      %get3A_2179 = vector.shape_cast %get3A_2178 : vector<1x16xf32> to vector<16xf32>
      %mul3A_2180 = arith.mulf %get3A_2179, %get3A_34 : vector<16xf32>
      %add3A_2181 = arith.addf %add3A_2173, %mul3A_2180 : vector<16xf32>
      %mul3A_2182 = arith.mulf %get3A_2179, %get3A_2179 : vector<16xf32>
      %add3A_2183 = arith.addf %add3A_2175, %mul3A_2182 : vector<16xf32>
      %get3A_2184 = arith.index_cast %add3A_2105 : i32 to index
      %get3A_2185 = arith.constant 160 : index
      %get3A_2186 = tpu.vector_load %arg7[%get3A_2184, %get3A_2185] {strides = array<i32>} : memref<32x256xf32, #tpu.memory_space<vmem>>, vector<1x16xf32>,
      %get3A_2187 = vector.shape_cast %get3A_2186 : vector<1x16xf32> to vector<16xf32>
      %mul3A_2188 = arith.mulf %get3A_2187, %get3A_37 : vector<16xf32>
      %add3A_2189 = arith.addf %add3A_2181, %mul3A_2188 : vector<16xf32>
      %mul3A_2190 = arith.mulf %get3A_2187, %get3A_2187 : vector<16xf32>
      %add3A_2191 = arith.addf %add3A_2183, %mul3A_2190 : vector<16xf32>
      %get3A_2192 = arith.index_cast %add3A_2105 : i32 to index
      %get3A_2193 = arith.constant 176 : index
      %get3A_2194 = tpu.vector_load %arg7[%get3A_2192, %get3A_2193] {strides = array<i32>} : memref<32x256xf32, #tpu.memory_space<vmem>>, vector<1x16xf32>,
      %get3A_2195 = vector.shape_cast %get3A_2194 : vector<1x16xf32> to vector<16xf32>
      %mul3A_2196 = arith.mulf %get3A_2195, %get3A_40 : vector<16xf32>
      %add3A_2197 = arith.addf %add3A_2189, %mul3A_2196 : vector<16xf32>
      %mul3A_2198 = arith.mulf %get3A_2195, %get3A_2195 : vector<16xf32>
      %add3A_2199 = arith.addf %add3A_2191, %mul3A_2198 : vector<16xf32>
      %get3A_2200 = arith.index_cast %add3A_2105 : i32 to index
      %get3A_2201 = arith.constant 192 : index
      %get3A_2202 = tpu.vector_load %arg7[%get3A_2200, %get3A_2201] {strides = array<i32>} : memref<32x256xf32, #tpu.memory_space<vmem>>, vector<1x16xf32>,
      %get3A_2203 = vector.shape_cast %get3A_2202 : vector<1x16xf32> to vector<16xf32>
      %mul3A_2204 = arith.mulf %get3A_2203, %get3A_43 : vector<16xf32>
      %add3A_2205 = arith.addf %add3A_2197, %mul3A_2204 : vector<16xf32>
      %mul3A_2206 = arith.mulf %get3A_2203, %get3A_2203 : vector<16xf32>
      %add3A_2207 = arith.addf %add3A_2199, %mul3A_2206 : vector<16xf32>
      %get3A_2208 = arith.index_cast %add3A_2105 : i32 to index
      %get3A_2209 = arith.constant 208 : index
      %get3A_2210 = tpu.vector_load %arg7[%get3A_2208, %get3A_2209] {strides = array<i32>} : memref<32x256xf32, #tpu.memory_space<vmem>>, vector<1x16xf32>,
      %get3A_2211 = vector.shape_cast %get3A_2210 : vector<1x16xf32> to vector<16xf32>
      %mul3A_2212 = arith.mulf %get3A_2211, %get3A_46 : vector<16xf32>
      %add3A_2213 = arith.addf %add3A_2205, %mul3A_2212 : vector<16xf32>
      %mul3A_2214 = arith.mulf %get3A_2211, %get3A_2211 : vector<16xf32>
      %add3A_2215 = arith.addf %add3A_2207, %mul3A_2214 : vector<16xf32>
      %get3A_2216 = arith.index_cast %add3A_2105 : i32 to index
      %get3A_2217 = arith.constant 224 : index
      %get3A_2218 = tpu.vector_load %arg7[%get3A_2216, %get3A_2217] {strides = array<i32>} : memref<32x256xf32, #tpu.memory_space<vmem>>, vector<1x16xf32>,
      %get3A_2219 = vector.shape_cast %get3A_2218 : vector<1x16xf32> to vector<16xf32>
      %mul3A_2220 = arith.mulf %get3A_2219, %get3A_49 : vector<16xf32>
      %add3A_2221 = arith.addf %add3A_2213, %mul3A_2220 : vector<16xf32>
      %mul3A_2222 = arith.mulf %get3A_2219, %get3A_2219 : vector<16xf32>
      %add3A_2223 = arith.addf %add3A_2215, %mul3A_2222 : vector<16xf32>
      %get3A_2224 = arith.index_cast %add3A_2105 : i32 to index
      %get3A_2225 = arith.constant 240 : index
      %get3A_2226 = tpu.vector_load %arg7[%get3A_2224, %get3A_2225] {strides = array<i32>} : memref<32x256xf32, #tpu.memory_space<vmem>>, vector<1x16xf32>,
      %get3A_2227 = vector.shape_cast %get3A_2226 : vector<1x16xf32> to vector<16xf32>
      %mul3A_2228 = arith.mulf %get3A_2227, %get3A_52 : vector<16xf32>
      %add3A_2229 = arith.addf %add3A_2221, %mul3A_2228 : vector<16xf32>
      %mul3A_2230 = arith.mulf %get3A_2227, %get3A_2227 : vector<16xf32>
      %add3A_2231 = arith.addf %add3A_2223, %mul3A_2230 : vector<16xf32>
      %mul3A_2232 = arith.constant 16 : i32
      %mul3A_2233 = arith.muli %scan3A_70, %mul3A_2232 : i32
      %add3A_2234 = arith.constant 8 : i32
      %add3A_2235 = arith.addi %mul3A_2233, %add3A_2234 : i32
      %add3A_2236 = arith.constant 6 : i32
      %add3A_2237 = arith.addi %add3A_2235, %add3A_2236 : i32
      %get3A_2238 = arith.index_cast %add3A_2237 : i32 to index
      %get3A_2239 = arith.constant 0 : index
      %get3A_2240 = tpu.vector_load %arg7[%get3A_2238, %get3A_2239] {strides = array<i32>} : memref<32x256xf32, #tpu.memory_space<vmem>>, vector<1x16xf32>,
      %get3A_2241 = vector.shape_cast %get3A_2240 : vector<1x16xf32> to vector<16xf32>
      %mul3A_2242 = arith.mulf %get3A_2241, %get3A_7 : vector<16xf32>
      %mul3A_2243 = arith.mulf %get3A_2241, %get3A_2241 : vector<16xf32>
      %get3A_2244 = arith.index_cast %add3A_2237 : i32 to index
      %get3A_2245 = arith.constant 16 : index
      %get3A_2246 = tpu.vector_load %arg7[%get3A_2244, %get3A_2245] {strides = array<i32>} : memref<32x256xf32, #tpu.memory_space<vmem>>, vector<1x16xf32>,
      %get3A_2247 = vector.shape_cast %get3A_2246 : vector<1x16xf32> to vector<16xf32>
      %mul3A_2248 = arith.mulf %get3A_2247, %get3A_10 : vector<16xf32>
      %add3A_2249 = arith.addf %mul3A_2242, %mul3A_2248 : vector<16xf32>
      %mul3A_2250 = arith.mulf %get3A_2247, %get3A_2247 : vector<16xf32>
      %add3A_2251 = arith.addf %mul3A_2243, %mul3A_2250 : vector<16xf32>
      %get3A_2252 = arith.index_cast %add3A_2237 : i32 to index
      %get3A_2253 = arith.constant 32 : index
      %get3A_2254 = tpu.vector_load %arg7[%get3A_2252, %get3A_2253] {strides = array<i32>} : memref<32x256xf32, #tpu.memory_space<vmem>>, vector<1x16xf32>,
      %get3A_2255 = vector.shape_cast %get3A_2254 : vector<1x16xf32> to vector<16xf32>
      %mul3A_2256 = arith.mulf %get3A_2255, %get3A_13 : vector<16xf32>
      %add3A_2257 = arith.addf %add3A_2249, %mul3A_2256 : vector<16xf32>
      %mul3A_2258 = arith.mulf %get3A_2255, %get3A_2255 : vector<16xf32>
      %add3A_2259 = arith.addf %add3A_2251, %mul3A_2258 : vector<16xf32>
      %get3A_2260 = arith.index_cast %add3A_2237 : i32 to index
      %get3A_2261 = arith.constant 48 : index
      %get3A_2262 = tpu.vector_load %arg7[%get3A_2260, %get3A_2261] {strides = array<i32>} : memref<32x256xf32, #tpu.memory_space<vmem>>, vector<1x16xf32>,
      %get3A_2263 = vector.shape_cast %get3A_2262 : vector<1x16xf32> to vector<16xf32>
      %mul3A_2264 = arith.mulf %get3A_2263, %get3A_16 : vector<16xf32>
      %add3A_2265 = arith.addf %add3A_2257, %mul3A_2264 : vector<16xf32>
      %mul3A_2266 = arith.mulf %get3A_2263, %get3A_2263 : vector<16xf32>
      %add3A_2267 = arith.addf %add3A_2259, %mul3A_2266 : vector<16xf32>
      %get3A_2268 = arith.index_cast %add3A_2237 : i32 to index
      %get3A_2269 = arith.constant 64 : index
      %get3A_2270 = tpu.vector_load %arg7[%get3A_2268, %get3A_2269] {strides = array<i32>} : memref<32x256xf32, #tpu.memory_space<vmem>>, vector<1x16xf32>,
      %get3A_2271 = vector.shape_cast %get3A_2270 : vector<1x16xf32> to vector<16xf32>
      %mul3A_2272 = arith.mulf %get3A_2271, %get3A_19 : vector<16xf32>
      %add3A_2273 = arith.addf %add3A_2265, %mul3A_2272 : vector<16xf32>
      %mul3A_2274 = arith.mulf %get3A_2271, %get3A_2271 : vector<16xf32>
      %add3A_2275 = arith.addf %add3A_2267, %mul3A_2274 : vector<16xf32>
      %get3A_2276 = arith.index_cast %add3A_2237 : i32 to index
      %get3A_2277 = arith.constant 80 : index
      %get3A_2278 = tpu.vector_load %arg7[%get3A_2276, %get3A_2277] {strides = array<i32>} : memref<32x256xf32, #tpu.memory_space<vmem>>, vector<1x16xf32>,
      %get3A_2279 = vector.shape_cast %get3A_2278 : vector<1x16xf32> to vector<16xf32>
      %mul3A_2280 = arith.mulf %get3A_2279, %get3A_22 : vector<16xf32>
      %add3A_2281 = arith.addf %add3A_2273, %mul3A_2280 : vector<16xf32>
      %mul3A_2282 = arith.mulf %get3A_2279, %get3A_2279 : vector<16xf32>
      %add3A_2283 = arith.addf %add3A_2275, %mul3A_2282 : vector<16xf32>
      %get3A_2284 = arith.index_cast %add3A_2237 : i32 to index
      %get3A_2285 = arith.constant 96 : index
      %get3A_2286 = tpu.vector_load %arg7[%get3A_2284, %get3A_2285] {strides = array<i32>} : memref<32x256xf32, #tpu.memory_space<vmem>>, vector<1x16xf32>,
      %get3A_2287 = vector.shape_cast %get3A_2286 : vector<1x16xf32> to vector<16xf32>
      %mul3A_2288 = arith.mulf %get3A_2287, %get3A_25 : vector<16xf32>
      %add3A_2289 = arith.addf %add3A_2281, %mul3A_2288 : vector<16xf32>
      %mul3A_2290 = arith.mulf %get3A_2287, %get3A_2287 : vector<16xf32>
      %add3A_2291 = arith.addf %add3A_2283, %mul3A_2290 : vector<16xf32>
      %get3A_2292 = arith.index_cast %add3A_2237 : i32 to index
      %get3A_2293 = arith.constant 112 : index
      %get3A_2294 = tpu.vector_load %arg7[%get3A_2292, %get3A_2293] {strides = array<i32>} : memref<32x256xf32, #tpu.memory_space<vmem>>, vector<1x16xf32>,
      %get3A_2295 = vector.shape_cast %get3A_2294 : vector<1x16xf32> to vector<16xf32>
      %mul3A_2296 = arith.mulf %get3A_2295, %get3A_28 : vector<16xf32>
      %add3A_2297 = arith.addf %add3A_2289, %mul3A_2296 : vector<16xf32>
      %mul3A_2298 = arith.mulf %get3A_2295, %get3A_2295 : vector<16xf32>
      %add3A_2299 = arith.addf %add3A_2291, %mul3A_2298 : vector<16xf32>
      %get3A_2300 = arith.index_cast %add3A_2237 : i32 to index
      %get3A_2301 = arith.constant 128 : index
      %get3A_2302 = tpu.vector_load %arg7[%get3A_2300, %get3A_2301] {strides = array<i32>} : memref<32x256xf32, #tpu.memory_space<vmem>>, vector<1x16xf32>,
      %get3A_2303 = vector.shape_cast %get3A_2302 : vector<1x16xf32> to vector<16xf32>
      %mul3A_2304 = arith.mulf %get3A_2303, %get3A_31 : vector<16xf32>
      %add3A_2305 = arith.addf %add3A_2297, %mul3A_2304 : vector<16xf32>
      %mul3A_2306 = arith.mulf %get3A_2303, %get3A_2303 : vector<16xf32>
      %add3A_2307 = arith.addf %add3A_2299, %mul3A_2306 : vector<16xf32>
      %get3A_2308 = arith.index_cast %add3A_2237 : i32 to index
      %get3A_2309 = arith.constant 144 : index
      %get3A_2310 = tpu.vector_load %arg7[%get3A_2308, %get3A_2309] {strides = array<i32>} : memref<32x256xf32, #tpu.memory_space<vmem>>, vector<1x16xf32>,
      %get3A_2311 = vector.shape_cast %get3A_2310 : vector<1x16xf32> to vector<16xf32>
      %mul3A_2312 = arith.mulf %get3A_2311, %get3A_34 : vector<16xf32>
      %add3A_2313 = arith.addf %add3A_2305, %mul3A_2312 : vector<16xf32>
      %mul3A_2314 = arith.mulf %get3A_2311, %get3A_2311 : vector<16xf32>
      %add3A_2315 = arith.addf %add3A_2307, %mul3A_2314 : vector<16xf32>
      %get3A_2316 = arith.index_cast %add3A_2237 : i32 to index
      %get3A_2317 = arith.constant 160 : index
      %get3A_2318 = tpu.vector_load %arg7[%get3A_2316, %get3A_2317] {strides = array<i32>} : memref<32x256xf32, #tpu.memory_space<vmem>>, vector<1x16xf32>,
      %get3A_2319 = vector.shape_cast %get3A_2318 : vector<1x16xf32> to vector<16xf32>
      %mul3A_2320 = arith.mulf %get3A_2319, %get3A_37 : vector<16xf32>
      %add3A_2321 = arith.addf %add3A_2313, %mul3A_2320 : vector<16xf32>
      %mul3A_2322 = arith.mulf %get3A_2319, %get3A_2319 : vector<16xf32>
      %add3A_2323 = arith.addf %add3A_2315, %mul3A_2322 : vector<16xf32>
      %get3A_2324 = arith.index_cast %add3A_2237 : i32 to index
      %get3A_2325 = arith.constant 176 : index
      %get3A_2326 = tpu.vector_load %arg7[%get3A_2324, %get3A_2325] {strides = array<i32>} : memref<32x256xf32, #tpu.memory_space<vmem>>, vector<1x16xf32>,
      %get3A_2327 = vector.shape_cast %get3A_2326 : vector<1x16xf32> to vector<16xf32>
      %mul3A_2328 = arith.mulf %get3A_2327, %get3A_40 : vector<16xf32>
      %add3A_2329 = arith.addf %add3A_2321, %mul3A_2328 : vector<16xf32>
      %mul3A_2330 = arith.mulf %get3A_2327, %get3A_2327 : vector<16xf32>
      %add3A_2331 = arith.addf %add3A_2323, %mul3A_2330 : vector<16xf32>
      %get3A_2332 = arith.index_cast %add3A_2237 : i32 to index
      %get3A_2333 = arith.constant 192 : index
      %get3A_2334 = tpu.vector_load %arg7[%get3A_2332, %get3A_2333] {strides = array<i32>} : memref<32x256xf32, #tpu.memory_space<vmem>>, vector<1x16xf32>,
      %get3A_2335 = vector.shape_cast %get3A_2334 : vector<1x16xf32> to vector<16xf32>
      %mul3A_2336 = arith.mulf %get3A_2335, %get3A_43 : vector<16xf32>
      %add3A_2337 = arith.addf %add3A_2329, %mul3A_2336 : vector<16xf32>
      %mul3A_2338 = arith.mulf %get3A_2335, %get3A_2335 : vector<16xf32>
      %add3A_2339 = arith.addf %add3A_2331, %mul3A_2338 : vector<16xf32>
      %get3A_2340 = arith.index_cast %add3A_2237 : i32 to index
      %get3A_2341 = arith.constant 208 : index
      %get3A_2342 = tpu.vector_load %arg7[%get3A_2340, %get3A_2341] {strides = array<i32>} : memref<32x256xf32, #tpu.memory_space<vmem>>, vector<1x16xf32>,
      %get3A_2343 = vector.shape_cast %get3A_2342 : vector<1x16xf32> to vector<16xf32>
      %mul3A_2344 = arith.mulf %get3A_2343, %get3A_46 : vector<16xf32>
      %add3A_2345 = arith.addf %add3A_2337, %mul3A_2344 : vector<16xf32>
      %mul3A_2346 = arith.mulf %get3A_2343, %get3A_2343 : vector<16xf32>
      %add3A_2347 = arith.addf %add3A_2339, %mul3A_2346 : vector<16xf32>
      %get3A_2348 = arith.index_cast %add3A_2237 : i32 to index
      %get3A_2349 = arith.constant 224 : index
      %get3A_2350 = tpu.vector_load %arg7[%get3A_2348, %get3A_2349] {strides = array<i32>} : memref<32x256xf32, #tpu.memory_space<vmem>>, vector<1x16xf32>,
      %get3A_2351 = vector.shape_cast %get3A_2350 : vector<1x16xf32> to vector<16xf32>
      %mul3A_2352 = arith.mulf %get3A_2351, %get3A_49 : vector<16xf32>
      %add3A_2353 = arith.addf %add3A_2345, %mul3A_2352 : vector<16xf32>
      %mul3A_2354 = arith.mulf %get3A_2351, %get3A_2351 : vector<16xf32>
      %add3A_2355 = arith.addf %add3A_2347, %mul3A_2354 : vector<16xf32>
      %get3A_2356 = arith.index_cast %add3A_2237 : i32 to index
      %get3A_2357 = arith.constant 240 : index
      %get3A_2358 = tpu.vector_load %arg7[%get3A_2356, %get3A_2357] {strides = array<i32>} : memref<32x256xf32, #tpu.memory_space<vmem>>, vector<1x16xf32>,
      %get3A_2359 = vector.shape_cast %get3A_2358 : vector<1x16xf32> to vector<16xf32>
      %mul3A_2360 = arith.mulf %get3A_2359, %get3A_52 : vector<16xf32>
      %add3A_2361 = arith.addf %add3A_2353, %mul3A_2360 : vector<16xf32>
      %mul3A_2362 = arith.mulf %get3A_2359, %get3A_2359 : vector<16xf32>
      %add3A_2363 = arith.addf %add3A_2355, %mul3A_2362 : vector<16xf32>
      %mul3A_2364 = arith.constant 16 : i32
      %mul3A_2365 = arith.muli %scan3A_70, %mul3A_2364 : i32
      %add3A_2366 = arith.constant 8 : i32
      %add3A_2367 = arith.addi %mul3A_2365, %add3A_2366 : i32
      %add3A_2368 = arith.constant 7 : i32
      %add3A_2369 = arith.addi %add3A_2367, %add3A_2368 : i32
      %get3A_2370 = arith.index_cast %add3A_2369 : i32 to index
      %get3A_2371 = arith.constant 0 : index
      %get3A_2372 = tpu.vector_load %arg7[%get3A_2370, %get3A_2371] {strides = array<i32>} : memref<32x256xf32, #tpu.memory_space<vmem>>, vector<1x16xf32>,
      %get3A_2373 = vector.shape_cast %get3A_2372 : vector<1x16xf32> to vector<16xf32>
      %mul3A_2374 = arith.mulf %get3A_2373, %get3A_7 : vector<16xf32>
      %mul3A_2375 = arith.mulf %get3A_2373, %get3A_2373 : vector<16xf32>
      %get3A_2376 = arith.index_cast %add3A_2369 : i32 to index
      %get3A_2377 = arith.constant 16 : index
      %get3A_2378 = tpu.vector_load %arg7[%get3A_2376, %get3A_2377] {strides = array<i32>} : memref<32x256xf32, #tpu.memory_space<vmem>>, vector<1x16xf32>,
      %get3A_2379 = vector.shape_cast %get3A_2378 : vector<1x16xf32> to vector<16xf32>
      %mul3A_2380 = arith.mulf %get3A_2379, %get3A_10 : vector<16xf32>
      %add3A_2381 = arith.addf %mul3A_2374, %mul3A_2380 : vector<16xf32>
      %mul3A_2382 = arith.mulf %get3A_2379, %get3A_2379 : vector<16xf32>
      %add3A_2383 = arith.addf %mul3A_2375, %mul3A_2382 : vector<16xf32>
      %get3A_2384 = arith.index_cast %add3A_2369 : i32 to index
      %get3A_2385 = arith.constant 32 : index
      %get3A_2386 = tpu.vector_load %arg7[%get3A_2384, %get3A_2385] {strides = array<i32>} : memref<32x256xf32, #tpu.memory_space<vmem>>, vector<1x16xf32>,
      %get3A_2387 = vector.shape_cast %get3A_2386 : vector<1x16xf32> to vector<16xf32>
      %mul3A_2388 = arith.mulf %get3A_2387, %get3A_13 : vector<16xf32>
      %add3A_2389 = arith.addf %add3A_2381, %mul3A_2388 : vector<16xf32>
      %mul3A_2390 = arith.mulf %get3A_2387, %get3A_2387 : vector<16xf32>
      %add3A_2391 = arith.addf %add3A_2383, %mul3A_2390 : vector<16xf32>
      %get3A_2392 = arith.index_cast %add3A_2369 : i32 to index
      %get3A_2393 = arith.constant 48 : index
      %get3A_2394 = tpu.vector_load %arg7[%get3A_2392, %get3A_2393] {strides = array<i32>} : memref<32x256xf32, #tpu.memory_space<vmem>>, vector<1x16xf32>,
      %get3A_2395 = vector.shape_cast %get3A_2394 : vector<1x16xf32> to vector<16xf32>
      %mul3A_2396 = arith.mulf %get3A_2395, %get3A_16 : vector<16xf32>
      %add3A_2397 = arith.addf %add3A_2389, %mul3A_2396 : vector<16xf32>
      %mul3A_2398 = arith.mulf %get3A_2395, %get3A_2395 : vector<16xf32>
      %add3A_2399 = arith.addf %add3A_2391, %mul3A_2398 : vector<16xf32>
      %get3A_2400 = arith.index_cast %add3A_2369 : i32 to index
      %get3A_2401 = arith.constant 64 : index
      %get3A_2402 = tpu.vector_load %arg7[%get3A_2400, %get3A_2401] {strides = array<i32>} : memref<32x256xf32, #tpu.memory_space<vmem>>, vector<1x16xf32>,
      %get3A_2403 = vector.shape_cast %get3A_2402 : vector<1x16xf32> to vector<16xf32>
      %mul3A_2404 = arith.mulf %get3A_2403, %get3A_19 : vector<16xf32>
      %add3A_2405 = arith.addf %add3A_2397, %mul3A_2404 : vector<16xf32>
      %mul3A_2406 = arith.mulf %get3A_2403, %get3A_2403 : vector<16xf32>
      %add3A_2407 = arith.addf %add3A_2399, %mul3A_2406 : vector<16xf32>
      %get3A_2408 = arith.index_cast %add3A_2369 : i32 to index
      %get3A_2409 = arith.constant 80 : index
      %get3A_2410 = tpu.vector_load %arg7[%get3A_2408, %get3A_2409] {strides = array<i32>} : memref<32x256xf32, #tpu.memory_space<vmem>>, vector<1x16xf32>,
      %get3A_2411 = vector.shape_cast %get3A_2410 : vector<1x16xf32> to vector<16xf32>
      %mul3A_2412 = arith.mulf %get3A_2411, %get3A_22 : vector<16xf32>
      %add3A_2413 = arith.addf %add3A_2405, %mul3A_2412 : vector<16xf32>
      %mul3A_2414 = arith.mulf %get3A_2411, %get3A_2411 : vector<16xf32>
      %add3A_2415 = arith.addf %add3A_2407, %mul3A_2414 : vector<16xf32>
      %get3A_2416 = arith.index_cast %add3A_2369 : i32 to index
      %get3A_2417 = arith.constant 96 : index
      %get3A_2418 = tpu.vector_load %arg7[%get3A_2416, %get3A_2417] {strides = array<i32>} : memref<32x256xf32, #tpu.memory_space<vmem>>, vector<1x16xf32>,
      %get3A_2419 = vector.shape_cast %get3A_2418 : vector<1x16xf32> to vector<16xf32>
      %mul3A_2420 = arith.mulf %get3A_2419, %get3A_25 : vector<16xf32>
      %add3A_2421 = arith.addf %add3A_2413, %mul3A_2420 : vector<16xf32>
      %mul3A_2422 = arith.mulf %get3A_2419, %get3A_2419 : vector<16xf32>
      %add3A_2423 = arith.addf %add3A_2415, %mul3A_2422 : vector<16xf32>
      %get3A_2424 = arith.index_cast %add3A_2369 : i32 to index
      %get3A_2425 = arith.constant 112 : index
      %get3A_2426 = tpu.vector_load %arg7[%get3A_2424, %get3A_2425] {strides = array<i32>} : memref<32x256xf32, #tpu.memory_space<vmem>>, vector<1x16xf32>,
      %get3A_2427 = vector.shape_cast %get3A_2426 : vector<1x16xf32> to vector<16xf32>
      %mul3A_2428 = arith.mulf %get3A_2427, %get3A_28 : vector<16xf32>
      %add3A_2429 = arith.addf %add3A_2421, %mul3A_2428 : vector<16xf32>
      %mul3A_2430 = arith.mulf %get3A_2427, %get3A_2427 : vector<16xf32>
      %add3A_2431 = arith.addf %add3A_2423, %mul3A_2430 : vector<16xf32>
      %get3A_2432 = arith.index_cast %add3A_2369 : i32 to index
      %get3A_2433 = arith.constant 128 : index
      %get3A_2434 = tpu.vector_load %arg7[%get3A_2432, %get3A_2433] {strides = array<i32>} : memref<32x256xf32, #tpu.memory_space<vmem>>, vector<1x16xf32>,
      %get3A_2435 = vector.shape_cast %get3A_2434 : vector<1x16xf32> to vector<16xf32>
      %mul3A_2436 = arith.mulf %get3A_2435, %get3A_31 : vector<16xf32>
      %add3A_2437 = arith.addf %add3A_2429, %mul3A_2436 : vector<16xf32>
      %mul3A_2438 = arith.mulf %get3A_2435, %get3A_2435 : vector<16xf32>
      %add3A_2439 = arith.addf %add3A_2431, %mul3A_2438 : vector<16xf32>
      %get3A_2440 = arith.index_cast %add3A_2369 : i32 to index
      %get3A_2441 = arith.constant 144 : index
      %get3A_2442 = tpu.vector_load %arg7[%get3A_2440, %get3A_2441] {strides = array<i32>} : memref<32x256xf32, #tpu.memory_space<vmem>>, vector<1x16xf32>,
      %get3A_2443 = vector.shape_cast %get3A_2442 : vector<1x16xf32> to vector<16xf32>
      %mul3A_2444 = arith.mulf %get3A_2443, %get3A_34 : vector<16xf32>
      %add3A_2445 = arith.addf %add3A_2437, %mul3A_2444 : vector<16xf32>
      %mul3A_2446 = arith.mulf %get3A_2443, %get3A_2443 : vector<16xf32>
      %add3A_2447 = arith.addf %add3A_2439, %mul3A_2446 : vector<16xf32>
      %get3A_2448 = arith.index_cast %add3A_2369 : i32 to index
      %get3A_2449 = arith.constant 160 : index
      %get3A_2450 = tpu.vector_load %arg7[%get3A_2448, %get3A_2449] {strides = array<i32>} : memref<32x256xf32, #tpu.memory_space<vmem>>, vector<1x16xf32>,
      %get3A_2451 = vector.shape_cast %get3A_2450 : vector<1x16xf32> to vector<16xf32>
      %mul3A_2452 = arith.mulf %get3A_2451, %get3A_37 : vector<16xf32>
      %add3A_2453 = arith.addf %add3A_2445, %mul3A_2452 : vector<16xf32>
      %mul3A_2454 = arith.mulf %get3A_2451, %get3A_2451 : vector<16xf32>
      %add3A_2455 = arith.addf %add3A_2447, %mul3A_2454 : vector<16xf32>
      %get3A_2456 = arith.index_cast %add3A_2369 : i32 to index
      %get3A_2457 = arith.constant 176 : index
      %get3A_2458 = tpu.vector_load %arg7[%get3A_2456, %get3A_2457] {strides = array<i32>} : memref<32x256xf32, #tpu.memory_space<vmem>>, vector<1x16xf32>,
      %get3A_2459 = vector.shape_cast %get3A_2458 : vector<1x16xf32> to vector<16xf32>
      %mul3A_2460 = arith.mulf %get3A_2459, %get3A_40 : vector<16xf32>
      %add3A_2461 = arith.addf %add3A_2453, %mul3A_2460 : vector<16xf32>
      %mul3A_2462 = arith.mulf %get3A_2459, %get3A_2459 : vector<16xf32>
      %add3A_2463 = arith.addf %add3A_2455, %mul3A_2462 : vector<16xf32>
      %get3A_2464 = arith.index_cast %add3A_2369 : i32 to index
      %get3A_2465 = arith.constant 192 : index
      %get3A_2466 = tpu.vector_load %arg7[%get3A_2464, %get3A_2465] {strides = array<i32>} : memref<32x256xf32, #tpu.memory_space<vmem>>, vector<1x16xf32>,
      %get3A_2467 = vector.shape_cast %get3A_2466 : vector<1x16xf32> to vector<16xf32>
      %mul3A_2468 = arith.mulf %get3A_2467, %get3A_43 : vector<16xf32>
      %add3A_2469 = arith.addf %add3A_2461, %mul3A_2468 : vector<16xf32>
      %mul3A_2470 = arith.mulf %get3A_2467, %get3A_2467 : vector<16xf32>
      %add3A_2471 = arith.addf %add3A_2463, %mul3A_2470 : vector<16xf32>
      %get3A_2472 = arith.index_cast %add3A_2369 : i32 to index
      %get3A_2473 = arith.constant 208 : index
      %get3A_2474 = tpu.vector_load %arg7[%get3A_2472, %get3A_2473] {strides = array<i32>} : memref<32x256xf32, #tpu.memory_space<vmem>>, vector<1x16xf32>,
      %get3A_2475 = vector.shape_cast %get3A_2474 : vector<1x16xf32> to vector<16xf32>
      %mul3A_2476 = arith.mulf %get3A_2475, %get3A_46 : vector<16xf32>
      %add3A_2477 = arith.addf %add3A_2469, %mul3A_2476 : vector<16xf32>
      %mul3A_2478 = arith.mulf %get3A_2475, %get3A_2475 : vector<16xf32>
      %add3A_2479 = arith.addf %add3A_2471, %mul3A_2478 : vector<16xf32>
      %get3A_2480 = arith.index_cast %add3A_2369 : i32 to index
      %get3A_2481 = arith.constant 224 : index
      %get3A_2482 = tpu.vector_load %arg7[%get3A_2480, %get3A_2481] {strides = array<i32>} : memref<32x256xf32, #tpu.memory_space<vmem>>, vector<1x16xf32>,
      %get3A_2483 = vector.shape_cast %get3A_2482 : vector<1x16xf32> to vector<16xf32>
      %mul3A_2484 = arith.mulf %get3A_2483, %get3A_49 : vector<16xf32>
      %add3A_2485 = arith.addf %add3A_2477, %mul3A_2484 : vector<16xf32>
      %mul3A_2486 = arith.mulf %get3A_2483, %get3A_2483 : vector<16xf32>
      %add3A_2487 = arith.addf %add3A_2479, %mul3A_2486 : vector<16xf32>
      %get3A_2488 = arith.index_cast %add3A_2369 : i32 to index
      %get3A_2489 = arith.constant 240 : index
      %get3A_2490 = tpu.vector_load %arg7[%get3A_2488, %get3A_2489] {strides = array<i32>} : memref<32x256xf32, #tpu.memory_space<vmem>>, vector<1x16xf32>,
      %get3A_2491 = vector.shape_cast %get3A_2490 : vector<1x16xf32> to vector<16xf32>
      %mul3A_2492 = arith.mulf %get3A_2491, %get3A_52 : vector<16xf32>
      %add3A_2493 = arith.addf %add3A_2485, %mul3A_2492 : vector<16xf32>
      %mul3A_2494 = arith.mulf %get3A_2491, %get3A_2491 : vector<16xf32>
      %add3A_2495 = arith.addf %add3A_2487, %mul3A_2494 : vector<16xf32>
      %xor3A_2496 = arith.constant 8 : i32
      %xor3A_2497 = vector.broadcast %xor3A_2496 : i32 to vector<16xi32>
      %xor3A_2498 = arith.xori %iota3A, %xor3A_2497 : vector<16xi32>
      %broadcast_in_dim3A_2499 = vector.shape_cast %xor3A_2498 : vector<16xi32> to vector<16x1xi32>
      %gather3A_2500 = vector.shape_cast %broadcast_in_dim3A_2499 : vector<16x1xi32> to vector<16xi32>
      %gather3A_2501 = tpu.dynamic_gather %add3A_1569[%gather3A_2500] in [0] : vector<16xf32>, vector<16xi32> -> vector<16xf32>
      %add3A_2502 = arith.addf %add3A_1569, %gather3A_2501 : vector<16xf32>
      %xor3A_2503 = arith.constant 8 : i32
      %xor3A_2504 = vector.broadcast %xor3A_2503 : i32 to vector<16xi32>
      %xor3A_2505 = arith.xori %iota3A, %xor3A_2504 : vector<16xi32>
      %broadcast_in_dim3A_2506 = vector.shape_cast %xor3A_2505 : vector<16xi32> to vector<16x1xi32>
      %gather3A_2507 = vector.shape_cast %broadcast_in_dim3A_2506 : vector<16x1xi32> to vector<16xi32>
      %gather3A_2508 = tpu.dynamic_gather %add3A_1701[%gather3A_2507] in [0] : vector<16xf32>, vector<16xi32> -> vector<16xf32>
      %add3A_2509 = arith.addf %add3A_1701, %gather3A_2508 : vector<16xf32>
      %and3A_2510 = arith.constant 8 : i32
      %and3A_2511 = vector.broadcast %and3A_2510 : i32 to vector<16xi32>
      %and3A_2512 = arith.andi %iota3A, %and3A_2511 : vector<16xi32>
      %eq3A_2513 = arith.constant 0 : i32
      %eq3A_2514 = vector.broadcast %eq3A_2513 : i32 to vector<16xi32>
      %eq3A_2515 = arith.cmpi eq, %and3A_2512, %eq3A_2514 : vector<16xi32>
      %select_n3A_2516 = arith.select %eq3A_2515, %add3A_2502, %add3A_2509 : vector<16xi1>, vector<16xf32>
      %xor3A_2517 = arith.constant 8 : i32
      %xor3A_2518 = vector.broadcast %xor3A_2517 : i32 to vector<16xi32>
      %xor3A_2519 = arith.xori %iota3A, %xor3A_2518 : vector<16xi32>
      %broadcast_in_dim3A_2520 = vector.shape_cast %xor3A_2519 : vector<16xi32> to vector<16x1xi32>
      %gather3A_2521 = vector.shape_cast %broadcast_in_dim3A_2520 : vector<16x1xi32> to vector<16xi32>
      %gather3A_2522 = tpu.dynamic_gather %add3A_1833[%gather3A_2521] in [0] : vector<16xf32>, vector<16xi32> -> vector<16xf32>
      %add3A_2523 = arith.addf %add3A_1833, %gather3A_2522 : vector<16xf32>
      %xor3A_2524 = arith.constant 8 : i32
      %xor3A_2525 = vector.broadcast %xor3A_2524 : i32 to vector<16xi32>
      %xor3A_2526 = arith.xori %iota3A, %xor3A_2525 : vector<16xi32>
      %broadcast_in_dim3A_2527 = vector.shape_cast %xor3A_2526 : vector<16xi32> to vector<16x1xi32>
      %gather3A_2528 = vector.shape_cast %broadcast_in_dim3A_2527 : vector<16x1xi32> to vector<16xi32>
      %gather3A_2529 = tpu.dynamic_gather %add3A_1965[%gather3A_2528] in [0] : vector<16xf32>, vector<16xi32> -> vector<16xf32>
      %add3A_2530 = arith.addf %add3A_1965, %gather3A_2529 : vector<16xf32>
      %and3A_2531 = arith.constant 8 : i32
      %and3A_2532 = vector.broadcast %and3A_2531 : i32 to vector<16xi32>
      %and3A_2533 = arith.andi %iota3A, %and3A_2532 : vector<16xi32>
      %eq3A_2534 = arith.constant 0 : i32
      %eq3A_2535 = vector.broadcast %eq3A_2534 : i32 to vector<16xi32>
      %eq3A_2536 = arith.cmpi eq, %and3A_2533, %eq3A_2535 : vector<16xi32>
      %select_n3A_2537 = arith.select %eq3A_2536, %add3A_2523, %add3A_2530 : vector<16xi1>, vector<16xf32>
      %xor3A_2538 = arith.constant 8 : i32
      %xor3A_2539 = vector.broadcast %xor3A_2538 : i32 to vector<16xi32>
      %xor3A_2540 = arith.xori %iota3A, %xor3A_2539 : vector<16xi32>
      %broadcast_in_dim3A_2541 = vector.shape_cast %xor3A_2540 : vector<16xi32> to vector<16x1xi32>
      %gather3A_2542 = vector.shape_cast %broadcast_in_dim3A_2541 : vector<16x1xi32> to vector<16xi32>
      %gather3A_2543 = tpu.dynamic_gather %add3A_2097[%gather3A_2542] in [0] : vector<16xf32>, vector<16xi32> -> vector<16xf32>
      %add3A_2544 = arith.addf %add3A_2097, %gather3A_2543 : vector<16xf32>
      %xor3A_2545 = arith.constant 8 : i32
      %xor3A_2546 = vector.broadcast %xor3A_2545 : i32 to vector<16xi32>
      %xor3A_2547 = arith.xori %iota3A, %xor3A_2546 : vector<16xi32>
      %broadcast_in_dim3A_2548 = vector.shape_cast %xor3A_2547 : vector<16xi32> to vector<16x1xi32>
      %gather3A_2549 = vector.shape_cast %broadcast_in_dim3A_2548 : vector<16x1xi32> to vector<16xi32>
      %gather3A_2550 = tpu.dynamic_gather %add3A_2229[%gather3A_2549] in [0] : vector<16xf32>, vector<16xi32> -> vector<16xf32>
      %add3A_2551 = arith.addf %add3A_2229, %gather3A_2550 : vector<16xf32>
      %and3A_2552 = arith.constant 8 : i32
      %and3A_2553 = vector.broadcast %and3A_2552 : i32 to vector<16xi32>
      %and3A_2554 = arith.andi %iota3A, %and3A_2553 : vector<16xi32>
      %eq3A_2555 = arith.constant 0 : i32
      %eq3A_2556 = vector.broadcast %eq3A_2555 : i32 to vector<16xi32>
      %eq3A_2557 = arith.cmpi eq, %and3A_2554, %eq3A_2556 : vector<16xi32>
      %select_n3A_2558 = arith.select %eq3A_2557, %add3A_2544, %add3A_2551 : vector<16xi1>, vector<16xf32>
      %xor3A_2559 = arith.constant 8 : i32
      %xor3A_2560 = vector.broadcast %xor3A_2559 : i32 to vector<16xi32>
      %xor3A_2561 = arith.xori %iota3A, %xor3A_2560 : vector<16xi32>
      %broadcast_in_dim3A_2562 = vector.shape_cast %xor3A_2561 : vector<16xi32> to vector<16x1xi32>
      %gather3A_2563 = vector.shape_cast %broadcast_in_dim3A_2562 : vector<16x1xi32> to vector<16xi32>
      %gather3A_2564 = tpu.dynamic_gather %add3A_2361[%gather3A_2563] in [0] : vector<16xf32>, vector<16xi32> -> vector<16xf32>
      %add3A_2565 = arith.addf %add3A_2361, %gather3A_2564 : vector<16xf32>
      %xor3A_2566 = arith.constant 8 : i32
      %xor3A_2567 = vector.broadcast %xor3A_2566 : i32 to vector<16xi32>
      %xor3A_2568 = arith.xori %iota3A, %xor3A_2567 : vector<16xi32>
      %broadcast_in_dim3A_2569 = vector.shape_cast %xor3A_2568 : vector<16xi32> to vector<16x1xi32>
      %gather3A_2570 = vector.shape_cast %broadcast_in_dim3A_2569 : vector<16x1xi32> to vector<16xi32>
      %gather3A_2571 = tpu.dynamic_gather %add3A_2493[%gather3A_2570] in [0] : vector<16xf32>, vector<16xi32> -> vector<16xf32>
      %add3A_2572 = arith.addf %add3A_2493, %gather3A_2571 : vector<16xf32>
      %and3A_2573 = arith.constant 8 : i32
      %and3A_2574 = vector.broadcast %and3A_2573 : i32 to vector<16xi32>
      %and3A_2575 = arith.andi %iota3A, %and3A_2574 : vector<16xi32>
      %eq3A_2576 = arith.constant 0 : i32
      %eq3A_2577 = vector.broadcast %eq3A_2576 : i32 to vector<16xi32>
      %eq3A_2578 = arith.cmpi eq, %and3A_2575, %eq3A_2577 : vector<16xi32>
      %select_n3A_2579 = arith.select %eq3A_2578, %add3A_2565, %add3A_2572 : vector<16xi1>, vector<16xf32>
      %xor3A_2580 = arith.constant 4 : i32
      %xor3A_2581 = vector.broadcast %xor3A_2580 : i32 to vector<16xi32>
      %xor3A_2582 = arith.xori %iota3A, %xor3A_2581 : vector<16xi32>
      %broadcast_in_dim3A_2583 = vector.shape_cast %xor3A_2582 : vector<16xi32> to vector<16x1xi32>
      %gather3A_2584 = vector.shape_cast %broadcast_in_dim3A_2583 : vector<16x1xi32> to vector<16xi32>
      %gather3A_2585 = tpu.dynamic_gather %select_n3A_2516[%gather3A_2584] in [0] : vector<16xf32>, vector<16xi32> -> vector<16xf32>
      %add3A_2586 = arith.addf %select_n3A_2516, %gather3A_2585 : vector<16xf32>
      %xor3A_2587 = arith.constant 4 : i32
      %xor3A_2588 = vector.broadcast %xor3A_2587 : i32 to vector<16xi32>
      %xor3A_2589 = arith.xori %iota3A, %xor3A_2588 : vector<16xi32>
      %broadcast_in_dim3A_2590 = vector.shape_cast %xor3A_2589 : vector<16xi32> to vector<16x1xi32>
      %gather3A_2591 = vector.shape_cast %broadcast_in_dim3A_2590 : vector<16x1xi32> to vector<16xi32>
      %gather3A_2592 = tpu.dynamic_gather %select_n3A_2537[%gather3A_2591] in [0] : vector<16xf32>, vector<16xi32> -> vector<16xf32>
      %add3A_2593 = arith.addf %select_n3A_2537, %gather3A_2592 : vector<16xf32>
      %and3A_2594 = arith.constant 4 : i32
      %and3A_2595 = vector.broadcast %and3A_2594 : i32 to vector<16xi32>
      %and3A_2596 = arith.andi %iota3A, %and3A_2595 : vector<16xi32>
      %eq3A_2597 = arith.constant 0 : i32
      %eq3A_2598 = vector.broadcast %eq3A_2597 : i32 to vector<16xi32>
      %eq3A_2599 = arith.cmpi eq, %and3A_2596, %eq3A_2598 : vector<16xi32>
      %select_n3A_2600 = arith.select %eq3A_2599, %add3A_2586, %add3A_2593 : vector<16xi1>, vector<16xf32>
      %xor3A_2601 = arith.constant 4 : i32
      %xor3A_2602 = vector.broadcast %xor3A_2601 : i32 to vector<16xi32>
      %xor3A_2603 = arith.xori %iota3A, %xor3A_2602 : vector<16xi32>
      %broadcast_in_dim3A_2604 = vector.shape_cast %xor3A_2603 : vector<16xi32> to vector<16x1xi32>
      %gather3A_2605 = vector.shape_cast %broadcast_in_dim3A_2604 : vector<16x1xi32> to vector<16xi32>
      %gather3A_2606 = tpu.dynamic_gather %select_n3A_2558[%gather3A_2605] in [0] : vector<16xf32>, vector<16xi32> -> vector<16xf32>
      %add3A_2607 = arith.addf %select_n3A_2558, %gather3A_2606 : vector<16xf32>
      %xor3A_2608 = arith.constant 4 : i32
      %xor3A_2609 = vector.broadcast %xor3A_2608 : i32 to vector<16xi32>
      %xor3A_2610 = arith.xori %iota3A, %xor3A_2609 : vector<16xi32>
      %broadcast_in_dim3A_2611 = vector.shape_cast %xor3A_2610 : vector<16xi32> to vector<16x1xi32>
      %gather3A_2612 = vector.shape_cast %broadcast_in_dim3A_2611 : vector<16x1xi32> to vector<16xi32>
      %gather3A_2613 = tpu.dynamic_gather %select_n3A_2579[%gather3A_2612] in [0] : vector<16xf32>, vector<16xi32> -> vector<16xf32>
      %add3A_2614 = arith.addf %select_n3A_2579, %gather3A_2613 : vector<16xf32>
      %and3A_2615 = arith.constant 4 : i32
      %and3A_2616 = vector.broadcast %and3A_2615 : i32 to vector<16xi32>
      %and3A_2617 = arith.andi %iota3A, %and3A_2616 : vector<16xi32>
      %eq3A_2618 = arith.constant 0 : i32
      %eq3A_2619 = vector.broadcast %eq3A_2618 : i32 to vector<16xi32>
      %eq3A_2620 = arith.cmpi eq, %and3A_2617, %eq3A_2619 : vector<16xi32>
      %select_n3A_2621 = arith.select %eq3A_2620, %add3A_2607, %add3A_2614 : vector<16xi1>, vector<16xf32>
      %xor3A_2622 = arith.constant 2 : i32
      %xor3A_2623 = vector.broadcast %xor3A_2622 : i32 to vector<16xi32>
      %xor3A_2624 = arith.xori %iota3A, %xor3A_2623 : vector<16xi32>
      %broadcast_in_dim3A_2625 = vector.shape_cast %xor3A_2624 : vector<16xi32> to vector<16x1xi32>
      %gather3A_2626 = vector.shape_cast %broadcast_in_dim3A_2625 : vector<16x1xi32> to vector<16xi32>
      %gather3A_2627 = tpu.dynamic_gather %select_n3A_2600[%gather3A_2626] in [0] : vector<16xf32>, vector<16xi32> -> vector<16xf32>
      %add3A_2628 = arith.addf %select_n3A_2600, %gather3A_2627 : vector<16xf32>
      %xor3A_2629 = arith.constant 2 : i32
      %xor3A_2630 = vector.broadcast %xor3A_2629 : i32 to vector<16xi32>
      %xor3A_2631 = arith.xori %iota3A, %xor3A_2630 : vector<16xi32>
      %broadcast_in_dim3A_2632 = vector.shape_cast %xor3A_2631 : vector<16xi32> to vector<16x1xi32>
      %gather3A_2633 = vector.shape_cast %broadcast_in_dim3A_2632 : vector<16x1xi32> to vector<16xi32>
      %gather3A_2634 = tpu.dynamic_gather %select_n3A_2621[%gather3A_2633] in [0] : vector<16xf32>, vector<16xi32> -> vector<16xf32>
      %add3A_2635 = arith.addf %select_n3A_2621, %gather3A_2634 : vector<16xf32>
      %and3A_2636 = arith.constant 2 : i32
      %and3A_2637 = vector.broadcast %and3A_2636 : i32 to vector<16xi32>
      %and3A_2638 = arith.andi %iota3A, %and3A_2637 : vector<16xi32>
      %eq3A_2639 = arith.constant 0 : i32
      %eq3A_2640 = vector.broadcast %eq3A_2639 : i32 to vector<16xi32>
      %eq3A_2641 = arith.cmpi eq, %and3A_2638, %eq3A_2640 : vector<16xi32>
      %select_n3A_2642 = arith.select %eq3A_2641, %add3A_2628, %add3A_2635 : vector<16xi1>, vector<16xf32>
      %xor3A_2643 = arith.constant 8 : i32
      %xor3A_2644 = vector.broadcast %xor3A_2643 : i32 to vector<16xi32>
      %xor3A_2645 = arith.xori %iota3A, %xor3A_2644 : vector<16xi32>
      %broadcast_in_dim3A_2646 = vector.shape_cast %xor3A_2645 : vector<16xi32> to vector<16x1xi32>
      %gather3A_2647 = vector.shape_cast %broadcast_in_dim3A_2646 : vector<16x1xi32> to vector<16xi32>
      %gather3A_2648 = tpu.dynamic_gather %add3A_1571[%gather3A_2647] in [0] : vector<16xf32>, vector<16xi32> -> vector<16xf32>
      %add3A_2649 = arith.addf %add3A_1571, %gather3A_2648 : vector<16xf32>
      %xor3A_2650 = arith.constant 8 : i32
      %xor3A_2651 = vector.broadcast %xor3A_2650 : i32 to vector<16xi32>
      %xor3A_2652 = arith.xori %iota3A, %xor3A_2651 : vector<16xi32>
      %broadcast_in_dim3A_2653 = vector.shape_cast %xor3A_2652 : vector<16xi32> to vector<16x1xi32>
      %gather3A_2654 = vector.shape_cast %broadcast_in_dim3A_2653 : vector<16x1xi32> to vector<16xi32>
      %gather3A_2655 = tpu.dynamic_gather %add3A_1703[%gather3A_2654] in [0] : vector<16xf32>, vector<16xi32> -> vector<16xf32>
      %add3A_2656 = arith.addf %add3A_1703, %gather3A_2655 : vector<16xf32>
      %and3A_2657 = arith.constant 8 : i32
      %and3A_2658 = vector.broadcast %and3A_2657 : i32 to vector<16xi32>
      %and3A_2659 = arith.andi %iota3A, %and3A_2658 : vector<16xi32>
      %eq3A_2660 = arith.constant 0 : i32
      %eq3A_2661 = vector.broadcast %eq3A_2660 : i32 to vector<16xi32>
      %eq3A_2662 = arith.cmpi eq, %and3A_2659, %eq3A_2661 : vector<16xi32>
      %select_n3A_2663 = arith.select %eq3A_2662, %add3A_2649, %add3A_2656 : vector<16xi1>, vector<16xf32>
      %xor3A_2664 = arith.constant 8 : i32
      %xor3A_2665 = vector.broadcast %xor3A_2664 : i32 to vector<16xi32>
      %xor3A_2666 = arith.xori %iota3A, %xor3A_2665 : vector<16xi32>
      %broadcast_in_dim3A_2667 = vector.shape_cast %xor3A_2666 : vector<16xi32> to vector<16x1xi32>
      %gather3A_2668 = vector.shape_cast %broadcast_in_dim3A_2667 : vector<16x1xi32> to vector<16xi32>
      %gather3A_2669 = tpu.dynamic_gather %add3A_1835[%gather3A_2668] in [0] : vector<16xf32>, vector<16xi32> -> vector<16xf32>
      %add3A_2670 = arith.addf %add3A_1835, %gather3A_2669 : vector<16xf32>
      %xor3A_2671 = arith.constant 8 : i32
      %xor3A_2672 = vector.broadcast %xor3A_2671 : i32 to vector<16xi32>
      %xor3A_2673 = arith.xori %iota3A, %xor3A_2672 : vector<16xi32>
      %broadcast_in_dim3A_2674 = vector.shape_cast %xor3A_2673 : vector<16xi32> to vector<16x1xi32>
      %gather3A_2675 = vector.shape_cast %broadcast_in_dim3A_2674 : vector<16x1xi32> to vector<16xi32>
      %gather3A_2676 = tpu.dynamic_gather %add3A_1967[%gather3A_2675] in [0] : vector<16xf32>, vector<16xi32> -> vector<16xf32>
      %add3A_2677 = arith.addf %add3A_1967, %gather3A_2676 : vector<16xf32>
      %and3A_2678 = arith.constant 8 : i32
      %and3A_2679 = vector.broadcast %and3A_2678 : i32 to vector<16xi32>
      %and3A_2680 = arith.andi %iota3A, %and3A_2679 : vector<16xi32>
      %eq3A_2681 = arith.constant 0 : i32
      %eq3A_2682 = vector.broadcast %eq3A_2681 : i32 to vector<16xi32>
      %eq3A_2683 = arith.cmpi eq, %and3A_2680, %eq3A_2682 : vector<16xi32>
      %select_n3A_2684 = arith.select %eq3A_2683, %add3A_2670, %add3A_2677 : vector<16xi1>, vector<16xf32>
      %xor3A_2685 = arith.constant 8 : i32
      %xor3A_2686 = vector.broadcast %xor3A_2685 : i32 to vector<16xi32>
      %xor3A_2687 = arith.xori %iota3A, %xor3A_2686 : vector<16xi32>
      %broadcast_in_dim3A_2688 = vector.shape_cast %xor3A_2687 : vector<16xi32> to vector<16x1xi32>
      %gather3A_2689 = vector.shape_cast %broadcast_in_dim3A_2688 : vector<16x1xi32> to vector<16xi32>
      %gather3A_2690 = tpu.dynamic_gather %add3A_2099[%gather3A_2689] in [0] : vector<16xf32>, vector<16xi32> -> vector<16xf32>
      %add3A_2691 = arith.addf %add3A_2099, %gather3A_2690 : vector<16xf32>
      %xor3A_2692 = arith.constant 8 : i32
      %xor3A_2693 = vector.broadcast %xor3A_2692 : i32 to vector<16xi32>
      %xor3A_2694 = arith.xori %iota3A, %xor3A_2693 : vector<16xi32>
      %broadcast_in_dim3A_2695 = vector.shape_cast %xor3A_2694 : vector<16xi32> to vector<16x1xi32>
      %gather3A_2696 = vector.shape_cast %broadcast_in_dim3A_2695 : vector<16x1xi32> to vector<16xi32>
      %gather3A_2697 = tpu.dynamic_gather %add3A_2231[%gather3A_2696] in [0] : vector<16xf32>, vector<16xi32> -> vector<16xf32>
      %add3A_2698 = arith.addf %add3A_2231, %gather3A_2697 : vector<16xf32>
      %and3A_2699 = arith.constant 8 : i32
      %and3A_2700 = vector.broadcast %and3A_2699 : i32 to vector<16xi32>
      %and3A_2701 = arith.andi %iota3A, %and3A_2700 : vector<16xi32>
      %eq3A_2702 = arith.constant 0 : i32
      %eq3A_2703 = vector.broadcast %eq3A_2702 : i32 to vector<16xi32>
      %eq3A_2704 = arith.cmpi eq, %and3A_2701, %eq3A_2703 : vector<16xi32>
      %select_n3A_2705 = arith.select %eq3A_2704, %add3A_2691, %add3A_2698 : vector<16xi1>, vector<16xf32>
      %xor3A_2706 = arith.constant 8 : i32
      %xor3A_2707 = vector.broadcast %xor3A_2706 : i32 to vector<16xi32>
      %xor3A_2708 = arith.xori %iota3A, %xor3A_2707 : vector<16xi32>
      %broadcast_in_dim3A_2709 = vector.shape_cast %xor3A_2708 : vector<16xi32> to vector<16x1xi32>
      %gather3A_2710 = vector.shape_cast %broadcast_in_dim3A_2709 : vector<16x1xi32> to vector<16xi32>
      %gather3A_2711 = tpu.dynamic_gather %add3A_2363[%gather3A_2710] in [0] : vector<16xf32>, vector<16xi32> -> vector<16xf32>
      %add3A_2712 = arith.addf %add3A_2363, %gather3A_2711 : vector<16xf32>
      %xor3A_2713 = arith.constant 8 : i32
      %xor3A_2714 = vector.broadcast %xor3A_2713 : i32 to vector<16xi32>
      %xor3A_2715 = arith.xori %iota3A, %xor3A_2714 : vector<16xi32>
      %broadcast_in_dim3A_2716 = vector.shape_cast %xor3A_2715 : vector<16xi32> to vector<16x1xi32>
      %gather3A_2717 = vector.shape_cast %broadcast_in_dim3A_2716 : vector<16x1xi32> to vector<16xi32>
      %gather3A_2718 = tpu.dynamic_gather %add3A_2495[%gather3A_2717] in [0] : vector<16xf32>, vector<16xi32> -> vector<16xf32>
      %add3A_2719 = arith.addf %add3A_2495, %gather3A_2718 : vector<16xf32>
      %and3A_2720 = arith.constant 8 : i32
      %and3A_2721 = vector.broadcast %and3A_2720 : i32 to vector<16xi32>
      %and3A_2722 = arith.andi %iota3A, %and3A_2721 : vector<16xi32>
      %eq3A_2723 = arith.constant 0 : i32
      %eq3A_2724 = vector.broadcast %eq3A_2723 : i32 to vector<16xi32>
      %eq3A_2725 = arith.cmpi eq, %and3A_2722, %eq3A_2724 : vector<16xi32>
      %select_n3A_2726 = arith.select %eq3A_2725, %add3A_2712, %add3A_2719 : vector<16xi1>, vector<16xf32>
      %xor3A_2727 = arith.constant 4 : i32
      %xor3A_2728 = vector.broadcast %xor3A_2727 : i32 to vector<16xi32>
      %xor3A_2729 = arith.xori %iota3A, %xor3A_2728 : vector<16xi32>
      %broadcast_in_dim3A_2730 = vector.shape_cast %xor3A_2729 : vector<16xi32> to vector<16x1xi32>
      %gather3A_2731 = vector.shape_cast %broadcast_in_dim3A_2730 : vector<16x1xi32> to vector<16xi32>
      %gather3A_2732 = tpu.dynamic_gather %select_n3A_2663[%gather3A_2731] in [0] : vector<16xf32>, vector<16xi32> -> vector<16xf32>
      %add3A_2733 = arith.addf %select_n3A_2663, %gather3A_2732 : vector<16xf32>
      %xor3A_2734 = arith.constant 4 : i32
      %xor3A_2735 = vector.broadcast %xor3A_2734 : i32 to vector<16xi32>
      %xor3A_2736 = arith.xori %iota3A, %xor3A_2735 : vector<16xi32>
      %broadcast_in_dim3A_2737 = vector.shape_cast %xor3A_2736 : vector<16xi32> to vector<16x1xi32>
      %gather3A_2738 = vector.shape_cast %broadcast_in_dim3A_2737 : vector<16x1xi32> to vector<16xi32>
      %gather3A_2739 = tpu.dynamic_gather %select_n3A_2684[%gather3A_2738] in [0] : vector<16xf32>, vector<16xi32> -> vector<16xf32>
      %add3A_2740 = arith.addf %select_n3A_2684, %gather3A_2739 : vector<16xf32>
      %and3A_2741 = arith.constant 4 : i32
      %and3A_2742 = vector.broadcast %and3A_2741 : i32 to vector<16xi32>
      %and3A_2743 = arith.andi %iota3A, %and3A_2742 : vector<16xi32>
      %eq3A_2744 = arith.constant 0 : i32
      %eq3A_2745 = vector.broadcast %eq3A_2744 : i32 to vector<16xi32>
      %eq3A_2746 = arith.cmpi eq, %and3A_2743, %eq3A_2745 : vector<16xi32>
      %select_n3A_2747 = arith.select %eq3A_2746, %add3A_2733, %add3A_2740 : vector<16xi1>, vector<16xf32>
      %xor3A_2748 = arith.constant 4 : i32
      %xor3A_2749 = vector.broadcast %xor3A_2748 : i32 to vector<16xi32>
      %xor3A_2750 = arith.xori %iota3A, %xor3A_2749 : vector<16xi32>
      %broadcast_in_dim3A_2751 = vector.shape_cast %xor3A_2750 : vector<16xi32> to vector<16x1xi32>
      %gather3A_2752 = vector.shape_cast %broadcast_in_dim3A_2751 : vector<16x1xi32> to vector<16xi32>
      %gather3A_2753 = tpu.dynamic_gather %select_n3A_2705[%gather3A_2752] in [0] : vector<16xf32>, vector<16xi32> -> vector<16xf32>
      %add3A_2754 = arith.addf %select_n3A_2705, %gather3A_2753 : vector<16xf32>
      %xor3A_2755 = arith.constant 4 : i32
      %xor3A_2756 = vector.broadcast %xor3A_2755 : i32 to vector<16xi32>
      %xor3A_2757 = arith.xori %iota3A, %xor3A_2756 : vector<16xi32>
      %broadcast_in_dim3A_2758 = vector.shape_cast %xor3A_2757 : vector<16xi32> to vector<16x1xi32>
      %gather3A_2759 = vector.shape_cast %broadcast_in_dim3A_2758 : vector<16x1xi32> to vector<16xi32>
      %gather3A_2760 = tpu.dynamic_gather %select_n3A_2726[%gather3A_2759] in [0] : vector<16xf32>, vector<16xi32> -> vector<16xf32>
      %add3A_2761 = arith.addf %select_n3A_2726, %gather3A_2760 : vector<16xf32>
      %and3A_2762 = arith.constant 4 : i32
      %and3A_2763 = vector.broadcast %and3A_2762 : i32 to vector<16xi32>
      %and3A_2764 = arith.andi %iota3A, %and3A_2763 : vector<16xi32>
      %eq3A_2765 = arith.constant 0 : i32
      %eq3A_2766 = vector.broadcast %eq3A_2765 : i32 to vector<16xi32>
      %eq3A_2767 = arith.cmpi eq, %and3A_2764, %eq3A_2766 : vector<16xi32>
      %select_n3A_2768 = arith.select %eq3A_2767, %add3A_2754, %add3A_2761 : vector<16xi1>, vector<16xf32>
      %xor3A_2769 = arith.constant 2 : i32
      %xor3A_2770 = vector.broadcast %xor3A_2769 : i32 to vector<16xi32>
      %xor3A_2771 = arith.xori %iota3A, %xor3A_2770 : vector<16xi32>
      %broadcast_in_dim3A_2772 = vector.shape_cast %xor3A_2771 : vector<16xi32> to vector<16x1xi32>
      %gather3A_2773 = vector.shape_cast %broadcast_in_dim3A_2772 : vector<16x1xi32> to vector<16xi32>
      %gather3A_2774 = tpu.dynamic_gather %select_n3A_2747[%gather3A_2773] in [0] : vector<16xf32>, vector<16xi32> -> vector<16xf32>
      %add3A_2775 = arith.addf %select_n3A_2747, %gather3A_2774 : vector<16xf32>
      %xor3A_2776 = arith.constant 2 : i32
      %xor3A_2777 = vector.broadcast %xor3A_2776 : i32 to vector<16xi32>
      %xor3A_2778 = arith.xori %iota3A, %xor3A_2777 : vector<16xi32>
      %broadcast_in_dim3A_2779 = vector.shape_cast %xor3A_2778 : vector<16xi32> to vector<16x1xi32>
      %gather3A_2780 = vector.shape_cast %broadcast_in_dim3A_2779 : vector<16x1xi32> to vector<16xi32>
      %gather3A_2781 = tpu.dynamic_gather %select_n3A_2768[%gather3A_2780] in [0] : vector<16xf32>, vector<16xi32> -> vector<16xf32>
      %add3A_2782 = arith.addf %select_n3A_2768, %gather3A_2781 : vector<16xf32>
      %and3A_2783 = arith.constant 2 : i32
      %and3A_2784 = vector.broadcast %and3A_2783 : i32 to vector<16xi32>
      %and3A_2785 = arith.andi %iota3A, %and3A_2784 : vector<16xi32>
      %eq3A_2786 = arith.constant 0 : i32
      %eq3A_2787 = vector.broadcast %eq3A_2786 : i32 to vector<16xi32>
      %eq3A_2788 = arith.cmpi eq, %and3A_2785, %eq3A_2787 : vector<16xi32>
      %select_n3A_2789 = arith.select %eq3A_2788, %add3A_2775, %add3A_2782 : vector<16xi1>, vector<16xf32>
      %xor3A_2790 = arith.constant 1 : i32
      %xor3A_2791 = vector.broadcast %xor3A_2790 : i32 to vector<16xi32>
      %xor3A_2792 = arith.xori %iota3A, %xor3A_2791 : vector<16xi32>
      %broadcast_in_dim3A_2793 = vector.shape_cast %xor3A_2792 : vector<16xi32> to vector<16x1xi32>
      %gather3A_2794 = vector.shape_cast %broadcast_in_dim3A_2793 : vector<16x1xi32> to vector<16xi32>
      %gather3A_2795 = tpu.dynamic_gather %select_n3A_1292[%gather3A_2794] in [0] : vector<16xf32>, vector<16xi32> -> vector<16xf32>
      %add3A_2796 = arith.addf %select_n3A_1292, %gather3A_2795 : vector<16xf32>
      %xor3A_2797 = arith.constant 1 : i32
      %xor3A_2798 = vector.broadcast %xor3A_2797 : i32 to vector<16xi32>
      %xor3A_2799 = arith.xori %iota3A, %xor3A_2798 : vector<16xi32>
      %broadcast_in_dim3A_2800 = vector.shape_cast %xor3A_2799 : vector<16xi32> to vector<16x1xi32>
      %gather3A_2801 = vector.shape_cast %broadcast_in_dim3A_2800 : vector<16x1xi32> to vector<16xi32>
      %gather3A_2802 = tpu.dynamic_gather %select_n3A_2642[%gather3A_2801] in [0] : vector<16xf32>, vector<16xi32> -> vector<16xf32>
      %add3A_2803 = arith.addf %select_n3A_2642, %gather3A_2802 : vector<16xf32>
      %and3A_2804 = arith.constant 1 : i32
      %and3A_2805 = vector.broadcast %and3A_2804 : i32 to vector<16xi32>
      %and3A_2806 = arith.andi %iota3A, %and3A_2805 : vector<16xi32>
      %eq3A_2807 = arith.constant 0 : i32
      %eq3A_2808 = vector.broadcast %eq3A_2807 : i32 to vector<16xi32>
      %eq3A_2809 = arith.cmpi eq, %and3A_2806, %eq3A_2808 : vector<16xi32>
      %select_n3A_2810 = arith.select %eq3A_2809, %add3A_2796, %add3A_2803 : vector<16xi1>, vector<16xf32>
      %broadcast_in_dim3A_2811 = vector.shape_cast %or3A_94 : vector<16xi32> to vector<16x1xi32>
      %gather3A_2812 = vector.shape_cast %broadcast_in_dim3A_2811 : vector<16x1xi32> to vector<16xi32>
      %gather3A_2813 = tpu.dynamic_gather %select_n3A_2810[%gather3A_2812] in [0] : vector<16xf32>, vector<16xi32> -> vector<16xf32>
      %mul3A_2814 = arith.constant 16 : i32
      %mul3A_2815 = arith.muli %scan3A_70, %mul3A_2814 : i32
      %add3A_2816 = arith.constant 0 : i32
      %add3A_2817 = arith.addi %add3A_2816, %mul3A_2815 : i32
      %swap3A = arith.index_cast %add3A_2817 : i32 to index
      %swap3A_2818 = tpu.vector_load %arg9[%swap3A] {strides = array<i32>} : memref<32xf32, #tpu.memory_space<vmem>>, vector<16xf32>,
      %swap3A_2819 = vector.shape_cast %swap3A_2818 : vector<16xf32> to vector<16xf32>
      %swap3A_2820 = vector.shape_cast %gather3A_2813 : vector<16xf32> to vector<16xf32>
      tpu.vector_store %arg9[%swap3A], %swap3A_2820 {strides = array<i32>} : memref<32xf32, #tpu.memory_space<vmem>>, vector<16xf32>,
      %xor3A_2821 = arith.constant 1 : i32
      %xor3A_2822 = vector.broadcast %xor3A_2821 : i32 to vector<16xi32>
      %xor3A_2823 = arith.xori %iota3A, %xor3A_2822 : vector<16xi32>
      %broadcast_in_dim3A_2824 = vector.shape_cast %xor3A_2823 : vector<16xi32> to vector<16x1xi32>
      %gather3A_2825 = vector.shape_cast %broadcast_in_dim3A_2824 : vector<16x1xi32> to vector<16xi32>
      %gather3A_2826 = tpu.dynamic_gather %select_n3A_1439[%gather3A_2825] in [0] : vector<16xf32>, vector<16xi32> -> vector<16xf32>
      %add3A_2827 = arith.addf %select_n3A_1439, %gather3A_2826 : vector<16xf32>
      %xor3A_2828 = arith.constant 1 : i32
      %xor3A_2829 = vector.broadcast %xor3A_2828 : i32 to vector<16xi32>
      %xor3A_2830 = arith.xori %iota3A, %xor3A_2829 : vector<16xi32>
      %broadcast_in_dim3A_2831 = vector.shape_cast %xor3A_2830 : vector<16xi32> to vector<16x1xi32>
      %gather3A_2832 = vector.shape_cast %broadcast_in_dim3A_2831 : vector<16x1xi32> to vector<16xi32>
      %gather3A_2833 = tpu.dynamic_gather %select_n3A_2789[%gather3A_2832] in [0] : vector<16xf32>, vector<16xi32> -> vector<16xf32>
      %add3A_2834 = arith.addf %select_n3A_2789, %gather3A_2833 : vector<16xf32>
      %and3A_2835 = arith.constant 1 : i32
      %and3A_2836 = vector.broadcast %and3A_2835 : i32 to vector<16xi32>
      %and3A_2837 = arith.andi %iota3A, %and3A_2836 : vector<16xi32>
      %eq3A_2838 = arith.constant 0 : i32
      %eq3A_2839 = vector.broadcast %eq3A_2838 : i32 to vector<16xi32>
      %eq3A_2840 = arith.cmpi eq, %and3A_2837, %eq3A_2839 : vector<16xi32>
      %select_n3A_2841 = arith.select %eq3A_2840, %add3A_2827, %add3A_2834 : vector<16xi1>, vector<16xf32>
      %broadcast_in_dim3A_2842 = vector.shape_cast %or3A_94 : vector<16xi32> to vector<16x1xi32>
      %gather3A_2843 = vector.shape_cast %broadcast_in_dim3A_2842 : vector<16x1xi32> to vector<16xi32>
      %gather3A_2844 = tpu.dynamic_gather %select_n3A_2841[%gather3A_2843] in [0] : vector<16xf32>, vector<16xi32> -> vector<16xf32>
      %mul3A_2845 = arith.constant 16 : i32
      %mul3A_2846 = arith.muli %scan3A_70, %mul3A_2845 : i32
      %add3A_2847 = arith.constant 0 : i32
      %add3A_2848 = arith.addi %add3A_2847, %mul3A_2846 : i32
      %swap3A_2849 = arith.index_cast %add3A_2848 : i32 to index
      %swap3A_2850 = tpu.vector_load %arg10[%swap3A_2849] {strides = array<i32>} : memref<32xf32, #tpu.memory_space<vmem>>, vector<16xf32>,
      %swap3A_2851 = vector.shape_cast %swap3A_2850 : vector<16xf32> to vector<16xf32>
      %swap3A_2852 = vector.shape_cast %gather3A_2844 : vector<16xf32> to vector<16xf32>
      tpu.vector_store %arg10[%swap3A_2849], %swap3A_2852 {strides = array<i32>} : memref<32xf32, #tpu.memory_space<vmem>>, vector<16xf32>,
      %scan3A_2853 = arith.constant 0 : i32
      scf.yield %scan3A_2853 : i32
    }
    %scan3A_61 = arith.constant 2 : i32
    %dma_start3A_62 = tpu.memref_slice %arg4[%mul3A_2] : memref<1024xf32, #tpu.memory_space<hbm>> -> memref<32xf32, #tpu.memory_space<hbm>>
    %dma_start3A_63 = tpu.memref_slice %arg4[%mul3A_2] : memref<1024xf32, #tpu.memory_space<hbm>> -> memref<32xf32, #tpu.memory_space<hbm>>
    tpu.enqueue_dma source(%arg9 : memref<32xf32, #tpu.memory_space<vmem>>) target(%dma_start3A_63 : memref<32xf32, #tpu.memory_space<hbm>>) target_semaphore(%arg11 : memref<!tpu.dma_semaphore, #tpu.memory_space<semaphore_mem>>)
    %dma_start3A_64 = tpu.memref_slice %arg5[%mul3A_2] : memref<1024xf32, #tpu.memory_space<hbm>> -> memref<32xf32, #tpu.memory_space<hbm>>
    %dma_start3A_65 = tpu.memref_slice %arg5[%mul3A_2] : memref<1024xf32, #tpu.memory_space<hbm>> -> memref<32xf32, #tpu.memory_space<hbm>>
    tpu.enqueue_dma source(%arg10 : memref<32xf32, #tpu.memory_space<vmem>>) target(%dma_start3A_65 : memref<32xf32, #tpu.memory_space<hbm>>) target_semaphore(%arg12 : memref<!tpu.dma_semaphore, #tpu.memory_space<semaphore_mem>>)
    %dma_wait3A_66 = tpu.memref_slice %arg4[%mul3A_2] : memref<1024xf32, #tpu.memory_space<hbm>> -> memref<32xf32, #tpu.memory_space<hbm>>
    %dma_wait3A_67 = tpu.memref_slice %arg4[%mul3A_2] : memref<1024xf32, #tpu.memory_space<hbm>> -> memref<32xf32, #tpu.memory_space<hbm>>
    tpu.wait_dma2 semaphore(%arg11 : memref<!tpu.dma_semaphore, #tpu.memory_space<semaphore_mem>>) src(%arg9 : memref<32xf32, #tpu.memory_space<vmem>>) dst(%dma_wait3A_67 : memref<32xf32, #tpu.memory_space<hbm>>)
    %dma_wait3A_68 = tpu.memref_slice %arg5[%mul3A_2] : memref<1024xf32, #tpu.memory_space<hbm>> -> memref<32xf32, #tpu.memory_space<hbm>>
    %dma_wait3A_69 = tpu.memref_slice %arg5[%mul3A_2] : memref<1024xf32, #tpu.memory_space<hbm>> -> memref<32xf32, #tpu.memory_space<hbm>>
    tpu.wait_dma2 semaphore(%arg12 : memref<!tpu.dma_semaphore, #tpu.memory_space<semaphore_mem>>) src(%arg10 : memref<32xf32, #tpu.memory_space<vmem>>) dst(%dma_wait3A_69 : memref<32xf32, #tpu.memory_space<hbm>>)
    return
  }
}

module attributes {stable_mosaic.version = 14 : i64} {
  func.func @_tc_phase2(%arg0: memref<8x128xf32, #tpu.memory_space<vmem>>, %arg1: memref<8x128xf32, #tpu.memory_space<vmem>>, %arg2: memref<120x128xf32, #tpu.memory_space<vmem>>, %arg3: memref<120x128xf32, #tpu.memory_space<vmem>>, %arg4: memref<2x128xf32, #tpu.memory_space<vmem>>, %arg5: memref<1x1xf32, #tpu.memory_space<vmem>>, %arg6: memref<1x1xf32, #tpu.memory_space<vmem>>, %arg7: memref<1x1xf32, #tpu.memory_space<vmem>>, %arg8: memref<128x128xf32, #tpu.memory_space<vmem>>, %arg9: memref<128x128xf32, #tpu.memory_space<vmem>>) attributes {dimension_semantics = [], scalar_prefetch = 0 : i64, scratch_operands = 0 : i64, tpu.core_type = #tpu.core_type<tc>} {
    %get3A = arith.constant 0 : index
    %get3A_0 = arith.constant 0 : index
    %get3A_1 = vector.load %arg4[%get3A, %get3A_0] : memref<2x128xf32, #tpu.memory_space<vmem>>, vector<2x128xf32>
    %mul3A = arith.mulf %get3A_1, %get3A_1 : vector<2x128xf32>
    %reduce_sum3A = vector.shape_cast %mul3A : vector<2x128xf32> to vector<1x2x128xf32>
    %reduce_sum3A_2 = arith.constant dense<0.000000e+00> : vector<1xf32>
    %reduce_sum3A_3 = vector.multi_reduction <add>, %reduce_sum3A, %reduce_sum3A_2 [1, 2] : vector<1x2x128xf32> to vector<1xf32>
    %reduce_sum3A_4 = vector.shape_cast %reduce_sum3A_3 : vector<1xf32> to vector<1x1x1xf32>
    %reduce_sum3A_5 = vector.extract %reduce_sum3A_4[0, 0, 0] : f32 from vector<1x1x1xf32>
    %sqrt3A = math.sqrt %reduce_sum3A_5 : f32
    %get3A_6 = arith.constant 0 : index
    %get3A_7 = arith.constant 0 : index
    %get3A_8 = vector.load %arg5[%get3A_6, %get3A_7] : memref<1x1xf32, #tpu.memory_space<vmem>>, vector<1x1xf32>
    %get3A_9 = vector.extract %get3A_8[0, 0] : f32 from vector<1x1xf32>
    %get3A_10 = arith.constant 0 : index
    %get3A_11 = arith.constant 0 : index
    %get3A_12 = vector.load %arg6[%get3A_10, %get3A_11] : memref<1x1xf32, #tpu.memory_space<vmem>>, vector<1x1xf32>
    %get3A_13 = vector.extract %get3A_12[0, 0] : f32 from vector<1x1xf32>
    %get3A_14 = arith.constant 0 : index
    %get3A_15 = arith.constant 0 : index
    %get3A_16 = vector.load %arg7[%get3A_14, %get3A_15] : memref<1x1xf32, #tpu.memory_space<vmem>>, vector<1x1xf32>
    %get3A_17 = vector.extract %get3A_16[0, 0] : f32 from vector<1x1xf32>
    %get3A_18 = arith.constant 0 : index
    %get3A_19 = arith.constant 0 : index
    %get3A_20 = vector.load %arg0[%get3A_18, %get3A_19] : memref<8x128xf32, #tpu.memory_space<vmem>>, vector<8x128xf32>
    %get3A_21 = arith.constant 0 : index
    %get3A_22 = arith.constant 0 : index
    %get3A_23 = vector.load %arg1[%get3A_21, %get3A_22] : memref<8x128xf32, #tpu.memory_space<vmem>>, vector<8x128xf32>
    %sqrt3A_24 = math.sqrt %get3A_23 : vector<8x128xf32>
    %mul3A_25 = vector.broadcast %sqrt3A : f32 to vector<8x128xf32>
    %mul3A_26 = arith.mulf %sqrt3A_24, %mul3A_25 : vector<8x128xf32>
    %max3A = arith.constant 9.99999993E-9 : f32
    %max3A_27 = vector.broadcast %max3A : f32 to vector<8x128xf32>
    %max3A_28 = arith.maximumf %mul3A_26, %max3A_27 : vector<8x128xf32>
    %div3A = arith.divf %get3A_20, %max3A_28 : vector<8x128xf32>
    %mul3A_29 = vector.broadcast %get3A_9 : f32 to vector<8x128xf32>
    %mul3A_30 = arith.mulf %div3A, %mul3A_29 : vector<8x128xf32>
    %get3A_31 = arith.constant 0 : index
    %get3A_32 = arith.constant 0 : index
    %get3A_33 = vector.load %arg2[%get3A_31, %get3A_32] : memref<120x128xf32, #tpu.memory_space<vmem>>, vector<120x128xf32>
    %get3A_34 = arith.constant 0 : index
    %get3A_35 = arith.constant 0 : index
    %get3A_36 = vector.load %arg3[%get3A_34, %get3A_35] : memref<120x128xf32, #tpu.memory_space<vmem>>, vector<120x128xf32>
    %sqrt3A_37 = math.sqrt %get3A_36 : vector<120x128xf32>
    %mul3A_38 = vector.broadcast %sqrt3A : f32 to vector<120x128xf32>
    %mul3A_39 = arith.mulf %sqrt3A_37, %mul3A_38 : vector<120x128xf32>
    %max3A_40 = arith.constant 9.99999993E-9 : f32
    %max3A_41 = vector.broadcast %max3A_40 : f32 to vector<120x128xf32>
    %max3A_42 = arith.maximumf %mul3A_39, %max3A_41 : vector<120x128xf32>
    %div3A_43 = arith.divf %get3A_33, %max3A_42 : vector<120x128xf32>
    %mul3A_44 = vector.broadcast %get3A_9 : f32 to vector<120x128xf32>
    %mul3A_45 = arith.mulf %div3A_43, %mul3A_44 : vector<120x128xf32>
    %reduce_max3A = vector.shape_cast %mul3A_30 : vector<8x128xf32> to vector<1x8x128xf32>
    %reduce_max3A_46 = arith.constant dense<0xFF800000> : vector<1xf32>
    %reduce_max3A_47 = vector.multi_reduction <maximumf>, %reduce_max3A, %reduce_max3A_46 [1, 2] : vector<1x8x128xf32> to vector<1xf32>
    %reduce_max3A_48 = vector.shape_cast %reduce_max3A_47 : vector<1xf32> to vector<1x1x1xf32>
    %reduce_max3A_49 = vector.extract %reduce_max3A_48[0, 0, 0] : f32 from vector<1x1x1xf32>
    %reduce_max3A_50 = vector.shape_cast %mul3A_45 : vector<120x128xf32> to vector<1x120x128xf32>
    %reduce_max3A_51 = arith.constant dense<0xFF800000> : vector<1xf32>
    %reduce_max3A_52 = vector.multi_reduction <maximumf>, %reduce_max3A_50, %reduce_max3A_51 [1, 2] : vector<1x120x128xf32> to vector<1xf32>
    %reduce_max3A_53 = vector.shape_cast %reduce_max3A_52 : vector<1xf32> to vector<1x1x1xf32>
    %reduce_max3A_54 = vector.extract %reduce_max3A_53[0, 0, 0] : f32 from vector<1x1x1xf32>
    %max3A_55 = arith.maximumf %reduce_max3A_49, %reduce_max3A_54 : f32
    %sub3A = vector.broadcast %max3A_55 : f32 to vector<8x128xf32>
    %sub3A_56 = arith.subf %mul3A_30, %sub3A : vector<8x128xf32>
    %exp3A = math.exp %sub3A_56 : vector<8x128xf32>
    %sub3A_57 = vector.broadcast %max3A_55 : f32 to vector<120x128xf32>
    %sub3A_58 = arith.subf %mul3A_45, %sub3A_57 : vector<120x128xf32>
    %exp3A_59 = math.exp %sub3A_58 : vector<120x128xf32>
    %reduce_sum3A_60 = vector.shape_cast %exp3A : vector<8x128xf32> to vector<1x8x128xf32>
    %reduce_sum3A_61 = arith.constant dense<0.000000e+00> : vector<1xf32>
    %reduce_sum3A_62 = vector.multi_reduction <add>, %reduce_sum3A_60, %reduce_sum3A_61 [1, 2] : vector<1x8x128xf32> to vector<1xf32>
    %reduce_sum3A_63 = vector.shape_cast %reduce_sum3A_62 : vector<1xf32> to vector<1x1x1xf32>
    %reduce_sum3A_64 = vector.extract %reduce_sum3A_63[0, 0, 0] : f32 from vector<1x1x1xf32>
    %reduce_sum3A_65 = vector.shape_cast %exp3A_59 : vector<120x128xf32> to vector<1x120x128xf32>
    %reduce_sum3A_66 = arith.constant dense<0.000000e+00> : vector<1xf32>
    %reduce_sum3A_67 = vector.multi_reduction <add>, %reduce_sum3A_65, %reduce_sum3A_66 [1, 2] : vector<1x120x128xf32> to vector<1xf32>
    %reduce_sum3A_68 = vector.shape_cast %reduce_sum3A_67 : vector<1xf32> to vector<1x1x1xf32>
    %reduce_sum3A_69 = vector.extract %reduce_sum3A_68[0, 0, 0] : f32 from vector<1x1x1xf32>
    %add3A = arith.addf %reduce_sum3A_64, %reduce_sum3A_69 : f32
    %mul3A_70 = arith.mulf %get3A_17, %get3A_13 : f32
    %sub3A_71 = arith.constant 1.000000e+00 : f32
    %sub3A_72 = arith.subf %sub3A_71, %get3A_13 : f32
    %mul3A_73 = arith.mulf %get3A_17, %sub3A_72 : f32
    %div3A_74 = arith.divf %mul3A_73, %add3A : f32
    %get3A_75 = arith.constant 0 : index
    %get3A_76 = arith.constant 0 : index
    %get3A_77 = vector.load %arg8[%get3A_75, %get3A_76] : memref<128x128xf32, #tpu.memory_space<vmem>>, vector<128x128xf32>
    %slice3A = vector.extract_strided_slice %get3A_77 {offsets = [0, 0], sizes = [8, 128], strides = [1, 1]} : vector<128x128xf32> to vector<8x128xf32>
    %mul3A_78 = vector.broadcast %mul3A_70 : f32 to vector<8x128xf32>
    %mul3A_79 = arith.mulf %mul3A_78, %slice3A : vector<8x128xf32>
    %mul3A_80 = vector.broadcast %div3A_74 : f32 to vector<8x128xf32>
    %mul3A_81 = arith.mulf %mul3A_80, %exp3A : vector<8x128xf32>
    %add3A_82 = arith.addf %mul3A_79, %mul3A_81 : vector<8x128xf32>
    %swap3A = arith.constant 0 : index
    %swap3A_83 = arith.constant 0 : index
    %swap3A_84 = vector.load %arg9[%swap3A, %swap3A_83] : memref<128x128xf32, #tpu.memory_space<vmem>>, vector<8x128xf32>
    tpu.vector_store %arg9[%swap3A, %swap3A_83], %add3A_82 {strides = array<i32>} : memref<128x128xf32, #tpu.memory_space<vmem>>, vector<8x128xf32>,
    %slice3A_85 = vector.extract_strided_slice %get3A_77 {offsets = [8, 0], sizes = [120, 128], strides = [1, 1]} : vector<128x128xf32> to vector<120x128xf32>
    %mul3A_86 = vector.broadcast %mul3A_70 : f32 to vector<120x128xf32>
    %mul3A_87 = arith.mulf %mul3A_86, %slice3A_85 : vector<120x128xf32>
    %mul3A_88 = vector.broadcast %div3A_74 : f32 to vector<120x128xf32>
    %mul3A_89 = arith.mulf %mul3A_88, %exp3A_59 : vector<120x128xf32>
    %add3A_90 = arith.addf %mul3A_87, %mul3A_89 : vector<120x128xf32>
    %swap3A_91 = arith.constant 8 : index
    %swap3A_92 = arith.constant 0 : index
    %swap3A_93 = vector.load %arg9[%swap3A_91, %swap3A_92] : memref<128x128xf32, #tpu.memory_space<vmem>>, vector<120x128xf32>
    tpu.vector_store %arg9[%swap3A_91, %swap3A_92], %add3A_90 {strides = array<i32>} : memref<128x128xf32, #tpu.memory_space<vmem>>, vector<120x128xf32>,
    return
  }
}

module attributes {stable_mosaic.version = 14 : i64} {
  func.func @_tc_phase1b(%arg0: i32, %arg1: memref<1024x256xf32, #tpu.memory_space<vmem>>, %arg2: memref<256x8xf32, #tpu.memory_space<vmem>>, %arg3: memref<1x1x1024xf32, #tpu.memory_space<vmem>>, %arg4: memref<1x1x1024xf32, #tpu.memory_space<vmem>>) attributes {dimension_semantics = [#tpu.dimension_semantics<arbitrary>], iteration_bounds = array<i64: 15>, scalar_prefetch = 0 : i64, scratch_operands = 0 : i64, tpu.core_type = #tpu.core_type<tc>, window_params = [{transform_indices = @transform_0, window_bounds = array<i64: 1024, 256>}, {pipeline_mode = #tpu.pipeline_mode<synchronous>, transform_indices = @transform_1, window_bounds = array<i64: 256, 8>}, {transform_indices = @transform_2, window_bounds = array<i64: 1, 1, 1024>}, {transform_indices = @transform_3, window_bounds = array<i64: 1, 1, 1024>}]} {
    %get3A = arith.constant 0 : index
    %get3A_0 = arith.constant 0 : index
    %get3A_1 = vector.load %arg1[%get3A, %get3A_0] : memref<1024x256xf32, #tpu.memory_space<vmem>>, vector<1024x256xf32>
    %get3A_2 = arith.constant 0 : index
    %get3A_3 = arith.constant 0 : index
    %get3A_4 = vector.load %arg2[%get3A_2, %get3A_3] : memref<256x8xf32, #tpu.memory_space<vmem>>, vector<256x8xf32>
    %broadcast_in_dim3A = arith.constant 1.000000e+00 : f32
    %broadcast_in_dim3A_5 = vector.broadcast %broadcast_in_dim3A : f32 to vector<256x8xf32>
    %dot_general3A = arith.constant dense<0.000000e+00> : vector<1024x8xf32>
    %dot_general3A_6 = tpu.matmul %get3A_1, %get3A_4, %dot_general3A {dimension_numbers = #tpu.dot_dimension_numbers<[1], [0], [0], [1], [0, 0, 1, 1], [], []>, transpose_lhs_hint = false} : vector<1024x256xf32>, vector<256x8xf32>, vector<1024x8xf32> -> vector<1024x8xf32>
    %mul3A = arith.mulf %get3A_1, %get3A_1 : vector<1024x256xf32>
    %dot_general3A_7 = arith.constant dense<0.000000e+00> : vector<1024x8xf32>
    %dot_general3A_8 = tpu.matmul %mul3A, %broadcast_in_dim3A_5, %dot_general3A_7 {dimension_numbers = #tpu.dot_dimension_numbers<[1], [0], [0], [1], [0, 0, 1, 1], [], []>, transpose_lhs_hint = false} : vector<1024x256xf32>, vector<256x8xf32>, vector<1024x8xf32> -> vector<1024x8xf32>
    %transpose3A = tpu.transpose %dot_general3A_6, [1, 0] : vector<1024x8xf32> -> vector<8x1024xf32>
    %slice3A = vector.extract_strided_slice %transpose3A {offsets = [0, 0], sizes = [1, 1024], strides = [1, 1]} : vector<8x1024xf32> to vector<1x1024xf32>
    %squeeze3A = vector.shape_cast %slice3A : vector<1x1024xf32> to vector<1024xf32>
    %swap3A = arith.constant 0 : index
    %swap3A_9 = arith.constant 0 : index
    %swap3A_10 = arith.constant 0 : index
    %swap3A_11 = vector.load %arg3[%swap3A, %swap3A_9, %swap3A_10] : memref<1x1x1024xf32, #tpu.memory_space<vmem>>, vector<1x1x1024xf32>
    %swap3A_12 = vector.shape_cast %swap3A_11 : vector<1x1x1024xf32> to vector<1024xf32>
    %swap3A_13 = vector.shape_cast %squeeze3A : vector<1024xf32> to vector<1x1x1024xf32>
    tpu.vector_store %arg3[%swap3A, %swap3A_9, %swap3A_10], %swap3A_13 {strides = array<i32>} : memref<1x1x1024xf32, #tpu.memory_space<vmem>>, vector<1x1x1024xf32>,
    %transpose3A_14 = tpu.transpose %dot_general3A_8, [1, 0] : vector<1024x8xf32> -> vector<8x1024xf32>
    %slice3A_15 = vector.extract_strided_slice %transpose3A_14 {offsets = [0, 0], sizes = [1, 1024], strides = [1, 1]} : vector<8x1024xf32> to vector<1x1024xf32>
    %squeeze3A_16 = vector.shape_cast %slice3A_15 : vector<1x1024xf32> to vector<1024xf32>
    %swap3A_17 = arith.constant 0 : index
    %swap3A_18 = arith.constant 0 : index
    %swap3A_19 = arith.constant 0 : index
    %swap3A_20 = vector.load %arg4[%swap3A_17, %swap3A_18, %swap3A_19] : memref<1x1x1024xf32, #tpu.memory_space<vmem>>, vector<1x1x1024xf32>
    %swap3A_21 = vector.shape_cast %swap3A_20 : vector<1x1x1024xf32> to vector<1024xf32>
    %swap3A_22 = vector.shape_cast %squeeze3A_16 : vector<1024xf32> to vector<1x1x1024xf32>
    tpu.vector_store %arg4[%swap3A_17, %swap3A_18, %swap3A_19], %swap3A_22 {strides = array<i32>} : memref<1x1x1024xf32, #tpu.memory_space<vmem>>, vector<1x1x1024xf32>,
    return
  }
  func.func @transform_0(%arg0: i32) -> (i32, i32) {
    %add3A = arith.constant 1 : i32
    %add3A_0 = arith.addi %arg0, %add3A : i32
    %c0_i32 = arith.constant 0 : i32
    %c0_i32_1 = arith.constant 0 : i32
    return %add3A_0, %c0_i32 : i32, i32
  }
  func.func @transform_1(%arg0: i32) -> (i32, i32) {
    %c0_i32 = arith.constant 0 : i32
    %c0_i32_0 = arith.constant 0 : i32
    %c0_i32_1 = arith.constant 0 : i32
    return %c0_i32, %c0_i32_0 : i32, i32
  }
  func.func @transform_2(%arg0: i32) -> (i32, i32, i32) {
    %c0_i32 = arith.constant 0 : i32
    %c0_i32_0 = arith.constant 0 : i32
    %c0_i32_1 = arith.constant 0 : i32
    return %arg0, %c0_i32, %c0_i32_0 : i32, i32, i32
  }
  func.func @transform_3(%arg0: i32) -> (i32, i32, i32) {
    %c0_i32 = arith.constant 0 : i32
    %c0_i32_0 = arith.constant 0 : i32
    %c0_i32_1 = arith.constant 0 : i32
    return %arg0, %c0_i32, %c0_i32_0 : i32, i32, i32
  }
}

</mosaic_0001>

<sc_bundles>
// kernel: kernel.5.cloned.1.call-start
scs
__scs_entry_jumppad:
0x0: {  	(pc) =	sbr.rel $0x88, $3  }
0x1: {  	(tag) =	ssettag $0x0;
	lr =	simm.s32 $0x1  }
0x2: {  	[smem:$0x3F9B] =	sst lr;
	_ =	strace $0xD0000000  }
0x3: {  	_ = 	snop  }
0x4: {  	_ = 	snop  }
0x5: {  	_ = 	snop  }
0x6: {  	_ = 	snop  }
0x7: {  	_ = 	snop  }
__scs_overlays_trampoline_lowered:
0x8: {  	[smem:$0x3FAA] =	sst s0  }
0x9: {  	[smem:$0x3FAB] =	sst s1  }
0xa: {  	[smem:$0x3FAC] =	sst s2  }
0xb: {  	[smem:$0x3FAD] =	sst s3  }
0xc: {  	[smem:$0x3FAE] =	sst s4  }
0xd: {  	[smem:$0x3FAF] =	sst s5  }
0xe: {  	[smem:$0x3FB0] =	sst s6  }
0xf: {  	[smem:$0x3FB1] =	sst s7  }
0x10: {  	[smem:$0x3FB2] =	sst s8  }
0x11: {  	[smem:$0x3FB3] =	sst s9;
	s0 =	simm.s32 @!p0 $0x0  }
0x12: {  	s1 =	sld [smem:$0x3F99];
	s0 =	simm.s32 @p0 $0x1  }
0x13: {  	[smem:$0x3FB4] =	sst s0;
	s0 =	simm.s32 @!p1 $0x0  }
0x14: {  	s2 =	sld [smem:$0x3F98];
	s0 =	simm.s32 @p1 $0x1  }
0x15: {  	[smem:$0x3FB5] =	sst s0;
	s0 =	simm.s32 @!p2 $0x0  }
0x16: {  	s3 =	sld [smem:$0x3FDB];
	s0 =	simm.s32 @p2 $0x1  }
0x17: {  	s4 =	simm.s32 $0x1BF5;
	[smem:$0x3FB7] =	sst s0  }
0x18: {  	s0 =	sld [smem:$0x3F9A];
	_ =	swait.ge [sflag:s4], $0x0  }
0x19: {  	s7 =	sld [smem:$0x3F9B]  }
0x1a: {  	s8 =	sadd.s32 $0xFFFFE003, lr  }
0x1b: {  	s9 =	sadd.s32 $0xFFFFFEF7, lr;
	s5 =	simm.s32 $0xFFFFFFFF;
	p2 =	slt.u32 s8, $0xFFFFF086  }
0x1c: {  	p1 =	slt.u32 s9, $0xF7A;
	s5 =	simm.s32 @!p2 $0x0  }
0x1d: {  	s5 =	simm.s32 @p1 $0x1;
	p0 =	seq.s32 s7, s2  }
0x1e: {  	s7 =	smul.u32 @!p0 $0xF7A, s2;
	p2 =	seq.s32 @!p0 s5, $0x0  }
0x1f: {  	s9 =	smul.u32 $0xF7A, s1;
	s8 =	simm.s32 @!p0 $0x1BF5;
	p2 =	por !p2, p0  }
0x20: {  	[sflag:s8] =	ssyncset.s32 @!p0 $0xFFFFF086;
	s6 =	sadd.s32 @!p0 s3, s7;
	s7 =	simm.s32 @!p0 $0x108  }
0x21: {  	s3 =	sadd.s32 s3, s9;
	s6 =	sadd.s32 @!p0 $0x88, s6;
	s7 =	simm.s32 @p2 $0x1082  }
0x22: {  	[simem:s7], [sflag:s8] =	dma.local @!p0 [hbm:s6], $0xF7A  }
0x23: {  	s9 =	sor.u32 $0xD0000000, s2;
	s6 =	simm.s32 $0x108;
	_ =	swait.ge @!p0 [sflag:s8], $0x0  }
0x24: {  	s3 =	sadd.s32 $0x88, s3;
	s6 =	simm.s32 @!p1 $0x1082;
	[sflag:s4] =	ssyncset.s32 $0xFFFFF086  }
0x25: {  	[simem:s6], [sflag:s4] =	dma.local [hbm:s3], $0xF7A  }
0x26: {  	[smem:$0x3F9B] =	sst s1;
	(tag) =	ssettag s2;
	_ =	strace s9  }
0x27: {  	s1 =	sld [smem:$0x3FAB]  }
0x28: {  	s2 =	sld [smem:$0x3FAC]  }
0x29: {  	s4 =	sld [smem:$0x3FAE]  }
0x2a: {  	p0 =	seq.s32 s5, $0x0;
	s5 =	sld [smem:$0x3FAF]  }
0x2b: {  	s6 =	sld [smem:$0x3FB0]  }
0x2c: {  	s7 =	sld [smem:$0x3FB1]  }
0x2d: {  	s3 =	simm.s32 $0x108;
	s8 =	sld [smem:$0x3FB2]  }
0x2e: {  	s3 =	simm.s32 @!p0 $0x1082;
	s9 =	sld [smem:$0x3FB3]  }
0x2f: {  	lr =	sadd.s32 s0, s3;
	s0 =	sld [smem:$0x3FAA]  }
0x30: {  	s3 =	sld [smem:$0x3FAD]  }
0x31: {  	[smem:$0x3FB6] =	sst s10  }
0x32: {  	s10 =	sld [smem:$0x3FB4];
	_ =	sdelay $0x3  }
0x33: {  	p0 =	seq.s32 s10, $0x1;
	s10 =	sld [smem:$0x3FB6];
	_ =	sdelay $0x3  }
0x34: {  	[smem:$0x3FB6] =	sst s10  }
0x35: {  	s10 =	sld [smem:$0x3FB5];
	_ =	sdelay $0x3  }
0x36: {  	p1 =	seq.s32 s10, $0x1;
	s10 =	sld [smem:$0x3FB6];
	_ =	sdelay $0x3  }
0x37: {  	[smem:$0x3FB6] =	sst s10  }
0x38: {  	s10 =	sld [smem:$0x3FB7]  }
0x39: {  	_ = 	snop;
	(pc) =	sbr.ind lr, $3  }
0x3a: {  	_ = 	snop  }
0x3b: {  	_ = 	snop  }
0x3c: {  	p2 =	seq.s32 s10, $0x1;
	s10 =	sld [smem:$0x3FB6]  }
0x3d: {  	_ =	shalt  }
0x3e: {  	_ =	shalt  }
0x3f: {  	_ =	shalt  }
0x40: {  	_ =	shalt  }
0x41: {  	_ =	shalt  }
0x42: {  	_ =	shalt  }
0x43: {  	_ =	shalt  }
0x44: {  	_ =	shalt  }
0x45: {  	_ =	shalt  }
0x46: {  	_ =	shalt  }
0x47: {  	_ =	shalt  }
0x48: {  	_ =	shalt  }
0x49: {  	_ =	shalt  }
0x4a: {  	_ =	shalt  }
0x4b: {  	_ =	shalt  }
0x4c: {  	_ =	shalt  }
0x4d: {  	_ =	shalt  }
0x4e: {  	_ =	shalt  }
0x4f: {  	_ =	shalt  }
0x50: {  	_ =	shalt  }
0x51: {  	_ =	shalt  }
0x52: {  	_ =	shalt  }
0x53: {  	_ =	shalt  }
0x54: {  	_ =	shalt  }
0x55: {  	_ =	shalt  }
0x56: {  	_ =	shalt  }
0x57: {  	_ =	shalt  }
0x58: {  	_ =	shalt  }
0x59: {  	_ =	shalt  }
0x5a: {  	_ =	shalt  }
0x5b: {  	_ =	shalt  }
0x5c: {  	_ =	shalt  }
0x5d: {  	_ =	shalt  }
0x5e: {  	_ =	shalt  }
0x5f: {  	_ =	shalt  }
0x60: {  	_ =	shalt  }
0x61: {  	_ =	shalt  }
0x62: {  	_ =	shalt  }
0x63: {  	_ =	shalt  }
0x64: {  	_ =	shalt  }
0x65: {  	_ =	shalt  }
0x66: {  	_ =	shalt  }
0x67: {  	_ =	shalt  }
0x68: {  	_ =	shalt  }
0x69: {  	_ =	shalt  }
0x6a: {  	_ =	shalt  }
0x6b: {  	_ =	shalt  }
0x6c: {  	_ =	shalt  }
0x6d: {  	_ =	shalt  }
0x6e: {  	_ =	shalt  }
0x6f: {  	_ =	shalt  }
0x70: {  	_ =	shalt  }
0x71: {  	_ =	shalt  }
0x72: {  	_ =	shalt  }
0x73: {  	_ =	shalt  }
0x74: {  	_ =	shalt  }
0x75: {  	_ =	shalt  }
0x76: {  	_ =	shalt  }
0x77: {  	_ =	shalt  }
0x78: {  	_ =	shalt  }
0x79: {  	_ =	shalt  }
0x7a: {  	_ =	shalt  }
0x7b: {  	_ =	shalt  }
0x7c: {  	_ =	shalt  }
0x7d: {  	_ =	shalt  }
0x7e: {  	_ =	shalt  }
0x7f: {  	_ =	shalt  }
0x80: {  	_ =	shalt  }
0x81: {  	_ =	shalt  }
0x82: {  	_ =	shalt  }
0x83: {  	_ =	shalt  }
0x84: {  	_ =	shalt  }
0x85: {  	_ =	shalt  }
0x86: {  	_ =	shalt  }
0x87: {  	_ =	shalt  }
.Lfunc_end0:
.L_simem_size_0:
called_computation_lowered:
.L_overlay_start_0:
0x88: {  	s2 =	sld [smem:$0x3FD9]  }
0x89: {  	s3 =	sld [smem:$0x3FFE];
	_ =	sdelay $0x1  }
0x8a: {  	s1 =	srdreg.scid  }
0x8b: {  	s0 =	sand.u32 $0x1, s1  }
0x8c: {  	s17 =	sshll.u32 s0, $0xA;
	s2 =	sadd.s32 s3, s2  }
0x8d: {  	s2 =	sadd.s32 s2, s17  }
0x8e: {  	[smem:$0x3FC2] =	sst s2  }
0x8f: {  	_ = 	snop  }
0x90: {  	s2 =	sld [smem:$0x3FC9]  }
0x91: {  	s18 =	sld [smem:$0x3FC8]  }
0x92: {  	s4 =	sld [smem:$0x3FD0];
	(tm) =	ssettm $0x1  }
0x93: {  	s5 =	sld [smem:$0x3FFB];
	_ =	sdelay $0x3  }
0x94: {  	_ =	strace s5  }
0x95: {  	s5 =	sld [smem:$0x3FFC];
	_ =	sdelay $0x3  }
0x96: {  	_ =	strace s5  }
0x97: {  	s5 =	sld [smem:$0x3FFD];
	_ =	sdelay $0x3  }
0x98: {  	_ =	strace s5  }
0x99: {  	_ =	strace $0x8FFFFFFF  }
0x9a: {  	s19 =	sld [smem:$0x3FDB];
	_ =	sdelay $0x1  }
0x9b: {  	s6 =	simm.s32 $_scs_section_size  }
0x9c: {  	s7 =	simm.s32 $_size__tile_overlayer_lowered;
	s8 =	simm.s32 $_tile_overlayer_lowered  }
0x9d: {  	s22 =	simm.s32 $0x1BFF;
	s21 =	sshll.u32 s8, $0x1;
	s5 =	sadd.s32 s6, s19  }
0x9e: {  	s9 =	simm.s32 $0x0;
	s20 =	sshll.u32 s7, $0x1;
	s7 =	sadd.s32 s21, s5  }
0x9f: {  	[timem:s9], [sflag:s22] =	dma.local [hbm:s7], s20  }
0xa0: {  	_ =	swait.ge [sflag:s22], s20  }
0xa1: {  	s6 =	ssub.s32 $0x0, s20;
	[sflag:s22] =	ssyncset.done $0x0  }
0xa2: {  	[sflag:s22] =	ssyncadd.s32 s6;
	_ =	sdelay $0x1  }
0xa3: {  	s23 =	simm.s32 $0x1B8B  }
0xa4: {  	_ =	swait.ge [sflag:s23], $0x1  }
0xa5: {  	[sflag:s23] =	ssyncset.done $0x0  }
0xa6: {  	s25 =	simm.s32 $0x1B8E;
	s24 =	sld [smem:$0x3FFE];
	[sflag:s23] =	ssyncadd.s32 $0xFFFFFFFF  }
0xa7: {  	s26 =	simm.s32 $execute0_lowered;
	[smem:$0x3FD2] =	sst s25  }
0xa8: {  	s7 =	sshll.u32 s26, $0x1;
	_ =	strace $0x80000046;
	[dreg:$0x1] =	wrdreg $0xFFFFFFFF  }
0xa9: {  	s28 =	simm.s32 $_size_execute0_lowered;
	s5 =	sadd.s32 s5, s7;
	[dreg:$0x0] =	wrdreg $0x0  }
0xaa: {  	s7 =	sshll.u32 s28, $0x1;
	[dreg:$0x2] =	wrdreg s5  }
0xab: {  	[dreg:$0x3] =	wrdreg s7  }
0xac: {  	[dreg:$0x4] =	wrdreg $0xC0  }
0xad: {  	_ =	task [dreg:s9], $0x5FFFF  }
0xae: {  	[dreg:$0x1] =	wrdreg $0xFFFFFFFF  }
0xaf: {  	[dreg:$0x0] =	wrdreg $0x60  }
0xb0: {  	[dreg:$0x2] =	wrdreg s2  }
0xb1: {  	[dreg:$0x3] =	wrdreg s18  }
0xb2: {  	[dreg:$0x4] =	wrdreg s4  }
0xb3: {  	[dreg:$0x5] =	wrdreg s24  }
0xb4: {  	[dreg:$0x6] =	wrdreg $0x9  }
0xb5: {  	_ =	task.clear_ibuf [dreg:s9], $0x7FFFF;
	_ =	strace $0x90000046  }
0xb6: {  	s29 =	simm.s32 $0x9;
	_ =	strace $0x80000048  }
0xb7: {  	_ =	swait.ge [sflag:s29], $0x1  }
0xb8: {  	[sflag:s29] =	ssyncadd.s32 $0xFFFFFFFF  }
0xb9: {  	_ =	strace $0x90000048  }
0xba: {  	_ =	sfence  }
0xbb: {  	s30 =	sld [smem:$0x0];
	_ =	sdelay $0x2  }
0xbc: {  	s31 =	sshll.u32 s1, $0xD;
	s1 =	sshrl.u32 s1, $0x2  }
0xbd: {  	s3 =	sand.u32 $0x4000, s31;
	s1 =	sadd.s32 s1, s30  }
0xbe: {  	s0 =	sor.u32 s3, s0;
	s1 =	sshll.u32 s1, $0x11  }
0xbf: {  	s0 =	sor.u32 s1, s0  }
0xc0: {  	s0 =	sadd.s32 $0x8F2B, s0  }
0xc1: {  	[sflag:s0] =	ssyncadd.remote.s32 $0x1  }
0xc2: {  	_ =	sfence.sel $0xFFFF  }
0xc3: {  	[dreg:$0x0] =	wrdreg $0xFFFFFFFF;
	(pc) =	sbr.abs _section_cstart, $3  }
0xc4: {  	[dreg:$0x1] =	wrdreg $0xFFFFFFFF  }
0xc5: {  	_ =	task.clear_ibuf [dreg:s9], $0x2FFFF;
	_ =	strace $0x9FFFFFFF  }
0xc6: {  	(tm) =	ssettm $0x7FFFFFFF  }
0xc7: {  	_ =	shalt  }
tec
execute0_lowered:
.L_overlay_start_1:
0x0: {  	(tag) =	ssettag $0x1  }
0x1: {  	v0 =	vimm.s32 $0xFEDCBA98;
	v1 =	vimm.s32 $0x76543210  }
0x2: {  	v2 =	vimm.s32 $0xBA98FEDC;
	v3 =	vimm.s32 $0x32107654;
	vm0 =	vcmask $0x2F20  }
0x3: {  	vm1 =	vcmask $0xF00;
	v4 =	vimm.s32 $0xEFCDAB89;
	v5 =	vimm.s32 $0x67452301  }
0x4: {  	v0 =	vunpack.c.l.s4.s8 v0;
	v2 =	vunpack.c.l.s4.s8 v2;
	v3 =	vunpack.c.l.s4.s8 v3  }
0x5: {  	vm2 =	vcmask $0x700;
	vm3 =	vcmask $0x300;
	v1 =	vunpack.c.l.s4.s8 v1  }
0x6: {  	v0 =	vunpack.c.0.s8.s32 v0;
	v2 =	vunpack.c.0.s8.s32 v2;
	v3 =	vunpack.c.0.s8.s32 v3  }
0x7: {  	vm0 =	vmor vm1, vm0;
	vm1 =	vcmask $0x1710;
	v1 =	vunpack.c.0.s8.s32 v1  }
0x8: {  	vm1 =	vmor vm2, vm1;
	v0 =	vand.u32 $0xF, v0;
	v2 =	vcombine.low v3, v2  }
0x9: {  	v3 =	vimm.s32 $0x54761032;
	v0 =	vcombine.low v0, v1;
	v1 =	vimm.s32 $0xDCFE98BA  }
0xa: {  	vm2 =	vcmask $0xB08;
	v3 =	vunpack.c.l.s4.s8 v3;
	v1 =	vunpack.c.l.s4.s8 v1  }
0xb: {  	s4 =	rddreg [dreg:$0x0];
	v4 =	vunpack.c.l.s4.s8 v4;
	v5 =	vunpack.c.l.s4.s8 v5;
	vm2 =	vmor vm3, vm2  }
0xc: {  	s0 =	rddreg [dreg:$0x1];
	vm3 =	vcmask $0x1310;
	v3 =	vunpack.c.0.s8.s32 v3;
	v1 =	vunpack.c.0.s8.s32 v1  }
0xd: {  	s5 =	rddreg [dreg:$0x2];
	vm2 =	vmor vm2, vm3;
	vm3 =	vcmask $0x1B18  }
0xe: {  	s6 =	rddreg [dreg:$0x3];
	s3 =	srdreg.scid;
	v3 =	vcombine.low v3, v1;
	v1 =	vunpack.c.0.s8.s32 v4;
	v4 =	vunpack.c.0.s8.s32 v5  }
0xf: {  	vm4 =	vcmask $0x2720;
	s1 =	rddreg [dreg:$0x4];
	s2 =	stileid.u32;
	vm2 =	vmor vm2, vm3  }
0x10: {  	s11 =	simm.s32 $0x2100;
	s12 =	simm.s32 $0x2180;
	s13 =	simm.s32 $0x2;
	v5 =	vimm.s32 $0xE6A2C480;
	v4 =	vcombine.low v4, v1;
	v1 =	vimm.s32 $0xF7B3D591  }
0x11: {  	s14 =	simm.s32 $0x0;
	s7 =	sand.u32 $0x1, s3;
	s3 =	simm.s32 $0x0;
	vm3 =	vcmask $0x2320;
	v5 =	vunpack.c.l.s4.s8 v5;
	v1 =	vunpack.c.l.s4.s8 v1  }
0x12: {  	s8 =	sshll.u32 s2, $0x6;
	s9 =	sshll.u32 s7, $0x5;
	[smem:$0x7FF] =	sst s3;
	vm1 =	vmor vm1, vm4;
	vm4 =	vcmask $0x3730;
	vm2 =	vmor vm2, vm3  }
0x13: {  	s7 =	ssub.s32 $0x2, s7;
	s8 =	sor.u32 s9, s8;
	_ =	strace $0x80000047;
	vm3 =	vcmask $0x2B28;
	v5 =	vunpack.c.0.s8.s32 v5;
	v6 =	vunpack.c.0.s8.s32 v1  }
0x14: {  	s10 =	sshrl.u32 s7, $0x1;
	s9 =	sshrl.u32 s8, $0x3;
	s8 =	sshll.u32 s8, $0x5;
	vm1 =	vmor vm1, vm4;
	vm4 =	vcmask $0x3330;
	vm3 =	vmor vm2, vm3  }
0x15: {  	s7 =	ssub.s32 s7, s10;
	s10 =	simm.s32 $0x1;
	s6 =	sadd.s32 s9, s6;
	vm3 =	vmor vm3, vm4;
	vm4 =	vcmask $0x3B38;
	v5 =	vcombine.low v5, v6  }
0x16: {  	s4 =	sadd.s32 s4, s8;
	s5 =	sadd.s32 s5, s9;
	s7 =	smax.u32 s7, $0x1;
	vm2 =	vmmov $0xff;
	vm3 =	vmor vm3, vm4;
	v1 =	vand.u32 $0xF, v2  }
0x17: {  	s8 =	simm.s32 $0x100;
	s9 =	simm.s32 $0x3;
	s6 =	sadd.s32 $0x1400, s6;
	v2 =	vand.u32 $0xF, v3;
	v3 =	vand.u32 $0xF, v4;
	v4 =	vand.u32 $0xF, v5  }
.LBB2_1:
0x18: {  	[tilespmem:s8], [sflag:$0x1] =	stream.linear.gather [hbm4b:s4+s3], $0x2000, $0x38;
	[tilespmem:$0x2200] =	vst v63  }
0x19: {  	_ = 	snop  }
0x1a: {  	[tilespmem:s3], [sflag:$0x3] =	stream.linear.gather [hbm4b:s0+s3], $0x100, $0x38;
	[tilespmem:$0x2200] =	vst v63  }
0x1b: {  	_ =	swait.ge [sflag:s9], $0x100  }
0x1c: {  	[sflag:s9] =	ssyncset.done $0x0  }
0x1d: {  	[sflag:s9] =	ssyncadd.s32 $0xFFFFFF00  }
0x1e: {  	v5 =	vld [tilespmem:$0x0]  }
0x1f: {  	v6 =	vld [tilespmem:$0x10]  }
0x20: {  	v7 =	vld [tilespmem:$0x20]  }
0x21: {  	v8 =	vld [tilespmem:$0x30]  }
0x22: {  	v9 =	vld [tilespmem:$0x40]  }
0x23: {  	v10 =	vld [tilespmem:$0x50]  }
0x24: {  	v11 =	vld [tilespmem:$0x60]  }
0x25: {  	v12 =	vld [tilespmem:$0x70]  }
0x26: {  	v13 =	vld [tilespmem:$0x80]  }
0x27: {  	v14 =	vld [tilespmem:$0x90]  }
0x28: {  	v15 =	vld [tilespmem:$0xA0]  }
0x29: {  	v16 =	vld [tilespmem:$0xB0]  }
0x2a: {  	v17 =	vld [tilespmem:$0xC0]  }
0x2b: {  	v18 =	vld [tilespmem:$0xD0]  }
0x2c: {  	v19 =	vld [tilespmem:$0xE0]  }
0x2d: {  	v20 =	vld [tilespmem:$0xF0];
	_ =	swait.ge [sflag:s10], $0x2000  }
0x2e: {  	[sflag:s10] =	ssyncset.done $0x0  }
0x2f: {  	p0 =	por $0x1, $0x1;
	s15 =	simm.s32 $0x0;
	[sflag:s10] =	ssyncadd.s32 $0xFFFFE000  }
.LBB2_2:
0x30: {  	s16 =	sshll.u32 s15, $0xC  }
0x31: {  	s16 =	sand.u32 $0x3FFFF000, s16  }
0x32: {  	v21 =	vld [tilespmem:s16+$0x100]  }
0x33: {  	v22 =	vld [tilespmem:s16+$0x110]  }
0x34: {  	v23 =	vld [tilespmem:s16+$0x120]  }
0x35: {  	v24 =	vld [tilespmem:s16+$0x130]  }
0x36: {  	v27 =	vld [tilespmem:s16+$0x140]  }
0x37: {  	v40 =	vld [tilespmem:s16+$0x160]  }
0x38: {  	v42 =	vld [tilespmem:s16+$0x170]  }
0x39: {  	v45 =	vld [tilespmem:s16+$0x510]  }
0x3a: {  	v47 =	vld [tilespmem:s16+$0x520]  }
0x3b: {  	v28 =	vld [tilespmem:s16+$0x180]  }
0x3c: {  	v29 =	vld [tilespmem:s16+$0x530]  }
0x3d: {  	v50 =	vld [tilespmem:s16+$0x1A0];
	v25 =	vmul.f32 v21, v5;
	v26 =	vmul.f32 v22, v6  }
0x3e: {  	v52 =	vld [tilespmem:s16+$0x1B0];
	v21 =	vmul.f32 v21, v21;
	v22 =	vmul.f32 v22, v22  }
0x3f: {  	v53 =	vld [tilespmem:s16+$0x540]  }
0x40: {  	v54 =	vld [tilespmem:s16+$0x1C0];
	v38 =	vmul.f32 v23, v7;
	v21 =	vadd.f32 v22, v21;
	v22 =	vmul.f32 v23, v23  }
0x41: {  	v39 =	vmul.f32 v24, v8;
	v41 =	vmul.f32 v27, v9;
	v25 =	vadd.f32 v26, v25;
	v23 =	vld [tilespmem:s16+$0x150]  }
0x42: {  	v56 =	vld [tilespmem:s16+$0x1D0];
	v44 =	vmul.f32 v40, v11;
	v21 =	vadd.f32 v22, v21;
	v22 =	vmul.f32 v24, v24  }
0x43: {  	v57 =	vld [tilespmem:s16+$0x550];
	v46 =	vmul.f32 v42, v12;
	v49 =	vmul.f32 v45, v14;
	v25 =	vadd.f32 v38, v25  }
0x44: {  	v59 =	vld [tilespmem:s16+$0x1E0];
	v51 =	vmul.f32 v47, v15;
	v21 =	vadd.f32 v22, v21;
	v22 =	vmul.f32 v27, v27  }
0x45: {  	v62 =	vld [tilespmem:s16+$0x1F0];
	v30 =	vmul.f32 v28, v5;
	v32 =	vmul.f32 v29, v16;
	v25 =	vadd.f32 v39, v25  }
0x46: {  	v63 =	vld [tilespmem:s16+$0x560];
	v55 =	vmul.f32 v50, v7;
	v21 =	vadd.f32 v22, v21;
	v22 =	vmul.f32 v23, v23  }
0x47: {  	v29 =	vmul.f32 v29, v29;
	v43 =	vmul.f32 v23, v10;
	v25 =	vadd.f32 v41, v25;
	v23 =	vld [tilespmem:s16+$0x500]  }
0x48: {  	v36 =	vld [tilespmem:s16+$0x580];
	v58 =	vmul.f32 v52, v8;
	v21 =	vadd.f32 v22, v21;
	v22 =	vmul.f32 v40, v40  }
0x49: {  	v60 =	vmul.f32 v53, v17;
	v61 =	vmul.f32 v54, v9;
	v39 =	vld [tilespmem:s16+$0x590];
	v25 =	vadd.f32 v43, v25  }
0x4a: {  	v35 =	vmul.f32 v56, v10;
	v40 =	vld [tilespmem:s16+$0x570];
	v21 =	vadd.f32 v22, v21;
	v22 =	vmul.f32 v42, v42  }
0x4b: {  	v37 =	vmul.f32 v57, v18;
	v26 =	vmul.f32 v53, v53;
	v25 =	vadd.f32 v44, v25;
	v42 =	vld [tilespmem:s16+$0x5A0]  }
0x4c: {  	v48 =	vmul.f32 v23, v13;
	v21 =	vadd.f32 v22, v21;
	v22 =	vmul.f32 v23, v23;
	v23 =	vld [tilespmem:s16+$0x190]  }
0x4d: {  	v38 =	vmul.f32 v59, v11;
	v41 =	vmul.f32 v62, v12;
	v25 =	vadd.f32 v46, v25  }
0x4e: {  	v43 =	vmul.f32 v63, v19;
	v21 =	vadd.f32 v22, v21;
	v22 =	vmul.f32 v45, v45  }
0x4f: {  	v44 =	vmul.f32 v36, v13;
	v46 =	vmul.f32 v39, v14;
	v25 =	vadd.f32 v48, v25;
	v45 =	vld [tilespmem:s16+$0x5B0]  }
0x50: {  	v48 =	vmul.f32 v40, v20;
	v21 =	vadd.f32 v22, v21;
	v22 =	vmul.f32 v47, v47  }
0x51: {  	v25 =	vadd.f32 v49, v25;
	v49 =	vmul.f32 v42, v15;
	v31 =	vmul.f32 v23, v6  }
0x52: {  	v47 =	vld [tilespmem:s16+$0x200];
	v23 =	vmul.f32 v23, v23;
	v21 =	vadd.f32 v22, v21;
	v22 =	vmul.f32 v28, v28  }
0x53: {  	v25 =	vadd.f32 v51, v25;
	v28 =	vmul.f32 v42, v42;
	v30 =	vadd.f32 v31, v30  }
0x54: {  	v51 =	vmul.f32 v45, v16;
	v24 =	vmul.f32 v45, v45;
	v22 =	vadd.f32 v23, v22  }
0x55: {  	v53 =	vld [tilespmem:s16+$0x230];
	v23 =	vmul.f32 v50, v50;
	v25 =	vadd.f32 v32, v25;
	v21 =	vadd.f32 v29, v21  }
0x56: {  	v32 =	vmul.f32 v57, v57;
	v29 =	vmul.f32 v63, v63;
	v30 =	vadd.f32 v55, v30  }
0x57: {  	v63 =	vld [tilespmem:s16+$0x5E0];
	v55 =	vmul.f32 v47, v5;
	v22 =	vadd.f32 v23, v22;
	v23 =	vmul.f32 v52, v52  }
0x58: {  	v57 =	vmul.f32 v47, v47;
	v25 =	vadd.f32 v60, v25;
	v21 =	vadd.f32 v26, v21  }
0x59: {  	v33 =	vld [tilespmem:s16+$0x5C0];
	v30 =	vadd.f32 v58, v30;
	v22 =	vadd.f32 v23, v22;
	v23 =	vmul.f32 v54, v54  }
0x5a: {  	v26 =	vmul.f32 v40, v40;
	v58 =	vld [tilespmem:s16+$0x240];
	v25 =	vadd.f32 v37, v25;
	v37 =	vmul.f32 v53, v53  }
0x5b: {  	v54 =	vld [tilespmem:s16+$0x5D0];
	v30 =	vadd.f32 v61, v30;
	v22 =	vadd.f32 v23, v22;
	v23 =	vmul.f32 v56, v56  }
0x5c: {  	v21 =	vadd.f32 v32, v21;
	v47 =	vmul.f32 v63, v19;
	v32 =	vmul.f32 v63, v63  }
0x5d: {  	v30 =	vadd.f32 v35, v30;
	v35 =	vld [tilespmem:s16+$0x220];
	v22 =	vadd.f32 v23, v22;
	v23 =	vmul.f32 v59, v59  }
0x5e: {  	v59 =	vmul.f32 v33, v17;
	v33 =	vmul.f32 v33, v33  }
0x5f: {  	v30 =	vadd.f32 v38, v30;
	v22 =	vadd.f32 v23, v22;
	v23 =	vmul.f32 v62, v62  }
0x60: {  	v42 =	vld [tilespmem:s16+$0x270];
	v40 =	vmul.f32 v58, v9;
	v27 =	vmul.f32 v54, v54  }
0x61: {  	v62 =	vld [tilespmem:s16+$0x250];
	v30 =	vadd.f32 v41, v30;
	v22 =	vadd.f32 v23, v22;
	v23 =	vmul.f32 v36, v36  }
0x62: {  	v29 =	vadd.f32 v29, v21;
	v38 =	vld [tilespmem:s16+$0x260];
	v41 =	vmul.f32 v58, v58;
	v60 =	vmul.f32 v35, v7  }
0x63: {  	v61 =	vmul.f32 v35, v35;
	v30 =	vadd.f32 v44, v30;
	v21 =	vadd.f32 v23, v22;
	v23 =	vld [tilespmem:s16+$0x210]  }
0x64: {  	v25 =	vadd.f32 v43, v25;
	v36 =	vmul.f32 v53, v8;
	v22 =	vmul.f32 v39, v39  }
0x65: {  	v43 =	vld [tilespmem:s16+$0x5F0];
	v53 =	vmul.f32 v42, v42;
	v39 =	vmul.f32 v54, v18;
	v30 =	vadd.f32 v46, v30  }
0x66: {  	v54 =	vld [tilespmem:s16+$0x630];
	v44 =	vmul.f32 v62, v10;
	v34 =	vadd.f32 v22, v21;
	v21 =	vadd.f32 v48, v25  }
0x67: {  	v45 =	vmul.f32 v62, v62;
	v46 =	vld [tilespmem:s16+$0x600];
	v22 =	vadd.f32 v26, v29;
	v50 =	vadd.f32 v49, v30  }
0x68: {  	v48 =	vmul.f32 v38, v11;
	v52 =	vadd.f32 v28, v34;
	v56 =	vmul.f32 v23, v6  }
0x69: {  	v49 =	vmul.f32 v38, v38;
	v25 =	vadd.f32 v51, v50;
	v23 =	vmul.f32 v23, v23  }
0x6a: {  	v50 =	vld [tilespmem:s16+$0x610];
	v51 =	vmul.f32 v42, v12;
	v24 =	vadd.f32 v24, v52;
	v29 =	vadd.f32 v56, v55  }
0x6b: {  	v26 =	vmul.f32 v54, v54;
	v52 =	vld [tilespmem:s16+$0x620];
	v23 =	vadd.f32 v23, v57;
	v25 =	vadd.f32 v59, v25  }
0x6c: {  	v55 =	vmul.f32 v43, v20;
	v56 =	vmul.f32 v46, v13;
	v24 =	vadd.f32 v33, v24  }
0x6d: {  	v57 =	vld [tilespmem:s16+$0x280];
	v33 =	vmul.f32 v43, v43;
	v29 =	vadd.f32 v60, v29;
	v23 =	vadd.f32 v61, v23  }
0x6e: {  	v25 =	vadd.f32 v39, v25;
	v60 =	vld [tilespmem:s16+$0x2A0];
	v24 =	vadd.f32 v27, v24;
	v27 =	vmul.f32 v46, v46  }
0x6f: {  	v59 =	vmul.f32 v50, v14;
	v28 =	vmul.f32 v50, v50;
	v46 =	vld [tilespmem:s16+$0x2C0];
	v29 =	vadd.f32 v36, v29  }
0x70: {  	v23 =	vadd.f32 v37, v23;
	v25 =	vadd.f32 v47, v25;
	v37 =	vld [tilespmem:s16+$0x290];
	v61 =	vmul.f32 v52, v15  }
0x71: {  	v50 =	vld [tilespmem:s16+$0x2D0];
	v62 =	vmul.f32 v52, v52;
	v32 =	vadd.f32 v32, v24;
	v29 =	vadd.f32 v40, v29  }
0x72: {  	v42 =	vmul.f32 v57, v5;
	v23 =	vadd.f32 v41, v23;
	v24 =	vadd.f32 v55, v25;
	v41 =	vld [tilespmem:s16+$0x2B0]  }
0x73: {  	v40 =	vmul.f32 v54, v16;
	v55 =	vld [tilespmem:s16+$0x660];
	v30 =	vmul.f32 v60, v60;
	v29 =	vadd.f32 v44, v29  }
0x74: {  	v63 =	vld [tilespmem:s16+$0x640];
	v23 =	vadd.f32 v45, v23;
	v44 =	vmul.f32 v57, v57;
	v57 =	vmul.f32 v46, v46  }
0x75: {  	v43 =	vmul.f32 v37, v6;
	v45 =	vmul.f32 v37, v37;
	v29 =	vadd.f32 v48, v29  }
0x76: {  	v54 =	vld [tilespmem:s16+$0x2E0];
	v23 =	vadd.f32 v49, v23;
	v48 =	vmul.f32 v60, v7;
	v60 =	vmul.f32 v50, v10  }
0x77: {  	v49 =	vadd.f32 v45, v44;
	v52 =	vmul.f32 v41, v8;
	v29 =	vadd.f32 v51, v29  }
0x78: {  	v47 =	vld [tilespmem:s16+$0x650];
	v35 =	vmul.f32 v55, v55;
	v36 =	vadd.f32 v53, v23;
	v23 =	vadd.f32 v33, v32  }
0x79: {  	v51 =	vmul.f32 v63, v17;
	v32 =	vmul.f32 v63, v63;
	v63 =	vld [tilespmem:s16+$0x670];
	v58 =	vadd.f32 v56, v29  }
0x7a: {  	v53 =	vmul.f32 v41, v41;
	v27 =	vadd.f32 v27, v36;
	v29 =	vadd.f32 v43, v42  }
0x7b: {  	v41 =	vmul.f32 v54, v54;
	v56 =	vmul.f32 v46, v9;
	v46 =	vld [tilespmem:s16+$0x6A0];
	v25 =	vadd.f32 v59, v58  }
0x7c: {  	v42 =	vld [tilespmem:s16+$0x690];
	v43 =	vmul.f32 v55, v19;
	v27 =	vadd.f32 v28, v27;
	v29 =	vadd.f32 v48, v29  }
0x7d: {  	v58 =	vld [tilespmem:s16+$0x2F0];
	v59 =	vmul.f32 v47, v18;
	v28 =	vmul.f32 v47, v47;
	v25 =	vadd.f32 v61, v25  }
0x7e: {  	v48 =	vld [tilespmem:s16+$0x6B0];
	v36 =	vmul.f32 v63, v63;
	v27 =	vadd.f32 v62, v27;
	v29 =	vadd.f32 v52, v29  }
0x7f: {  	v61 =	vmul.f32 v50, v50;
	v62 =	vld [tilespmem:s16+$0x680];
	v52 =	vmul.f32 v63, v20;
	v25 =	vadd.f32 v40, v25  }
0x80: {  	v55 =	vmul.f32 v46, v15;
	v26 =	vadd.f32 v26, v27;
	v27 =	vadd.f32 v30, v49  }
0x81: {  	v29 =	vadd.f32 v56, v29;
	v40 =	vmul.f32 v54, v11;
	v30 =	vmul.f32 v42, v42  }
0x82: {  	v54 =	vld [tilespmem:s16+$0x310];
	v44 =	vmul.f32 v58, v12;
	v45 =	vmul.f32 v58, v58;
	v25 =	vadd.f32 v51, v25  }
0x83: {  	v56 =	vld [tilespmem:s16+$0x320];
	v34 =	vmul.f32 v48, v48;
	v26 =	vadd.f32 v32, v26;
	v27 =	vadd.f32 v53, v27  }
0x84: {  	v58 =	vld [tilespmem:s16+$0x6C0];
	v29 =	vadd.f32 v60, v29;
	v53 =	vmul.f32 v42, v14;
	v47 =	vmul.f32 v62, v13  }
0x85: {  	v51 =	vld [tilespmem:s16+$0x300];
	v50 =	vmul.f32 v62, v62;
	v27 =	vadd.f32 v57, v27;
	v25 =	vadd.f32 v59, v25  }
0x86: {  	v60 =	vld [tilespmem:s16+$0x330];
	v26 =	vadd.f32 v28, v26;
	v57 =	vmul.f32 v46, v46;
	v59 =	vmul.f32 v48, v16  }
0x87: {  	v29 =	vadd.f32 v40, v29;
	v40 =	vld [tilespmem:s16+$0x340];
	v62 =	vmul.f32 v54, v6;
	v63 =	vmul.f32 v54, v54  }
0x88: {  	v48 =	vld [tilespmem:s16+$0x6E0];
	v42 =	vmul.f32 v56, v7;
	v27 =	vadd.f32 v61, v27;
	v25 =	vadd.f32 v43, v25  }
0x89: {  	v39 =	vld [tilespmem:s16+$0x720];
	v29 =	vadd.f32 v44, v29;
	v38 =	vmul.f32 v58, v17;
	v43 =	vmul.f32 v56, v56  }
0x8a: {  	v35 =	vadd.f32 v35, v26;
	v44 =	vld [tilespmem:s16+$0x350];
	v32 =	vmul.f32 v58, v58;
	v61 =	vmul.f32 v51, v5  }
0x8b: {  	v56 =	vld [tilespmem:s16+$0x6F0];
	v28 =	vmul.f32 v51, v51;
	v27 =	vadd.f32 v41, v27;
	v29 =	vadd.f32 v47, v29  }
0x8c: {  	v46 =	vmul.f32 v60, v60;
	v26 =	vadd.f32 v52, v25;
	v25 =	vadd.f32 v36, v35;
	v41 =	vld [tilespmem:s16+$0x6D0]  }
0x8d: {  	v47 =	vld [tilespmem:s16+$0x360];
	v28 =	vadd.f32 v63, v28;
	v51 =	vmul.f32 v40, v40;
	v58 =	vmul.f32 v48, v19  }
0x8e: {  	v52 =	vld [tilespmem:s16+$0x370];
	v49 =	vadd.f32 v45, v27;
	v29 =	vadd.f32 v53, v29;
	v45 =	vmul.f32 v60, v8  }
0x8f: {  	v63 =	vld [tilespmem:s16+$0x730];
	v28 =	vadd.f32 v43, v28;
	v53 =	vmul.f32 v44, v10;
	v54 =	vmul.f32 v44, v44  }
0x90: {  	v27 =	vadd.f32 v50, v49;
	v29 =	vadd.f32 v55, v29;
	v49 =	vmul.f32 v40, v9  }
0x91: {  	v60 =	vld [tilespmem:s16+$0x710];
	v50 =	vmul.f32 v41, v18;
	v28 =	vadd.f32 v46, v28;
	v46 =	vmul.f32 v56, v20  }
0x92: {  	v55 =	vld [tilespmem:s16+$0x700];
	v27 =	vadd.f32 v30, v27;
	v29 =	vadd.f32 v59, v29;
	v59 =	vmul.f32 v47, v47  }
0x93: {  	v30 =	vadd.f32 v62, v61;
	v61 =	vmul.f32 v52, v12;
	v62 =	vmul.f32 v52, v52  }
0x94: {  	v40 =	vld [tilespmem:s16+$0x390];
	v52 =	vmul.f32 v39, v39;
	v37 =	vmul.f32 v63, v63;
	v28 =	vadd.f32 v51, v28  }
0x95: {  	v51 =	vmul.f32 v39, v15;
	v27 =	vadd.f32 v57, v27;
	v30 =	vadd.f32 v42, v30  }
0x96: {  	v29 =	vadd.f32 v38, v29;
	v57 =	vmul.f32 v47, v11;
	v47 =	vmul.f32 v60, v14  }
0x97: {  	v28 =	vadd.f32 v54, v28;
	v44 =	vmul.f32 v55, v13;
	v33 =	vmul.f32 v55, v55;
	v54 =	vld [tilespmem:s16+$0x3B0]  }
0x98: {  	v55 =	vld [tilespmem:s16+$0x740];
	v27 =	vadd.f32 v34, v27;
	v30 =	vadd.f32 v45, v30;
	v34 =	vmul.f32 v41, v41  }
0x99: {  	v29 =	vadd.f32 v50, v29;
	v45 =	vld [tilespmem:s16+$0x380];
	v28 =	vadd.f32 v59, v28;
	v59 =	vmul.f32 v40, v40  }
0x9a: {  	v50 =	vld [tilespmem:s16+$0x3A0];
	v27 =	vadd.f32 v32, v27;
	v30 =	vadd.f32 v49, v30;
	v32 =	vmul.f32 v48, v48  }
0x9b: {  	v29 =	vadd.f32 v58, v29;
	v49 =	vmul.f32 v60, v60;
	v31 =	vadd.f32 v62, v28  }
0x9c: {  	v60 =	vld [tilespmem:s16+$0x3C0];
	v27 =	vadd.f32 v34, v27;
	v30 =	vadd.f32 v53, v30;
	v34 =	vmul.f32 v56, v56  }
0x9d: {  	v28 =	vadd.f32 v46, v29;
	v53 =	vmul.f32 v63, v16;
	v46 =	vmul.f32 v54, v54  }
0x9e: {  	v62 =	vld [tilespmem:s16+$0x3D0];
	v48 =	vadd.f32 v33, v31;
	v56 =	vmul.f32 v45, v5;
	v58 =	vmul.f32 v45, v45  }
0x9f: {  	v63 =	vld [tilespmem:s16+$0x750];
	v33 =	vmul.f32 v50, v50;
	v45 =	vmul.f32 v55, v17;
	v30 =	vadd.f32 v57, v30  }
0xa0: {  	v27 =	vadd.f32 v32, v27;
	v57 =	vmul.f32 v40, v6;
	v32 =	vmul.f32 v55, v55  }
0xa1: {  	v42 =	vld [tilespmem:s16+$0x410];
	v29 =	vadd.f32 v49, v48;
	v31 =	vadd.f32 v59, v58;
	v48 =	vmul.f32 v60, v9  }
0xa2: {  	v55 =	vld [tilespmem:s16+$0x780];
	v49 =	vmul.f32 v60, v60;
	v30 =	vadd.f32 v61, v30;
	v27 =	vadd.f32 v34, v27  }
0xa3: {  	v38 =	vadd.f32 v57, v56;
	v61 =	vmul.f32 v50, v7;
	v50 =	vld [tilespmem:s16+$0x3F0];
	v29 =	vadd.f32 v52, v29  }
0xa4: {  	v58 =	vld [tilespmem:s16+$0x790];
	v31 =	vadd.f32 v33, v31;
	v52 =	vmul.f32 v62, v10;
	v36 =	vmul.f32 v63, v63  }
0xa5: {  	v59 =	vld [tilespmem:s16+$0x770];
	v30 =	vadd.f32 v44, v30;
	v43 =	vadd.f32 v61, v38;
	v44 =	vmul.f32 v54, v8  }
0xa6: {  	v54 =	vmul.f32 v62, v62;
	v29 =	vadd.f32 v37, v29;
	v31 =	vadd.f32 v46, v31  }
0xa7: {  	v38 =	vld [tilespmem:s16+$0x7D0];
	v46 =	vmul.f32 v55, v55;
	v30 =	vadd.f32 v47, v30;
	v37 =	vadd.f32 v44, v43  }
0xa8: {  	v47 =	vld [tilespmem:s16+$0x3E0];
	v43 =	vmul.f32 v42, v6;
	v29 =	vadd.f32 v32, v29;
	v60 =	vmul.f32 v50, v12  }
0xa9: {  	v41 =	vld [tilespmem:s16+$0x7B0];
	v31 =	vadd.f32 v49, v31;
	v62 =	vmul.f32 v50, v50;
	v49 =	vmul.f32 v58, v14  }
0xaa: {  	v50 =	vmul.f32 v59, v20;
	v30 =	vadd.f32 v51, v30;
	v51 =	vld [tilespmem:s16+$0x760];
	v37 =	vadd.f32 v48, v37  }
0xab: {  	v31 =	vadd.f32 v54, v31;
	v29 =	vadd.f32 v36, v29;
	v36 =	vmul.f32 v59, v59  }
0xac: {  	v59 =	vmul.f32 v38, v18;
	v38 =	vmul.f32 v38, v38;
	v30 =	vadd.f32 v53, v30  }
0xad: {  	v53 =	vmul.f32 v63, v18;
	v37 =	vadd.f32 v52, v37;
	v63 =	vld [tilespmem:s16+$0x7A0];
	v56 =	vmul.f32 v47, v11  }
0xae: {  	v52 =	vld [tilespmem:s16+$0x400];
	v57 =	vmul.f32 v47, v47;
	v30 =	vadd.f32 v45, v30;
	v45 =	vmul.f32 v55, v13  }
0xaf: {  	v55 =	vmul.f32 v41, v16;
	v37 =	vadd.f32 v56, v37;
	v61 =	vmul.f32 v51, v19  }
0xb0: {  	v47 =	vld [tilespmem:s16+$0x7C0];
	v31 =	vadd.f32 v57, v31;
	v32 =	vmul.f32 v51, v51;
	v51 =	vmul.f32 v58, v58  }
0xb1: {  	v57 =	vmul.f32 v41, v41;
	v30 =	vadd.f32 v53, v30;
	v37 =	vadd.f32 v60, v37  }
0xb2: {  	v56 =	vld [tilespmem:s16+$0x420];
	v31 =	vadd.f32 v62, v31;
	v53 =	vmul.f32 v63, v15;
	v54 =	vmul.f32 v63, v63  }
0xb3: {  	v29 =	vadd.f32 v32, v29;
	v60 =	vld [tilespmem:s16+$0x430];
	v62 =	vmul.f32 v52, v5;
	v35 =	vmul.f32 v52, v52  }
0xb4: {  	v63 =	vmul.f32 v42, v42;
	v30 =	vadd.f32 v61, v30;
	v61 =	vld [tilespmem:s16+$0x7E0];
	v48 =	vadd.f32 v45, v37  }
0xb5: {  	v58 =	vmul.f32 v47, v17;
	v31 =	vadd.f32 v46, v31;
	v29 =	vadd.f32 v36, v29  }
0xb6: {  	v34 =	vmul.f32 v47, v47;
	v45 =	vld [tilespmem:s16+$0x440];
	v46 =	vadd.f32 v43, v62;
	v30 =	vadd.f32 v50, v30  }
0xb7: {  	v47 =	vmul.f32 v56, v7;
	v50 =	vld [tilespmem:s16+$0x7F0];
	v32 =	vadd.f32 v49, v48;
	v31 =	vadd.f32 v51, v31  }
0xb8: {  	v35 =	vadd.f32 v63, v35;
	v48 =	vmul.f32 v56, v56;
	v49 =	vld [tilespmem:s16+$0x450];
	v51 =	vmul.f32 v60, v8  }
0xb9: {  	v56 =	vld [tilespmem:s16+$0x470];
	v32 =	vadd.f32 v53, v32;
	v31 =	vadd.f32 v54, v31;
	v52 =	vmul.f32 v61, v19  }
0xba: {  	v37 =	vld [tilespmem:s16+$0x490];
	v35 =	vadd.f32 v48, v35;
	v53 =	vmul.f32 v60, v60;
	v33 =	vmul.f32 v61, v61  }
0xbb: {  	v54 =	vld [tilespmem:s16+$0x460];
	v32 =	vadd.f32 v55, v32;
	v31 =	vadd.f32 v57, v31;
	v55 =	vmul.f32 v45, v9  }
0xbc: {  	v43 =	vld [tilespmem:s16+$0x480];
	v35 =	vadd.f32 v53, v35;
	v57 =	vmul.f32 v45, v45;
	v44 =	vmul.f32 v50, v20  }
0xbd: {  	v63 =	vld [tilespmem:s16+$0x810];
	v39 =	vmul.f32 v50, v50;
	v60 =	vmul.f32 v49, v49;
	v32 =	vadd.f32 v58, v32  }
0xbe: {  	v45 =	vld [tilespmem:s16+$0x4B0];
	v50 =	vmul.f32 v56, v12;
	v31 =	vadd.f32 v34, v31;
	v34 =	vadd.f32 v47, v46  }
0xbf: {  	v35 =	vadd.f32 v57, v35;
	v46 =	vmul.f32 v37, v6;
	v37 =	vmul.f32 v37, v37  }
0xc0: {  	v58 =	vld [tilespmem:s16+$0x800];
	v62 =	vmul.f32 v54, v11;
	v48 =	vmul.f32 v54, v54;
	v32 =	vadd.f32 v59, v32  }
0xc1: {  	v47 =	vld [tilespmem:s16+$0x830];
	v54 =	vmul.f32 v43, v5;
	v31 =	vadd.f32 v38, v31;
	v34 =	vadd.f32 v51, v34  }
0xc2: {  	v59 =	vmul.f32 v49, v10;
	v35 =	vadd.f32 v60, v35;
	v49 =	vld [tilespmem:s16+$0x4A0];
	v38 =	vmul.f32 v63, v63  }
0xc3: {  	v51 =	vld [tilespmem:s16+$0x820];
	v60 =	vmul.f32 v45, v8;
	v32 =	vadd.f32 v52, v32;
	v34 =	vadd.f32 v55, v34  }
0xc4: {  	v42 =	vld [tilespmem:s16+$0x4D0];
	v31 =	vadd.f32 v33, v31;
	v35 =	vadd.f32 v48, v35;
	v52 =	vmul.f32 v56, v56  }
0xc5: {  	v53 =	vmul.f32 v58, v13;
	v55 =	vmul.f32 v58, v58;
	v61 =	vadd.f32 v59, v34  }
0xc6: {  	v56 =	vld [tilespmem:s16+$0x4C0];
	v58 =	vmul.f32 v63, v14;
	v32 =	vadd.f32 v44, v32;
	v31 =	vadd.f32 v39, v31  }
0xc7: {  	v35 =	vadd.f32 v52, v35;
	v52 =	vmul.f32 v47, v16;
	v57 =	vmul.f32 v49, v7  }
0xc8: {  	v34 =	vadd.f32 v46, v54;
	v59 =	vmul.f32 v51, v15;
	v48 =	vmul.f32 v49, v49  }
0xc9: {  	v39 =	vld [tilespmem:s16+$0x890];
	v49 =	vmul.f32 v51, v51;
	v51 =	vmul.f32 v42, v10;
	v33 =	vadd.f32 v62, v61  }
0xca: {  	v35 =	vadd.f32 v55, v35;
	v61 =	vmul.f32 v43, v43;
	v62 =	vld [tilespmem:s16+$0x4E0];
	v34 =	vadd.f32 v57, v34  }
0xcb: {  	v40 =	vld [tilespmem:s16+$0x4F0];
	v63 =	vmul.f32 v56, v9;
	v55 =	vmul.f32 v56, v56;
	v33 =	vadd.f32 v50, v33  }
0xcc: {  	v56 =	vmul.f32 v47, v47;
	v57 =	vld [tilespmem:s16+$0x850];
	v35 =	vadd.f32 v38, v35;
	v36 =	vadd.f32 v37, v61  }
0xcd: {  	v50 =	vld [tilespmem:s16+$0x840];
	v34 =	vadd.f32 v60, v34;
	v60 =	vmul.f32 v42, v42;
	v33 =	vadd.f32 v53, v33  }
0xce: {  	v46 =	vld [tilespmem:s16+$0x870];
	v36 =	vadd.f32 v48, v36;
	v53 =	vmul.f32 v45, v45;
	v35 =	vadd.f32 v49, v35  }
0xcf: {  	v42 =	vld [tilespmem:s16+$0x8A0];
	v49 =	vmul.f32 v39, v14;
	v34 =	vadd.f32 v63, v34;
	v54 =	vmul.f32 v62, v11  }
0xd0: {  	v41 =	vld [tilespmem:s16+$0x8B0];
	v62 =	vmul.f32 v62, v62;
	v33 =	vadd.f32 v58, v33;
	v36 =	vadd.f32 v53, v36  }
0xd1: {  	v45 =	vld [tilespmem:s16+$0x880];
	v58 =	vmul.f32 v40, v12;
	v35 =	vadd.f32 v56, v35;
	v56 =	vmul.f32 v57, v57  }
0xd2: {  	v48 =	vld [tilespmem:s16+$0x860];
	v34 =	vadd.f32 v51, v34;
	v63 =	vmul.f32 v50, v50;
	v51 =	vmul.f32 v40, v40  }
0xd3: {  	v40 =	vmul.f32 v46, v46;
	v33 =	vadd.f32 v59, v33;
	v59 =	vmul.f32 v50, v17  }
0xd4: {  	v36 =	vadd.f32 v55, v36;
	v50 =	vmul.f32 v57, v18;
	v53 =	vmul.f32 v42, v15  }
0xd5: {  	v57 =	vmul.f32 v41, v16;
	v41 =	vmul.f32 v41, v41;
	v34 =	vadd.f32 v54, v34  }
0xd6: {  	v61 =	vmul.f32 v45, v13;
	v35 =	vadd.f32 v63, v35;
	v54 =	vmul.f32 v45, v45  }
0xd7: {  	v55 =	vld [tilespmem:s16+$0x8D0];
	v44 =	vmul.f32 v48, v48;
	v63 =	vmul.f32 v46, v20;
	v33 =	vadd.f32 v52, v33  }
0xd8: {  	v46 =	vperm.xlane v22, v0;
	v36 =	vadd.f32 v60, v36;
	v34 =	vadd.f32 v58, v34  }
0xd9: {  	v52 =	vld [tilespmem:s16+$0x8C0];
	v58 =	vmul.f32 v48, v19;
	v35 =	vadd.f32 v56, v35;
	v48 =	vperm.xlane v21, v0  }
0xda: {  	v33 =	vadd.f32 v59, v33;
	v36 =	vadd.f32 v62, v36;
	v59 =	vmul.f32 v39, v39  }
0xdb: {  	v34 =	vadd.f32 v61, v34;
	v61 =	vmul.f32 v42, v42;
	v35 =	vadd.f32 v44, v35  }
0xdc: {  	v62 =	vmul.f32 v55, v18;
	v21 =	vadd.f32 v48, v21;
	v33 =	vadd.f32 v50, v33  }
0xdd: {  	v39 =	vld [tilespmem:s16+$0x8E0];
	v36 =	vadd.f32 v51, v36;
	v50 =	vperm.xlane v26, v0;
	v51 =	vperm.xlane v28, v0  }
0xde: {  	v34 =	vadd.f32 v49, v34;
	v60 =	vmul.f32 v52, v17;
	v45 =	vmul.f32 v52, v52  }
0xdf: {  	v42 =	vld [tilespmem:s16+$0x8F0];
	v49 =	vperm.xlane v24, v0;
	v43 =	vadd.f32 v40, v35;
	v36 =	vadd.f32 v54, v36  }
0xe0: {  	v52 =	vmul.f32 v55, v55;
	v33 =	vadd.f32 v58, v33;
	v26 =	vadd.f32 v50, v26  }
0xe1: {  	v28 =	vadd.f32 v51, v28;
	v54 =	vperm.xlane v32, v0;
	v50 =	vperm.xlane v27, v0  }
0xe2: {  	v34 =	vadd.f32 v53, v34;
	v44 =	vmul.f32 v39, v19;
	v24 =	vadd.f32 v49, v24  }
0xe3: {  	v53 =	vperm.xlane v30, v0;
	v49 =	vperm.xlane v25, v0;
	v36 =	vadd.f32 v59, v36  }
0xe4: {  	v33 =	vadd.f32 v63, v33;
	v47 =	vmul.f32 v42, v20;
	v58 =	vadd.f32 v54, v32  }
0xe5: {  	v48 =	vld [tilespmem:s16+$0x900];
	v26 =	vsel vm2, v26, v28;
	v27 =	vadd.f32 v50, v27;
	v34 =	vadd.f32 v57, v34  }
0xe6: {  	v54 =	vperm.xlane v29, v0;
	v21 =	vsel vm2, v21, v24;
	v57 =	vadd.f32 v53, v30  }
0xe7: {  	v63 =	vperm.xlane v26, v1;
	v25 =	vadd.f32 v49, v25;
	v34 =	vadd.f32 v60, v34  }
0xe8: {  	v36 =	vadd.f32 v61, v36;
	v55 =	vperm.xlane v33, v0;
	v60 =	vperm.xlane v21, v1  }
0xe9: {  	v28 =	vsel vm2, v57, v58;
	v26 =	vadd.f32 v63, v26;
	v34 =	vadd.f32 v62, v34  }
0xea: {  	v25 =	vsel vm2, v25, v27;
	v58 =	vmul.f32 v48, v5;
	v36 =	vadd.f32 v41, v36  }
0xeb: {  	v24 =	vadd.f32 v55, v33;
	v30 =	vperm.xlane v28, v1;
	v34 =	vadd.f32 v44, v34  }
0xec: {  	v53 =	vld [tilespmem:s16+$0x920];
	v41 =	vmul.f32 v42, v42;
	v55 =	vperm.xlane v31, v0;
	v21 =	vadd.f32 v60, v21  }
0xed: {  	v50 =	vperm.xlane v25, v1;
	v62 =	vmul.f32 v39, v39;
	v34 =	vadd.f32 v47, v34  }
0xee: {  	v60 =	vmul.f32 v48, v48;
	v36 =	vadd.f32 v45, v36;
	v21 =	vsel vm0, v21, v26  }
0xef: {  	v51 =	vld [tilespmem:s16+$0x910];
	v42 =	vadd.f32 v30, v28;
	v45 =	vperm.xlane v21, v2;
	v56 =	vperm.xlane v34, v0  }
0xf0: {  	v49 =	vld [tilespmem:s16+$0x970];
	v25 =	vadd.f32 v50, v25;
	v61 =	vadd.f32 v52, v36;
	v47 =	vperm.xlane v23, v0  }
0xf1: {  	v38 =	vmul.f32 v53, v7;
	v21 =	vadd.f32 v45, v21;
	v45 =	vld [tilespmem:s16+$0x960];
	v59 =	vadd.f32 v56, v34  }
0xf2: {  	v40 =	vmul.f32 v53, v53;
	v50 =	vld [tilespmem:s16+$0xD40];
	v26 =	vadd.f32 v46, v22;
	v23 =	vadd.f32 v47, v23  }
0xf3: {  	v34 =	vadd.f32 v62, v61;
	v56 =	vperm.xlane v43, v0;
	v24 =	vsel vm2, v24, v59  }
0xf4: {  	v53 =	vld [tilespmem:s16+$0xD00];
	v23 =	vsel vm2, v26, v23;
	v61 =	vmul.f32 v51, v51;
	v32 =	vperm.xlane v24, v1  }
0xf5: {  	v62 =	vld [tilespmem:s16+$0x940];
	v47 =	vperm.xlane v23, v1;
	v44 =	vadd.f32 v41, v34;
	v59 =	vmul.f32 v51, v6  }
0xf6: {  	v27 =	vadd.f32 v56, v43;
	v56 =	vmul.f32 v45, v45;
	v24 =	vadd.f32 v32, v24  }
0xf7: {  	v57 =	vld [tilespmem:s16+$0x930];
	v39 =	vadd.f32 v61, v60;
	v61 =	vmul.f32 v49, v49;
	v34 =	vmul.f32 v50, v50  }
0xf8: {  	v41 =	vld [tilespmem:s16+$0x950];
	v23 =	vadd.f32 v47, v23;
	v63 =	vperm.xlane v44, v0;
	v24 =	vsel vm0, v42, v24  }
0xf9: {  	v60 =	vld [tilespmem:s16+$0xD20];
	v43 =	vadd.f32 v40, v39;
	v40 =	vmul.f32 v53, v13;
	v52 =	vperm.xlane v24, v2  }
0xfa: {  	v26 =	vadd.f32 v55, v31;
	v46 =	vmul.f32 v62, v9;
	v48 =	vmul.f32 v62, v62  }
0xfb: {  	v23 =	vsel vm0, v23, v25;
	v30 =	vadd.f32 v63, v44;
	v22 =	vadd.f32 v52, v24  }
0xfc: {  	v62 =	vld [tilespmem:s16+$0xD30];
	v44 =	vmul.f32 v57, v57;
	v24 =	vadd.f32 v54, v29;
	v29 =	vadd.f32 v59, v58  }
0xfd: {  	v42 =	vmul.f32 v57, v8;
	v51 =	vmul.f32 v41, v10;
	v27 =	vsel vm2, v27, v30  }
0xfe: {  	v30 =	vmul.f32 v60, v60;
	v63 =	vperm.xlane v27, v1;
	v29 =	vadd.f32 v38, v29  }
0xff: {  	v57 =	vld [tilespmem:s16+$0xD10];
	v52 =	vmul.f32 v41, v41;
	v24 =	vsel vm2, v24, v26;
	v26 =	vadd.f32 v44, v43  }
0x100: {  	v54 =	vmul.f32 v45, v11;
	v59 =	vmul.f32 v49, v12;
	v29 =	vadd.f32 v42, v29  }
0x101: {  	v41 =	vld [tilespmem:s16+$0x980];
	v49 =	vmul.f32 v60, v15;
	v33 =	vmul.f32 v62, v62;
	v26 =	vadd.f32 v48, v26  }
0x102: {  	v60 =	vmul.f32 v50, v17;
	v25 =	vadd.f32 v63, v27;
	v44 =	vld [tilespmem:s16+$0x990];
	v29 =	vadd.f32 v46, v29  }
0x103: {  	v43 =	vmul.f32 v53, v53;
	v55 =	vperm.xlane v24, v1;
	v48 =	vld [tilespmem:s16+$0x9A0];
	v26 =	vadd.f32 v52, v26  }
0x104: {  	v47 =	vmul.f32 v57, v57;
	v42 =	vperm.xlane v23, v2;
	v52 =	vld [tilespmem:s16+$0x9B0];
	v29 =	vadd.f32 v51, v29  }
0x105: {  	v24 =	vadd.f32 v55, v24;
	v46 =	vmul.f32 v57, v14;
	v57 =	vld [tilespmem:s16+$0xD50];
	v26 =	vadd.f32 v56, v26  }
0x106: {  	v53 =	vmul.f32 v41, v5;
	v55 =	vmul.f32 v41, v41;
	v58 =	vadd.f32 v54, v29  }
0x107: {  	v32 =	vmul.f32 v44, v44;
	v51 =	vmul.f32 v62, v16;
	v56 =	vld [tilespmem:s16+$0x9C0];
	v26 =	vadd.f32 v61, v26  }
0x108: {  	v31 =	vmul.f32 v48, v48;
	v54 =	vmul.f32 v44, v6;
	v29 =	vadd.f32 v59, v58;
	v59 =	vld [tilespmem:s16+$0x9D0]  }
0x109: {  	v61 =	vmul.f32 v52, v8;
	v62 =	vmul.f32 v52, v52;
	v26 =	vadd.f32 v43, v26;
	v43 =	vld [tilespmem:s16+$0x9F0]  }
0x10a: {  	v23 =	vadd.f32 v42, v23;
	v44 =	vmul.f32 v57, v18;
	v58 =	vmul.f32 v48, v7;
	v48 =	vld [tilespmem:s16+$0xD70]  }
0x10b: {  	v63 =	vld [tilespmem:s16+$0x9E0];
	v28 =	vmul.f32 v57, v57;
	v45 =	vadd.f32 v40, v29;
	v26 =	vadd.f32 v47, v26  }
0x10c: {  	v41 =	vmul.f32 v56, v9;
	v42 =	vmul.f32 v56, v56;
	v29 =	vadd.f32 v54, v53;
	v40 =	vld [tilespmem:s16+$0xD60]  }
0x10d: {  	v47 =	vld [tilespmem:s16+$0xD80];
	v27 =	vadd.f32 v46, v45;
	v26 =	vadd.f32 v30, v26;
	v45 =	vmul.f32 v59, v10  }
0x10e: {  	v30 =	vadd.f32 v32, v55;
	v46 =	vmul.f32 v59, v59;
	v54 =	vmul.f32 v43, v12  }
0x10f: {  	v29 =	vadd.f32 v58, v29;
	v55 =	vmul.f32 v43, v43;
	v36 =	vmul.f32 v48, v48  }
0x110: {  	v52 =	vld [tilespmem:s16+$0xD90];
	v27 =	vadd.f32 v49, v27;
	v30 =	vadd.f32 v31, v30;
	v49 =	vmul.f32 v63, v11  }
0x111: {  	v58 =	vld [tilespmem:s16+$0xA00];
	v29 =	vadd.f32 v61, v29;
	v61 =	vmul.f32 v48, v20;
	v53 =	vmul.f32 v40, v19  }
0x112: {  	v56 =	vld [tilespmem:s16+$0xDA0];
	v26 =	vadd.f32 v33, v26;
	v33 =	vmul.f32 v40, v40;
	v57 =	vmul.f32 v47, v13  }
0x113: {  	v43 =	vld [tilespmem:s16+$0xA20];
	v59 =	vmul.f32 v47, v47;
	v27 =	vadd.f32 v51, v27;
	v30 =	vadd.f32 v62, v30  }
0x114: {  	v47 =	vld [tilespmem:s16+$0xDC0];
	v26 =	vadd.f32 v34, v26;
	v29 =	vadd.f32 v41, v29;
	v51 =	vmul.f32 v63, v63  }
0x115: {  	v62 =	vmul.f32 v52, v14;
	v63 =	vld [tilespmem:s16+$0xDB0];
	v27 =	vadd.f32 v60, v27;
	v30 =	vadd.f32 v42, v30  }
0x116: {  	v48 =	vmul.f32 v58, v5;
	v29 =	vadd.f32 v45, v29;
	v26 =	vadd.f32 v28, v26  }
0x117: {  	v60 =	vld [tilespmem:s16+$0xA10];
	v42 =	vmul.f32 v52, v52;
	v45 =	vmul.f32 v56, v56;
	v27 =	vadd.f32 v44, v27  }
0x118: {  	v31 =	vmul.f32 v43, v43;
	v50 =	vadd.f32 v46, v30;
	v29 =	vadd.f32 v49, v29  }
0x119: {  	v26 =	vadd.f32 v33, v26;
	v44 =	vmul.f32 v56, v15;
	v33 =	vmul.f32 v47, v47  }
0x11a: {  	v46 =	vld [tilespmem:s16+$0xA30];
	v52 =	vmul.f32 v63, v16;
	v28 =	vadd.f32 v51, v50;
	v27 =	vadd.f32 v53, v27  }
0x11b: {  	v29 =	vadd.f32 v54, v29;
	v26 =	vadd.f32 v36, v26;
	v50 =	vmul.f32 v58, v58;
	v51 =	vld [tilespmem:s16+$0xA40]  }
0x11c: {  	v54 =	vld [tilespmem:s16+$0xA50];
	v49 =	vmul.f32 v60, v6;
	v32 =	vmul.f32 v60, v60;
	v28 =	vadd.f32 v55, v28  }
0x11d: {  	v38 =	vmul.f32 v63, v63;
	v58 =	vld [tilespmem:s16+$0xA60];
	v29 =	vadd.f32 v57, v29;
	v27 =	vadd.f32 v61, v27  }
0x11e: {  	v63 =	vld [tilespmem:s16+$0xDE0];
	v53 =	vmul.f32 v43, v7;
	v35 =	vadd.f32 v49, v48;
	v30 =	vadd.f32 v32, v50  }
0x11f: {  	v56 =	vmul.f32 v46, v8;
	v57 =	vmul.f32 v46, v46;
	v28 =	vadd.f32 v59, v28  }
0x120: {  	v55 =	vld [tilespmem:s16+$0xDD0];
	v29 =	vadd.f32 v62, v29;
	v59 =	vmul.f32 v47, v17;
	v60 =	vmul.f32 v51, v9  }
0x121: {  	v48 =	vld [tilespmem:s16+$0xE10];
	v35 =	vadd.f32 v53, v35;
	v61 =	vmul.f32 v51, v51;
	v43 =	vmul.f32 v54, v54  }
0x122: {  	v62 =	vld [tilespmem:s16+$0xA70];
	v30 =	vadd.f32 v31, v30;
	v46 =	vmul.f32 v58, v11;
	v47 =	vmul.f32 v58, v58  }
0x123: {  	v49 =	vld [tilespmem:s16+$0xDF0];
	v53 =	vmul.f32 v63, v19;
	v28 =	vadd.f32 v42, v28;
	v29 =	vadd.f32 v44, v29  }
0x124: {  	v42 =	vmul.f32 v54, v10;
	v35 =	vadd.f32 v56, v35;
	v30 =	vadd.f32 v57, v30  }
0x125: {  	v44 =	vld [tilespmem:s16+$0xE00];
	v39 =	vmul.f32 v55, v55;
	v28 =	vadd.f32 v45, v28;
	v29 =	vadd.f32 v52, v29  }
0x126: {  	v56 =	vld [tilespmem:s16+$0xE30];
	v45 =	vmul.f32 v55, v18;
	v57 =	vmul.f32 v48, v14;
	v35 =	vadd.f32 v60, v35  }
0x127: {  	v52 =	vld [tilespmem:s16+$0xE20];
	v30 =	vadd.f32 v61, v30;
	v50 =	vmul.f32 v62, v12;
	v51 =	vmul.f32 v62, v62  }
0x128: {  	v61 =	vmul.f32 v49, v20;
	v28 =	vadd.f32 v38, v28;
	v29 =	vadd.f32 v59, v29  }
0x129: {  	v58 =	vld [tilespmem:s16+$0xA80];
	v38 =	vmul.f32 v63, v63;
	v59 =	vmul.f32 v48, v48;
	v35 =	vadd.f32 v42, v35  }
0x12a: {  	v60 =	vld [tilespmem:s16+$0xA90];
	v30 =	vadd.f32 v43, v30;
	v54 =	vmul.f32 v44, v13;
	v55 =	vmul.f32 v44, v44  }
0x12b: {  	v28 =	vadd.f32 v33, v28;
	v29 =	vadd.f32 v45, v29;
	v33 =	vmul.f32 v49, v49  }
0x12c: {  	v63 =	vld [tilespmem:s16+$0xE40];
	v45 =	vmul.f32 v56, v16;
	v35 =	vadd.f32 v46, v35;
	v62 =	vmul.f32 v52, v15  }
0x12d: {  	v44 =	vld [tilespmem:s16+$0xAA0];
	v30 =	vadd.f32 v47, v30;
	v43 =	vmul.f32 v52, v52;
	v46 =	vmul.f32 v56, v56  }
0x12e: {  	v49 =	vld [tilespmem:s16+$0xE50];
	v52 =	vmul.f32 v58, v58;
	v28 =	vadd.f32 v39, v28;
	v29 =	vadd.f32 v53, v29  }
0x12f: {  	v47 =	vld [tilespmem:s16+$0xAB0];
	v34 =	vmul.f32 v60, v60;
	v35 =	vadd.f32 v50, v35;
	v30 =	vadd.f32 v51, v30  }
0x130: {  	v53 =	vld [tilespmem:s16+$0xAC0];
	v50 =	vmul.f32 v58, v5;
	v51 =	vmul.f32 v60, v6;
	v28 =	vadd.f32 v38, v28  }
0x131: {  	v40 =	vmul.f32 v63, v63;
	v58 =	vld [tilespmem:s16+$0xE60];
	v29 =	vadd.f32 v61, v29;
	v31 =	vadd.f32 v34, v52  }
0x132: {  	v60 =	vld [tilespmem:s16+$0xAE0];
	v56 =	vmul.f32 v44, v44;
	v35 =	vadd.f32 v54, v35;
	v30 =	vadd.f32 v55, v30  }
0x133: {  	v54 =	vmul.f32 v63, v17;
	v36 =	vadd.f32 v51, v50;
	v55 =	vmul.f32 v44, v7  }
0x134: {  	v52 =	vld [tilespmem:s16+$0xE90];
	v61 =	vmul.f32 v49, v18;
	v28 =	vadd.f32 v33, v28;
	v31 =	vadd.f32 v56, v31  }
0x135: {  	v44 =	vld [tilespmem:s16+$0xAF0];
	v32 =	vmul.f32 v47, v47;
	v35 =	vadd.f32 v57, v35;
	v30 =	vadd.f32 v59, v30  }
0x136: {  	v36 =	vadd.f32 v55, v36;
	v59 =	vmul.f32 v47, v8;
	v63 =	vmul.f32 v53, v53  }
0x137: {  	v57 =	vld [tilespmem:s16+$0xAD0];
	v31 =	vadd.f32 v32, v31;
	v50 =	vmul.f32 v60, v11;
	v41 =	vmul.f32 v58, v58  }
0x138: {  	v51 =	vmul.f32 v60, v60;
	v35 =	vadd.f32 v62, v35;
	v30 =	vadd.f32 v43, v30  }
0x139: {  	v56 =	vld [tilespmem:s16+$0xEB0];
	v36 =	vadd.f32 v59, v36;
	v62 =	vmul.f32 v53, v9;
	v34 =	vmul.f32 v52, v52  }
0x13a: {  	v59 =	vld [tilespmem:s16+$0xB00];
	v31 =	vadd.f32 v63, v31;
	v53 =	vmul.f32 v44, v12;
	v55 =	vmul.f32 v44, v44  }
0x13b: {  	v48 =	vadd.f32 v45, v35;
	v30 =	vadd.f32 v46, v30;
	v35 =	vmul.f32 v49, v49;
	v45 =	vld [tilespmem:s16+$0xE70]  }
0x13c: {  	v36 =	vadd.f32 v62, v36;
	v49 =	vmul.f32 v58, v19;
	v46 =	vmul.f32 v57, v10  }
0x13d: {  	v60 =	vld [tilespmem:s16+$0xB10];
	v62 =	vmul.f32 v52, v14;
	v47 =	vmul.f32 v57, v57;
	v33 =	vadd.f32 v54, v48  }
0x13e: {  	v39 =	vmul.f32 v56, v56;
	v30 =	vadd.f32 v40, v30;
	v48 =	vld [tilespmem:s16+$0xE80];
	v36 =	vadd.f32 v46, v36  }
0x13f: {  	v54 =	vld [tilespmem:s16+$0xEA0];
	v31 =	vadd.f32 v47, v31;
	v52 =	vmul.f32 v59, v59;
	v33 =	vadd.f32 v61, v33  }
0x140: {  	v30 =	vadd.f32 v35, v30;
	v36 =	vadd.f32 v50, v36;
	v57 =	vmul.f32 v45, v20  }
0x141: {  	v63 =	vld [tilespmem:s16+$0xB20];
	v31 =	vadd.f32 v51, v31;
	v40 =	vmul.f32 v45, v45;
	v50 =	vmul.f32 v59, v5  }
0x142: {  	v47 =	vld [tilespmem:s16+$0xEC0];
	v51 =	vmul.f32 v60, v6;
	v33 =	vadd.f32 v49, v33;
	v30 =	vadd.f32 v41, v30  }
0x143: {  	v36 =	vadd.f32 v53, v36;
	v58 =	vmul.f32 v48, v13;
	v35 =	vmul.f32 v48, v48  }
0x144: {  	v49 =	vld [tilespmem:s16+$0xB30];
	v32 =	vadd.f32 v55, v31;
	v45 =	vmul.f32 v54, v15;
	v46 =	vmul.f32 v54, v54  }
0x145: {  	v48 =	vmul.f32 v56, v16;
	v53 =	vmul.f32 v60, v60;
	v54 =	vld [tilespmem:s16+$0xB40];
	v31 =	vadd.f32 v57, v33  }
0x146: {  	v55 =	vld [tilespmem:s16+$0xED0];
	v56 =	vmul.f32 v63, v7;
	v30 =	vadd.f32 v40, v30;
	v61 =	vadd.f32 v58, v36  }
0x147: {  	v57 =	vld [tilespmem:s16+$0xB50];
	v38 =	vmul.f32 v47, v47;
	v32 =	vadd.f32 v35, v32;
	v36 =	vadd.f32 v51, v50  }
0x148: {  	v37 =	vadd.f32 v53, v52;
	v35 =	vmul.f32 v63, v63;
	v50 =	vld [tilespmem:s16+$0xF00];
	v33 =	vadd.f32 v62, v61  }
0x149: {  	v58 =	vmul.f32 v47, v17;
	v51 =	vld [tilespmem:s16+$0xEF0];
	v32 =	vadd.f32 v34, v32;
	v36 =	vadd.f32 v56, v36  }
0x14a: {  	v59 =	vmul.f32 v49, v8;
	v35 =	vadd.f32 v35, v37;
	v60 =	vmul.f32 v49, v49  }
0x14b: {  	v61 =	vld [tilespmem:s16+$0xB60];
	v63 =	vmul.f32 v54, v9;
	v47 =	vmul.f32 v55, v18;
	v33 =	vadd.f32 v45, v33  }
0x14c: {  	v62 =	vld [tilespmem:s16+$0xEE0];
	v34 =	vmul.f32 v55, v55;
	v32 =	vadd.f32 v46, v32;
	v36 =	vadd.f32 v59, v36  }
0x14d: {  	v35 =	vadd.f32 v60, v35;
	v45 =	vmul.f32 v54, v54;
	v49 =	vmul.f32 v57, v57  }
0x14e: {  	v55 =	vld [tilespmem:s16+$0xF10];
	v60 =	vmul.f32 v50, v13;
	v43 =	vmul.f32 v51, v51;
	v33 =	vadd.f32 v48, v33  }
0x14f: {  	v46 =	vld [tilespmem:s16+$0xB70];
	v32 =	vadd.f32 v39, v32;
	v36 =	vadd.f32 v63, v36;
	v48 =	vmul.f32 v57, v10  }
0x150: {  	v35 =	vadd.f32 v45, v35;
	v52 =	vmul.f32 v61, v11;
	v54 =	vmul.f32 v61, v61  }
0x151: {  	v59 =	vld [tilespmem:s16+$0xF20];
	v56 =	vmul.f32 v62, v19;
	v42 =	vmul.f32 v62, v62;
	v33 =	vadd.f32 v58, v33  }
0x152: {  	v63 =	vld [tilespmem:s16+$0xB90];
	v62 =	vmul.f32 v50, v50;
	v32 =	vadd.f32 v38, v32;
	v36 =	vadd.f32 v48, v36  }
0x153: {  	v61 =	vld [tilespmem:s16+$0xB80];
	v53 =	vadd.f32 v49, v35;
	v48 =	vmul.f32 v51, v20;
	v49 =	vmul.f32 v55, v14  }
0x154: {  	v50 =	vld [tilespmem:s16+$0xF30];
	v51 =	vmul.f32 v55, v55;
	v57 =	vmul.f32 v46, v12;
	v33 =	vadd.f32 v47, v33  }
0x155: {  	v58 =	vmul.f32 v46, v46;
	v32 =	vadd.f32 v34, v32;
	v36 =	vadd.f32 v52, v36  }
0x156: {  	v55 =	vld [tilespmem:s16+$0xBB0];
	v34 =	vadd.f32 v54, v53;
	v53 =	vmul.f32 v59, v15;
	v54 =	vmul.f32 v59, v59  }
0x157: {  	v52 =	vld [tilespmem:s16+$0xBA0];
	v39 =	vmul.f32 v63, v63;
	v33 =	vadd.f32 v56, v33;
	v36 =	vadd.f32 v57, v36  }
0x158: {  	v34 =	vadd.f32 v58, v34;
	v57 =	vmul.f32 v61, v5;
	v58 =	vmul.f32 v63, v6  }
0x159: {  	v32 =	vadd.f32 v42, v32;
	v56 =	vld [tilespmem:s16+$0xF40];
	v59 =	vmul.f32 v61, v61;
	v61 =	vmul.f32 v50, v16  }
0x15a: {  	v44 =	vmul.f32 v50, v50;
	v63 =	vld [tilespmem:s16+$0xBD0];
	v36 =	vadd.f32 v60, v36;
	v34 =	vadd.f32 v62, v34  }
0x15b: {  	v50 =	vmul.f32 v55, v55;
	v33 =	vadd.f32 v48, v33;
	v32 =	vadd.f32 v43, v32  }
0x15c: {  	v60 =	vld [tilespmem:s16+$0xBC0];
	v42 =	vadd.f32 v58, v57;
	v35 =	vadd.f32 v39, v59;
	v62 =	vmul.f32 v52, v7  }
0x15d: {  	v48 =	vld [tilespmem:s16+$0xF50];
	v37 =	vmul.f32 v52, v52;
	v36 =	vadd.f32 v49, v36;
	v34 =	vadd.f32 v51, v34  }
0x15e: {  	v49 =	vmul.f32 v55, v8;
	v51 =	vld [tilespmem:s16+$0xBE0];
	v42 =	vadd.f32 v62, v42;
	v52 =	vmul.f32 v56, v17  }
0x15f: {  	v55 =	vld [tilespmem:s16+$0xBF0];
	v35 =	vadd.f32 v37, v35;
	v40 =	vmul.f32 v56, v56;
	v57 =	vmul.f32 v63, v10  }
0x160: {  	v59 =	vld [tilespmem:s16+$0xF80];
	v58 =	vmul.f32 v63, v63;
	v36 =	vadd.f32 v53, v36;
	v34 =	vadd.f32 v54, v34  }
0x161: {  	v56 =	vld [tilespmem:s16+$0xF60];
	v42 =	vadd.f32 v49, v42;
	v53 =	vmul.f32 v60, v9;
	v54 =	vmul.f32 v60, v60  }
0x162: {  	v63 =	vld [tilespmem:s16+$0xF90];
	v35 =	vadd.f32 v50, v35;
	v60 =	vmul.f32 v48, v18;
	v45 =	vmul.f32 v48, v48  }
0x163: {  	v36 =	vadd.f32 v61, v36;
	v34 =	vadd.f32 v44, v34;
	v61 =	vmul.f32 v51, v11  }
0x164: {  	v48 =	vld [tilespmem:s16+$0xF70];
	v42 =	vadd.f32 v53, v42;
	v62 =	vmul.f32 v51, v51;
	v49 =	vmul.f32 v55, v12  }
0x165: {  	v35 =	vadd.f32 v54, v35;
	v50 =	vmul.f32 v55, v55;
	v53 =	vmul.f32 v59, v13  }
0x166: {  	v51 =	vld [tilespmem:s16+$0xFA0];
	v54 =	vmul.f32 v59, v59;
	v36 =	vadd.f32 v52, v36;
	v52 =	vmul.f32 v56, v19  }
0x167: {  	v55 =	vld [tilespmem:s16+$0xFB0];
	v34 =	vadd.f32 v40, v34;
	v44 =	vmul.f32 v56, v56;
	v56 =	vmul.f32 v63, v14  }
0x168: {  	v59 =	vld [tilespmem:s16+$0xFD0];
	v42 =	vadd.f32 v57, v42;
	v35 =	vadd.f32 v58, v35;
	v58 =	vmul.f32 v63, v63  }
0x169: {  	v57 =	vld [tilespmem:s16+$0xFC0];
	v36 =	vadd.f32 v60, v36;
	v34 =	vadd.f32 v45, v34;
	v60 =	vmul.f32 v48, v20  }
0x16a: {  	v63 =	vld [tilespmem:s16+$0xC10];
	v40 =	vmul.f32 v48, v48;
	v42 =	vadd.f32 v61, v42;
	v35 =	vadd.f32 v62, v35  }
0x16b: {  	v36 =	vadd.f32 v52, v36;
	v61 =	vmul.f32 v51, v15;
	v41 =	vmul.f32 v51, v51  }
0x16c: {  	v62 =	vld [tilespmem:s16+$0xC00];
	v39 =	vmul.f32 v55, v55;
	v42 =	vadd.f32 v49, v42;
	v35 =	vadd.f32 v50, v35  }
0x16d: {  	v34 =	vadd.f32 v44, v34;
	v38 =	vmul.f32 v59, v59;
	v49 =	vmul.f32 v55, v16  }
0x16e: {  	v50 =	vld [tilespmem:s16+$0xC20];
	v51 =	vmul.f32 v57, v17;
	v42 =	vadd.f32 v53, v42;
	v35 =	vadd.f32 v54, v35  }
0x16f: {  	v55 =	vld [tilespmem:s16+$0xC30];
	v34 =	vadd.f32 v40, v34;
	v52 =	vmul.f32 v57, v57;
	v57 =	vmul.f32 v63, v6  }
0x170: {  	v53 =	vld [tilespmem:s16+$0xFE0];
	v54 =	vmul.f32 v59, v18;
	v42 =	vadd.f32 v56, v42;
	v37 =	vadd.f32 v58, v35  }
0x171: {  	v59 =	vmul.f32 v63, v63;
	v63 =	vld [tilespmem:s16+$0xC50];
	v35 =	vadd.f32 v60, v36;
	v58 =	vmul.f32 v62, v62  }
0x172: {  	v60 =	vld [tilespmem:s16+$0xC40];
	v48 =	vadd.f32 v61, v42;
	v37 =	vadd.f32 v41, v37  }
0x173: {  	v56 =	vmul.f32 v62, v5;
	v40 =	vmul.f32 v50, v50;
	v62 =	vadd.f32 v59, v58  }
0x174: {  	v61 =	vmul.f32 v50, v7;
	v58 =	vld [tilespmem:s16+$0x1000];
	v36 =	vadd.f32 v49, v48;
	v37 =	vadd.f32 v39, v37  }
0x175: {  	v41 =	vadd.f32 v57, v56;
	v50 =	vmul.f32 v53, v19;
	v43 =	vmul.f32 v53, v53;
	v53 =	vld [tilespmem:s16+$0xC60]  }
0x176: {  	v42 =	vmul.f32 v63, v63;
	v39 =	vld [tilespmem:s16+$0xFF0];
	v36 =	vadd.f32 v51, v36;
	v37 =	vadd.f32 v52, v37  }
0x177: {  	v41 =	vadd.f32 v61, v41;
	v57 =	vmul.f32 v60, v60;
	v51 =	vmul.f32 v55, v8  }
0x178: {  	v48 =	vld [tilespmem:s16+$0xC80];
	v52 =	vmul.f32 v55, v55;
	v36 =	vadd.f32 v54, v36;
	v37 =	vadd.f32 v38, v37  }
0x179: {  	v55 =	vld [tilespmem:s16+$0xC70];
	v38 =	vadd.f32 v40, v62;
	v54 =	vmul.f32 v60, v9;
	v60 =	vmul.f32 v63, v10  }
0x17a: {  	v49 =	vld [tilespmem:s16+$0xC90];
	v41 =	vadd.f32 v51, v41;
	v61 =	vmul.f32 v53, v11;
	v62 =	vmul.f32 v53, v53  }
0x17b: {  	v40 =	vmul.f32 v58, v58;
	v59 =	vmul.f32 v39, v20;
	v36 =	vadd.f32 v50, v36  }
0x17c: {  	v63 =	vld [tilespmem:s16+$0xCA0];
	v39 =	vmul.f32 v39, v39;
	v43 =	vadd.f32 v43, v37;
	v56 =	vadd.f32 v52, v38  }
0x17d: {  	v41 =	vadd.f32 v54, v41;
	v52 =	vmul.f32 v58, v13;
	v54 =	vmul.f32 v48, v5  }
0x17e: {  	v53 =	vld [tilespmem:s16+$0xCB0];
	v50 =	vmul.f32 v55, v12;
	v51 =	vmul.f32 v55, v55;
	v38 =	vadd.f32 v57, v56  }
0x17f: {  	v55 =	vmul.f32 v49, v6;
	v37 =	vadd.f32 v59, v36;
	v41 =	vadd.f32 v60, v41  }
0x180: {  	v58 =	vld [tilespmem:s16+$0xCC0];
	v36 =	vadd.f32 v39, v43;
	v56 =	vmul.f32 v48, v48;
	v57 =	vmul.f32 v49, v49  }
0x181: {  	v45 =	vld [tilespmem:s16+$0x1010];
	v43 =	vadd.f32 v55, v54;
	v59 =	vmul.f32 v63, v7;
	v38 =	vadd.f32 v42, v38  }
0x182: {  	v41 =	vadd.f32 v61, v41;
	v60 =	vadd.f32 v57, v56  }
0x183: {  	v42 =	vmul.f32 v63, v63;
	v61 =	vld [tilespmem:s16+$0xCD0];
	v63 =	vmul.f32 v53, v8;
	v43 =	vadd.f32 v59, v43  }
0x184: {  	v56 =	vld [tilespmem:s16+$0xCF0];
	v38 =	vadd.f32 v62, v38;
	v41 =	vadd.f32 v50, v41  }
0x185: {  	v48 =	vld [tilespmem:s16+$0x1030];
	v54 =	vmul.f32 v58, v9;
	v55 =	vmul.f32 v58, v58;
	v43 =	vadd.f32 v63, v43  }
0x186: {  	v62 =	vmul.f32 v45, v14;
	v38 =	vadd.f32 v51, v38;
	v39 =	vadd.f32 v52, v41;
	v41 =	vld [tilespmem:s16+$0x1020]  }
0x187: {  	v45 =	vmul.f32 v45, v45;
	v52 =	vmul.f32 v53, v53;
	v53 =	vld [tilespmem:s16+$0xCE0];
	v43 =	vadd.f32 v54, v43  }
0x188: {  	v58 =	vmul.f32 v61, v10;
	v38 =	vadd.f32 v40, v38;
	v40 =	vadd.f32 v42, v60  }
0x189: {  	v59 =	vmul.f32 v61, v61;
	v54 =	vmul.f32 v56, v56;
	v39 =	vadd.f32 v62, v39;
	v60 =	vld [tilespmem:s16+$0x1080]  }
0x18a: {  	v40 =	vadd.f32 v52, v40;
	v52 =	vmul.f32 v48, v16;
	v48 =	vmul.f32 v48, v48  }
0x18b: {  	v49 =	vld [tilespmem:s16+$0x1040];
	v43 =	vadd.f32 v58, v43;
	v57 =	vmul.f32 v41, v15;
	v41 =	vmul.f32 v41, v41  }
0x18c: {  	v63 =	vld [tilespmem:s16+$0x1090];
	v38 =	vadd.f32 v45, v38;
	v61 =	vmul.f32 v53, v11;
	v62 =	vmul.f32 v53, v53  }
0x18d: {  	v46 =	vld [tilespmem:s16+$0x1050];
	v53 =	vmul.f32 v56, v12;
	v40 =	vadd.f32 v55, v40;
	v39 =	vadd.f32 v57, v39  }
0x18e: {  	v55 =	vld [tilespmem:s16+$0x10A0];
	v38 =	vadd.f32 v41, v38;
	v43 =	vadd.f32 v61, v43;
	v56 =	vmul.f32 v60, v13  }
0x18f: {  	v58 =	vld [tilespmem:s16+$0x10B0];
	v57 =	vmul.f32 v60, v60;
	v40 =	vadd.f32 v59, v40;
	v39 =	vadd.f32 v52, v39  }
0x190: {  	v59 =	vmul.f32 v49, v17;
	v43 =	vadd.f32 v53, v43;
	v38 =	vadd.f32 v48, v38;
	v48 =	vld [tilespmem:s16+$0x1060]  }
0x191: {  	v60 =	vmul.f32 v63, v14;
	v49 =	vmul.f32 v49, v49;
	v53 =	vld [tilespmem:s16+$0x10D0];
	v40 =	vadd.f32 v62, v40  }
0x192: {  	v61 =	vmul.f32 v63, v63;
	v62 =	vld [tilespmem:s16+$0x10C0];
	v43 =	vadd.f32 v56, v43;
	v39 =	vadd.f32 v59, v39  }
0x193: {  	v63 =	vmul.f32 v55, v15;
	v38 =	vadd.f32 v49, v38;
	v52 =	vmul.f32 v55, v55  }
0x194: {  	v55 =	vmul.f32 v58, v16;
	v40 =	vadd.f32 v54, v40;
	v54 =	vmul.f32 v46, v18  }
0x195: {  	v56 =	vmul.f32 v58, v58;
	v59 =	vld [tilespmem:s16+$0x1070];
	v46 =	vmul.f32 v46, v46;
	v43 =	vadd.f32 v60, v43  }
0x196: {  	v40 =	vadd.f32 v57, v40;
	v39 =	vadd.f32 v54, v39;
	v50 =	vmul.f32 v48, v48  }
0x197: {  	v57 =	vld [tilespmem:s16+$0x10E0];
	v38 =	vadd.f32 v46, v38;
	v45 =	vmul.f32 v53, v53;
	v58 =	vmul.f32 v62, v17  }
0x198: {  	v43 =	vadd.f32 v63, v43;
	v60 =	vmul.f32 v62, v62;
	v62 =	vmul.f32 v53, v18  }
0x199: {  	v40 =	vadd.f32 v61, v40;
	v61 =	vmul.f32 v48, v19;
	v38 =	vadd.f32 v50, v38  }
0x19a: {  	v63 =	vld [tilespmem:s16+$0x10F0];
	v54 =	vmul.f32 v59, v20;
	v43 =	vadd.f32 v55, v43;
	v55 =	vmul.f32 v59, v59  }
0x19b: {  	v59 =	vperm.xlane v29, v0;
	v40 =	vadd.f32 v52, v40;
	v39 =	vadd.f32 v61, v39  }
0x19c: {  	v61 =	vperm.xlane v33, v0;
	v43 =	vadd.f32 v58, v43;
	v52 =	vmul.f32 v57, v19  }
0x19d: {  	v53 =	vmul.f32 v57, v57;
	v38 =	vadd.f32 v55, v38;
	v58 =	vperm.xlane v27, v0  }
0x19e: {  	v29 =	vadd.f32 v59, v29;
	v55 =	vperm.xlane v26, v0;
	v59 =	vperm.xlane v34, v0  }
0x19f: {  	v40 =	vadd.f32 v56, v40;
	v56 =	vmul.f32 v63, v20;
	v57 =	vmul.f32 v63, v63  }
0x1a0: {  	v39 =	vadd.f32 v54, v39;
	v63 =	vperm.xlane v37, v0;
	v33 =	vadd.f32 v61, v33  }
0x1a1: {  	v51 =	vadd.f32 v62, v43;
	v27 =	vadd.f32 v58, v27;
	v62 =	vperm.xlane v35, v0  }
0x1a2: {  	v26 =	vadd.f32 v55, v26;
	v58 =	vperm.xlane v32, v0;
	v34 =	vadd.f32 v59, v34  }
0x1a3: {  	v40 =	vadd.f32 v60, v40;
	v60 =	vperm.xlane v31, v0;
	v37 =	vadd.f32 v63, v37  }
0x1a4: {  	v47 =	vperm.xlane v39, v0;
	v42 =	vadd.f32 v52, v51;
	v35 =	vadd.f32 v62, v35  }
0x1a5: {  	v61 =	vperm.xlane v38, v0;
	v32 =	vadd.f32 v58, v32;
	v40 =	vadd.f32 v45, v40  }
0x1a6: {  	v27 =	vsel vm2, v27, v29;
	v31 =	vadd.f32 v60, v31;
	v51 =	vadd.f32 v47, v39  }
0x1a7: {  	v52 =	vperm.xlane v27, v1;
	v60 =	vperm.xlane v36, v0;
	v41 =	vadd.f32 v56, v42  }
0x1a8: {  	v50 =	vsel vm2, v35, v37;
	v56 =	vperm.xlane v28, v0;
	v40 =	vadd.f32 v53, v40  }
0x1a9: {  	v37 =	vadd.f32 v61, v38;
	v48 =	vsel vm2, v31, v33;
	v27 =	vadd.f32 v52, v27  }
0x1aa: {  	v54 =	vperm.xlane v50, v1;
	v63 =	vadd.f32 v60, v36;
	v40 =	vadd.f32 v57, v40  }
0x1ab: {  	v49 =	vperm.xlane v41, v0;
	v53 =	vperm.xlane v48, v1;
	v28 =	vadd.f32 v56, v28  }
0x1ac: {  	v33 =	vadd.f32 v54, v50;
	v57 =	vperm.xlane v30, v0;
	v62 =	vperm.xlane v40, v0  }
0x1ad: {  	v45 =	vsel vm2, v34, v63;
	v31 =	vadd.f32 v49, v41;
	v29 =	vadd.f32 v53, v48  }
0x1ae: {  	v26 =	vsel vm2, v26, v28;
	v30 =	vadd.f32 v57, v30;
	v43 =	vadd.f32 v62, v40  }
0x1af: {  	v49 =	vperm.xlane v45, v1;
	v47 =	vperm.xlane v26, v1;
	v31 =	vsel vm2, v51, v31  }
0x1b0: {  	v41 =	vperm.xlane v31, v1;
	v44 =	vsel vm2, v30, v32;
	v46 =	vsel vm2, v37, v43  }
0x1b1: {  	v52 =	vadd.f32 v49, v45;
	v48 =	vperm.xlane v44, v1;
	v37 =	vperm.xlane v46, v1  }
0x1b2: {  	v24 =	vsel vm0, v24, v25;
	v50 =	vadd.f32 v47, v26;
	v31 =	vadd.f32 v41, v31  }
0x1b3: {  	v27 =	vsel vm0, v27, v29;
	v51 =	vadd.f32 v48, v44;
	v53 =	vadd.f32 v37, v46  }
0x1b4: {  	v54 =	vperm.xlane v24, v2;
	v55 =	vperm.xlane v27, v2;
	v31 =	vsel vm0, v33, v31  }
0x1b5: {  	v33 =	vperm.xlane v31, v2;
	v25 =	vsel vm0, v50, v51;
	v56 =	vsel vm0, v52, v53  }
0x1b6: {  	v24 =	vadd.f32 v54, v24;
	v57 =	vperm.xlane v25, v2;
	v29 =	vperm.xlane v56, v2  }
0x1b7: {  	v27 =	vadd.f32 v55, v27;
	v58 =	vadd.f32 v33, v31  }
0x1b8: {  	v25 =	vadd.f32 v57, v25;
	v26 =	vadd.f32 v29, v56  }
0x1b9: {  	v21 =	vsel vm1, v21, v22;
	v22 =	vsel vm1, v23, v24;
	v23 =	vsel vm1, v27, v58  }
0x1ba: {  	v60 =	vperm.xlane v21, v3;
	v61 =	vperm.xlane v23, v3;
	v59 =	vsel vm1, v25, v26  }
0x1bb: {  	v62 =	vperm.xlane v22, v3;
	v63 =	vperm.xlane v59, v3  }
0x1bc: {  	v21 =	vadd.f32 v60, v21;
	v23 =	vadd.f32 v61, v23  }
0x1bd: {  	p1 =	por p0, p0;
	v22 =	vadd.f32 v62, v22;
	v24 =	vadd.f32 v63, v59  }
.Ltmp0:
0x1be: {  	v21 =	vsel vm3, v21, v23;
	(pc) =	sbr.rel @p1 .LBB2_2-.Ltmp0, $4  }
0x1bf: {  	v21 =	vperm.xlane v21, v4;
	v22 =	vsel vm3, v22, v24  }
0x1c0: {  	s31 =	sshll.u32 s15, $0x4;
	v22 =	vperm.xlane v22, v4  }
0x1c1: {  	[tilespmem:s31+$0x2100] =	vst v21  }
0x1c2: {  	s15 =	simm.s32 $0x1;
	p0 =	por $0x0, $0x0;
	[tilespmem:s31+$0x2180] =	vst v22  }
0x1c3: {  	[hbm4b:s5+s3] =	stream.linear.scatter [tilespmem:s11], [sflag:$0x1], $0x20, $0x38;
	[tilespmem:$0x2200] =	vst v63  }
0x1c4: {  	s14 =	sadd.s32 $0x1, s14  }
0x1c5: {  	[hbm4b:s6+s3] =	stream.linear.scatter [tilespmem:s12], [sflag:$0x2], $0x20, $0x38;
	[tilespmem:$0x2200] =	vst v63  }
0x1c6: {  	p0 =	sne.s32 s14, s7;
	_ =	swait.ge [sflag:s10], $0x20  }
.Ltmp1:
0x1c7: {  	[sflag:s10] =	ssyncset.done $0x0;
	(pc) =	sbr.rel @p0 .LBB2_1-.Ltmp1, $4  }
0x1c8: {  	[sflag:s10] =	ssyncadd.s32 $0xFFFFFFE0  }
0x1c9: {  	_ =	swait.ge [sflag:s13], $0x20  }
0x1ca: {  	[sflag:s13] =	ssyncset.done $0x0  }
0x1cb: {  	[sflag:s13] =	ssyncadd.s32 $0xFFFFFFE0  }
0x1cc: {  	_ =	sfence.sel $0x180000  }
0x1cd: {  	[bflag:$0x0] =	sbarrier.arrive $0xFFFF  }
0x1ce: {  	p0 =	sne.s32 s2, $0x0;
	_ =	strace $0x90000047  }
0x1cf: {  	s0 =	sadd.s32 @!p0 $0x100000, s1;
	[bflag:$0x2] =	sbarrier.arrive $0xFFFF  }
0x1d0: {  	[sflag:s0] =	ssyncadd.tile.s32 @!p0 $0x1;
	_ =	shalt  }
.Lfunc_end2:
_tile_overlayer_lowered:
.L_overlay_start_2:
0x1d1: {  	(tag) =	ssettag $0x2  }
0x1d2: {  	s0 =	rddreg [dreg:$0x0];
	s2 =	stileid.u32  }
0x1d3: {  	s1 =	rddreg [dreg:$0x1];
	p0 =	sne.s32 s2, $0x0  }
0x1d4: {  	s3 =	rddreg [dreg:$0x2];
	[bflag:$0x3] =	sbarrier.arrive $0xFFFF;
	s2 =	simm.s32 @!p0 $0x1C03  }
0x1d5: {  	[timem:s3], [sflag:s2] =	dma.local @!p0 [hbm:s0], s1  }
0x1d6: {  	s0 =	simm.s32 @!p0 $0x3  }
0x1d7: {  	_ =	swait.ge @!p0 [sflag:s0], s1  }
0x1d8: {  	s1 =	ssub.s32 @!p0 $0x0, s1;
	[sflag:s0] =	ssyncset.done @!p0 $0x0  }
0x1d9: {  	[sflag:s0] =	ssyncadd.s32 @!p0 s1  }
0x1da: {  	[bflag:$0x3] =	sbarrier.arrive $0xFFFF  }
0x1db: {  	_ =	shalt  }

</sc_bundles>
